<compile_context>
chip_gen: v7x
topology: tpu7x:2x2x1
jax: 0.10.2.dev20260603
libtpu: 0.0.44.dev20260713+nightly
codegen_flags: <defaults>
</compile_context>

<pallas_src>
import functools

import jax
import jax.numpy as jnp
from jax import lax
from jax.experimental import pallas as pl
from jax.experimental.pallas import tpu as pltpu
from jax.experimental.pallas import tpu_sc as plsc

_HID = 64
_LANES = 16
_NBUF = 4
_HALF = 2
_TPAD = 1


@functools.lru_cache(maxsize=None)
def _build(n_batch: int, seq: int, vocab: int):
  info = plsc.get_sparse_core_info()
  nw = info.num_cores * info.num_subcores
  chunk = seq
  n_chunks = n_batch // nw
  assert n_chunks % _NBUF == 0
  mesh = plsc.VectorSubcoreMesh(core_axis_name="c", subcore_axis_name="s")

  @functools.partial(
      pl.kernel,
      mesh=mesh,
      compiler_params=pltpu.CompilerParams(
          use_tc_tiling_on_sc=False, needs_layout_passes=False),
      out_type=jax.ShapeDtypeStruct((n_batch, _HID, seq), jnp.float32),
      scratch_types=[
          pltpu.VMEM((seq, _HID), jnp.float32),
          pltpu.VMEM((n_chunks, chunk), jnp.int32),
          pltpu.VMEM((_NBUF, chunk, _HID), jnp.float32),
          pltpu.VMEM((_NBUF, _HID, seq + _TPAD), jnp.float32),
      ] + [pltpu.SemaphoreType.DMA] * (2 * _NBUF),
  )
  def emb(idx_hbm, tok_hbm, pos_hbm, out_hbm, pos_v, idx_v, gat, obuf, *sems):
    sem_in = sems[:_NBUF]
    sem_out = sems[_NBUF:]
    wid = lax.axis_index("s") * info.num_cores + lax.axis_index("c")
    w_batch = wid * n_chunks
    pltpu.sync_copy(pos_hbm, pos_v)
    pltpu.sync_copy(idx_hbm.at[pl.ds(w_batch, n_chunks)], idx_v)

    iota = lax.iota(jnp.int32, _LANES)

    def gather(c, slot):
      return pltpu.make_async_copy(
          tok_hbm.at[idx_v.at[c]], gat.at[slot], sem_in[slot])

    def scatter(c, slot):
      return pltpu.make_async_copy(
          obuf.at[slot, :, pl.ds(0, seq)], out_hbm.at[w_batch + c],
          sem_out[slot])

    for b in range(_HALF):
      gather(b, b).start()

    @pl.loop(0, n_chunks, step=_NBUF)
    def _group(g):
      for b in range(_NBUF):
        c = g + b
        cp = c + _HALF
        pslot = (b + _HALF) % _NBUF

        @pl.when(cp < n_chunks)
        def _prefetch():
          gather(cp, pslot).start()

        gather(c, b).wait()

        @pl.when(c >= _NBUF)
        def _retire():
          scatter(c - _NBUF, b).wait()

        @pl.loop(0, chunk, unroll=4)
        def _row(s):
          s_vec = jnp.full((_LANES,), 0, jnp.int32) + s
          for hb in range(_HID // _LANES):
            sl = pl.ds(hb * _LANES, _LANES)
            y = gat[b, s, sl] + pos_v[s, sl]
            plsc.store_scatter(obuf.at[b], [iota + hb * _LANES, s_vec], y)

        scatter(c, b).start()

    for b in range(_NBUF):
      scatter(n_chunks - _NBUF + b, b).wait()

  return emb


def kernel(x, tok_table, pos_table):
  b, s = x.shape
  vocab, hid = tok_table.shape
  out_t = _build(b, s, vocab)(x.astype(jnp.int32), tok_table, pos_table)
  return jnp.swapaxes(out_t, 1, 2)

# --- scband reference (transcript-rebuilt; emitter-appended) ---
"""Pipeline reference for scband-token-and-position-embedding-78915729097296 (READ-ONLY COPY).

The authoritative reference and input builder live on the scoring server;
editing this copy changes nothing except your own understanding.
"""

import jax, jax.numpy as jnp
import numpy as np

VOCAB_SIZE = 30522
SEQ_LENGTH = 128
HIDDEN_SIZE = 64
BATCH = 4096

def setup_inputs(seed: int = 0) -> dict:
    key = jax.random.key(seed)
    k1, k2, k3 = jax.random.split(key, 3)
    x = jax.random.randint(k1, (BATCH, SEQ_LENGTH), 0, VOCAB_SIZE, dtype=jnp.int64 if jax.config.jax_enable_x64 else jnp.int32)
    tok_table = jax.random.normal(k2, (VOCAB_SIZE, HIDDEN_SIZE), dtype=jnp.float32)
    pos_table = jax.random.normal(k3, (SEQ_LENGTH, HIDDEN_SIZE), dtype=jnp.float32)
    return {"x": x, "tok_table": tok_table, "pos_table": pos_table}

def reference(x, tok_table, pos_table):
    # tok_emb = self.tok_emb(x)
    tok_emb = jnp.take(tok_table, x, axis=0)  # [B, S, H]
    # pos_emb_inp = arange(SEQ_LENGTH); pos_emb = self.pos_emb(pos_emb_inp)
    pos_ids = jnp.arange(SEQ_LENGTH)
    pos_emb = jnp.take(pos_table, pos_ids, axis=0)  # [S, H]
    # out = tok_emb(x) + pos_emb  (broadcast over batch)
    out = tok_emb + pos_emb[None, :, :]
    return out

if __name__ == "__main__":
    import jax
    _d = setup_inputs()
    print(jax.jit(kernel)(*tuple(_d.values())))

</pallas_src>

<mosaic_0001>
#map = affine_map<(d0, d1) -> (0, 0)>
#map1 = affine_map<(d0, d1) -> (0, 0, 0)>
module attributes {stable_mosaic.version = 14 : i64} {
  func.func @emb(%arg0: i32, %arg1: i32, %arg2: memref<4096x128xi32, #tpu.memory_space<hbm>>, %arg3: memref<30522x64xf32, #tpu.memory_space<hbm>>, %arg4: memref<128x64xf32, #tpu.memory_space<hbm>>, %arg5: memref<4096x64x128xf32, #tpu.memory_space<hbm>>, %arg6: memref<128x64xf32, #tpu.memory_space<vmem>>, %arg7: memref<128x128xi32, #tpu.memory_space<vmem>>, %arg8: memref<4x128x64xf32, #tpu.memory_space<vmem>>, %arg9: memref<4x64x129xf32, #tpu.memory_space<vmem>>, %arg10: memref<!tpu.dma_semaphore, #tpu.memory_space<semaphore_mem>>, %arg11: memref<!tpu.dma_semaphore, #tpu.memory_space<semaphore_mem>>, %arg12: memref<!tpu.dma_semaphore, #tpu.memory_space<semaphore_mem>>, %arg13: memref<!tpu.dma_semaphore, #tpu.memory_space<semaphore_mem>>, %arg14: memref<!tpu.dma_semaphore, #tpu.memory_space<semaphore_mem>>, %arg15: memref<!tpu.dma_semaphore, #tpu.memory_space<semaphore_mem>>, %arg16: memref<!tpu.dma_semaphore, #tpu.memory_space<semaphore_mem>>, %arg17: memref<!tpu.dma_semaphore, #tpu.memory_space<semaphore_mem>>) attributes {dimension_semantics = [#tpu.dimension_semantics<core_parallel>, #tpu.dimension_semantics<subcore_parallel>], iteration_bounds = array<i64: 2, 16>, scalar_prefetch = 0 : i64, scratch_operands = 12 : i64, tpu.core_type = #tpu.core_type<sc_vector_subcore>, window_params = [{transform_indices = #map}, {transform_indices = #map}, {transform_indices = #map}, {transform_indices = #map1}]} {
    %mul3A = arith.constant 2 : i32
    %mul3A_0 = arith.muli %arg1, %mul3A : i32
    %add3A = arith.addi %mul3A_0, %arg0 : i32
    %mul3A_1 = arith.constant 128 : i32
    %mul3A_2 = arith.muli %add3A, %mul3A_1 : i32
    "tpu.region"() ({
      %run_scoped3A = tpu.sem_alloc : memref<!tpu.dma_semaphore, #tpu.memory_space<semaphore_mem>>
      tpu.enqueue_dma source(%arg4 : memref<128x64xf32, #tpu.memory_space<hbm>>) target(%arg6 : memref<128x64xf32, #tpu.memory_space<vmem>>) target_semaphore(%run_scoped3A : memref<!tpu.dma_semaphore, #tpu.memory_space<semaphore_mem>>)
      tpu.wait_dma2 semaphore(%run_scoped3A : memref<!tpu.dma_semaphore, #tpu.memory_space<semaphore_mem>>) src(%arg4 : memref<128x64xf32, #tpu.memory_space<hbm>>) dst(%arg6 : memref<128x64xf32, #tpu.memory_space<vmem>>)
      tpu.yield
    }) : () -> ()
    "tpu.region"() ({
      %run_scoped3A = tpu.sem_alloc : memref<!tpu.dma_semaphore, #tpu.memory_space<semaphore_mem>>
      %dma_start3A_105 = arith.constant 0 : i32
      %dma_start3A_106 = tpu.memref_slice %arg2[%mul3A_2, %dma_start3A_105] : memref<4096x128xi32, #tpu.memory_space<hbm>> -> memref<128x128xi32, #tpu.memory_space<hbm>>
      %dma_start3A_107 = arith.constant 0 : i32
      %dma_start3A_108 = tpu.memref_slice %arg2[%mul3A_2, %dma_start3A_107] : memref<4096x128xi32, #tpu.memory_space<hbm>> -> memref<128x128xi32, #tpu.memory_space<hbm>>
      tpu.enqueue_dma source(%dma_start3A_108 : memref<128x128xi32, #tpu.memory_space<hbm>>) target(%arg7 : memref<128x128xi32, #tpu.memory_space<vmem>>) target_semaphore(%run_scoped3A : memref<!tpu.dma_semaphore, #tpu.memory_space<semaphore_mem>>)
      %dma_wait3A_109 = arith.constant 0 : i32
      %dma_wait3A_110 = tpu.memref_slice %arg2[%mul3A_2, %dma_wait3A_109] : memref<4096x128xi32, #tpu.memory_space<hbm>> -> memref<128x128xi32, #tpu.memory_space<hbm>>
      %dma_wait3A_111 = arith.constant 0 : i32
      %dma_wait3A_112 = tpu.memref_slice %arg2[%mul3A_2, %dma_wait3A_111] : memref<4096x128xi32, #tpu.memory_space<hbm>> -> memref<128x128xi32, #tpu.memory_space<hbm>>
      tpu.wait_dma2 semaphore(%run_scoped3A : memref<!tpu.dma_semaphore, #tpu.memory_space<semaphore_mem>>) src(%dma_wait3A_112 : memref<128x128xi32, #tpu.memory_space<hbm>>) dst(%arg7 : memref<128x128xi32, #tpu.memory_space<vmem>>)
      tpu.yield
    }) : () -> ()
    %iota3A = tpu.iota {dimensions = array<i32: 0>} : vector<16xi32>
    %dma_start3A = arith.constant 0 : i32
    %dma_start3A_3 = arith.constant 0 : i32
    %dma_start3A_4 = arith.constant 0 : i32
    %dma_start3A_5 = arith.constant 0 : i32
    %dma_start3A_6 = tpu.memref_slice %arg8[%dma_start3A_3, %dma_start3A_4, %dma_start3A_5] : memref<4x128x64xf32, #tpu.memory_space<vmem>> -> memref<1x128x64xf32, #tpu.memory_space<vmem>>
    %dma_start3A_7 = tpu.memref_squeeze %dma_start3A_6 : memref<1x128x64xf32, #tpu.memory_space<vmem>> -> memref<128x64xf32, #tpu.memory_space<vmem>>
    %dma_start3A_8 = arith.constant 0 : i32
    %dma_start3A_9 = tpu.memref_slice %arg7[%dma_start3A, %dma_start3A_8] : memref<128x128xi32, #tpu.memory_space<vmem>> -> memref<1x128xi32, #tpu.memory_space<vmem>>
    %dma_start3A_10 = tpu.memref_squeeze %dma_start3A_9 : memref<1x128xi32, #tpu.memory_space<vmem>> -> memref<128xi32, #tpu.memory_space<vmem>>
    %dma_start3A_11 = arith.constant 0 : i32
    %dma_start3A_12 = arith.constant 0 : i32
    %dma_start3A_13 = tpu.memref_slice %arg3[%dma_start3A_11, %dma_start3A_12] : memref<30522x64xf32, #tpu.memory_space<hbm>> -> memref<30522x64xf32, #tpu.memory_space<hbm>>
    tpu.enqueue_indirect_dma source(%dma_start3A_13 : memref<30522x64xf32, #tpu.memory_space<hbm>>) target(%dma_start3A_7 : memref<128x64xf32, #tpu.memory_space<vmem>>) offsets(%dma_start3A_10 : memref<128xi32, #tpu.memory_space<vmem>>) semaphore(%arg10 : memref<!tpu.dma_semaphore, #tpu.memory_space<semaphore_mem>>)
    %dma_start3A_14 = arith.constant 1 : i32
    %dma_start3A_15 = arith.constant 1 : i32
    %dma_start3A_16 = arith.constant 0 : i32
    %dma_start3A_17 = arith.constant 0 : i32
    %dma_start3A_18 = tpu.memref_slice %arg8[%dma_start3A_15, %dma_start3A_16, %dma_start3A_17] : memref<4x128x64xf32, #tpu.memory_space<vmem>> -> memref<1x128x64xf32, #tpu.memory_space<vmem>>
    %dma_start3A_19 = tpu.memref_squeeze %dma_start3A_18 : memref<1x128x64xf32, #tpu.memory_space<vmem>> -> memref<128x64xf32, #tpu.memory_space<vmem>>
    %dma_start3A_20 = arith.constant 0 : i32
    %dma_start3A_21 = tpu.memref_slice %arg7[%dma_start3A_14, %dma_start3A_20] : memref<128x128xi32, #tpu.memory_space<vmem>> -> memref<1x128xi32, #tpu.memory_space<vmem>>
    %dma_start3A_22 = tpu.memref_squeeze %dma_start3A_21 : memref<1x128xi32, #tpu.memory_space<vmem>> -> memref<128xi32, #tpu.memory_space<vmem>>
    %dma_start3A_23 = arith.constant 0 : i32
    %dma_start3A_24 = arith.constant 0 : i32
    %dma_start3A_25 = tpu.memref_slice %arg3[%dma_start3A_23, %dma_start3A_24] : memref<30522x64xf32, #tpu.memory_space<hbm>> -> memref<30522x64xf32, #tpu.memory_space<hbm>>
    tpu.enqueue_indirect_dma source(%dma_start3A_25 : memref<30522x64xf32, #tpu.memory_space<hbm>>) target(%dma_start3A_19 : memref<128x64xf32, #tpu.memory_space<vmem>>) offsets(%dma_start3A_22 : memref<128xi32, #tpu.memory_space<vmem>>) semaphore(%arg11 : memref<!tpu.dma_semaphore, #tpu.memory_space<semaphore_mem>>)
    %scan3A = arith.constant 0 : i32
    %scan3A_26 = arith.constant 32 : i32
    %scan3A_27 = arith.addi %scan3A, %scan3A_26 : i32
    %scan3A_28 = arith.constant 1 : i32
    scf.for %scan3A_105 = %scan3A to %scan3A_27 step %scan3A_28  : i32 {
      %mul3A_106 = arith.constant 4 : i32
      %mul3A_107 = arith.muli %scan3A_105, %mul3A_106 : i32
      %add3A_108 = arith.constant 0 : i32
      %add3A_109 = arith.addi %add3A_108, %mul3A_107 : i32
      %add3A_110 = arith.constant 0 : i32
      %add3A_111 = arith.addi %add3A_109, %add3A_110 : i32
      %add3A_112 = arith.constant 2 : i32
      %add3A_113 = arith.addi %add3A_111, %add3A_112 : i32
      %lt3A = arith.constant 128 : i32
      %lt3A_114 = arith.cmpi slt, %add3A_113, %lt3A : i32
      %convert_element_type3A = arith.extui %lt3A_114 : i1 to i32
      %cond3A = arith.constant 0 : i32
      %cond3A_115 = arith.cmpi ne, %convert_element_type3A, %cond3A : i32
      scf.if %cond3A_115 {
        %dma_start3A_298 = arith.constant 2 : i32
        %dma_start3A_299 = arith.constant 0 : i32
        %dma_start3A_300 = arith.constant 0 : i32
        %dma_start3A_301 = tpu.memref_slice %arg8[%dma_start3A_298, %dma_start3A_299, %dma_start3A_300] : memref<4x128x64xf32, #tpu.memory_space<vmem>> -> memref<1x128x64xf32, #tpu.memory_space<vmem>>
        %dma_start3A_302 = tpu.memref_squeeze %dma_start3A_301 : memref<1x128x64xf32, #tpu.memory_space<vmem>> -> memref<128x64xf32, #tpu.memory_space<vmem>>
        %dma_start3A_303 = arith.constant 0 : i32
        %dma_start3A_304 = tpu.memref_slice %arg7[%add3A_113, %dma_start3A_303] : memref<128x128xi32, #tpu.memory_space<vmem>> -> memref<1x128xi32, #tpu.memory_space<vmem>>
        %dma_start3A_305 = tpu.memref_squeeze %dma_start3A_304 : memref<1x128xi32, #tpu.memory_space<vmem>> -> memref<128xi32, #tpu.memory_space<vmem>>
        %dma_start3A_306 = arith.constant 0 : i32
        %dma_start3A_307 = arith.constant 0 : i32
        %dma_start3A_308 = tpu.memref_slice %arg3[%dma_start3A_306, %dma_start3A_307] : memref<30522x64xf32, #tpu.memory_space<hbm>> -> memref<30522x64xf32, #tpu.memory_space<hbm>>
        tpu.enqueue_indirect_dma source(%dma_start3A_308 : memref<30522x64xf32, #tpu.memory_space<hbm>>) target(%dma_start3A_302 : memref<128x64xf32, #tpu.memory_space<vmem>>) offsets(%dma_start3A_305 : memref<128xi32, #tpu.memory_space<vmem>>) semaphore(%arg12 : memref<!tpu.dma_semaphore, #tpu.memory_space<semaphore_mem>>)
      } else {
      }
      %dma_wait3A_116 = arith.constant 0 : i32
      %dma_wait3A_117 = arith.constant 0 : i32
      %dma_wait3A_118 = arith.constant 0 : i32
      %dma_wait3A_119 = tpu.memref_slice %arg8[%dma_wait3A_116, %dma_wait3A_117, %dma_wait3A_118] : memref<4x128x64xf32, #tpu.memory_space<vmem>> -> memref<1x128x64xf32, #tpu.memory_space<vmem>>
      %dma_wait3A_120 = tpu.memref_squeeze %dma_wait3A_119 : memref<1x128x64xf32, #tpu.memory_space<vmem>> -> memref<128x64xf32, #tpu.memory_space<vmem>>
      %dma_wait3A_121 = arith.constant 0 : i32
      %dma_wait3A_122 = tpu.memref_slice %arg7[%add3A_111, %dma_wait3A_121] : memref<128x128xi32, #tpu.memory_space<vmem>> -> memref<1x128xi32, #tpu.memory_space<vmem>>
      %dma_wait3A_123 = tpu.memref_squeeze %dma_wait3A_122 : memref<1x128xi32, #tpu.memory_space<vmem>> -> memref<128xi32, #tpu.memory_space<vmem>>
      %dma_wait3A_124 = arith.constant 0 : i32
      %dma_wait3A_125 = arith.constant 0 : i32
      %dma_wait3A_126 = tpu.memref_slice %arg3[%dma_wait3A_124, %dma_wait3A_125] : memref<30522x64xf32, #tpu.memory_space<hbm>> -> memref<30522x64xf32, #tpu.memory_space<hbm>>
      tpu.wait_indirect_dma semaphore(%arg10 : memref<!tpu.dma_semaphore, #tpu.memory_space<semaphore_mem>>) src(%dma_wait3A_126 : memref<30522x64xf32, #tpu.memory_space<hbm>>) dst(%dma_wait3A_120 : memref<128x64xf32, #tpu.memory_space<vmem>>)
      %ge3A = arith.constant 4 : i32
      %ge3A_127 = arith.cmpi sge, %add3A_111, %ge3A : i32
      %convert_element_type3A_128 = arith.extui %ge3A_127 : i1 to i32
      %cond3A_129 = arith.constant 0 : i32
      %cond3A_130 = arith.cmpi ne, %convert_element_type3A_128, %cond3A_129 : i32
      scf.if %cond3A_130 {
        %sub3A = arith.constant 4 : i32
        %sub3A_298 = arith.subi %add3A_111, %sub3A : i32
        %add3A_299 = arith.addi %mul3A_2, %sub3A_298 : i32
        %dma_wait3A_300 = arith.constant 0 : i32
        %dma_wait3A_301 = arith.constant 0 : i32
        %dma_wait3A_302 = arith.constant 0 : i32
        %dma_wait3A_303 = tpu.memref_slice %arg9[%dma_wait3A_300, %dma_wait3A_301, %dma_wait3A_302] : memref<4x64x129xf32, #tpu.memory_space<vmem>> -> memref<1x64x128xf32, #tpu.memory_space<vmem>>
        %dma_wait3A_304 = tpu.memref_squeeze %dma_wait3A_303 : memref<1x64x128xf32, #tpu.memory_space<vmem>> -> memref<64x128xf32, #tpu.memory_space<vmem>>
        %dma_wait3A_305 = arith.constant 0 : i32
        %dma_wait3A_306 = arith.constant 0 : i32
        %dma_wait3A_307 = tpu.memref_slice %arg5[%add3A_299, %dma_wait3A_305, %dma_wait3A_306] : memref<4096x64x128xf32, #tpu.memory_space<hbm>> -> memref<1x64x128xf32, #tpu.memory_space<hbm>>
        %dma_wait3A_308 = tpu.memref_squeeze %dma_wait3A_307 : memref<1x64x128xf32, #tpu.memory_space<hbm>> -> memref<64x128xf32, #tpu.memory_space<hbm>>
        %dma_wait3A_309 = arith.constant 0 : i32
        %dma_wait3A_310 = arith.constant 0 : i32
        %dma_wait3A_311 = tpu.memref_slice %arg5[%add3A_299, %dma_wait3A_309, %dma_wait3A_310] : memref<4096x64x128xf32, #tpu.memory_space<hbm>> -> memref<1x64x128xf32, #tpu.memory_space<hbm>>
        %dma_wait3A_312 = tpu.memref_squeeze %dma_wait3A_311 : memref<1x64x128xf32, #tpu.memory_space<hbm>> -> memref<64x128xf32, #tpu.memory_space<hbm>>
        %dma_wait3A_313 = arith.constant 0 : i32
        %dma_wait3A_314 = arith.constant 0 : i32
        %dma_wait3A_315 = tpu.memref_slice %arg9[%dma_wait3A_300, %dma_wait3A_313, %dma_wait3A_314] : memref<4x64x129xf32, #tpu.memory_space<vmem>> -> memref<1x64x128xf32, #tpu.memory_space<vmem>>
        %dma_wait3A_316 = tpu.memref_squeeze %dma_wait3A_315 : memref<1x64x128xf32, #tpu.memory_space<vmem>> -> memref<64x128xf32, #tpu.memory_space<vmem>>
        tpu.wait_dma2 semaphore(%arg14 : memref<!tpu.dma_semaphore, #tpu.memory_space<semaphore_mem>>) src(%dma_wait3A_316 : memref<64x128xf32, #tpu.memory_space<vmem>>) dst(%dma_wait3A_312 : memref<64x128xf32, #tpu.memory_space<hbm>>)
      } else {
      }
      %scan3A_131 = arith.constant 0 : i32
      %scan3A_132 = arith.constant 128 : i32
      %scan3A_133 = arith.addi %scan3A_131, %scan3A_132 : i32
      %scan3A_134 = arith.constant 4 : i32
      scf.for %scan3A_298 = %scan3A_131 to %scan3A_133 step %scan3A_134  : i32 {
        %mul3A_299 = arith.constant 1 : i32
        %mul3A_300 = arith.muli %scan3A_298, %mul3A_299 : i32
        %add3A_301 = arith.constant 0 : i32
        %add3A_302 = arith.addi %add3A_301, %mul3A_300 : i32
        %broadcast_in_dim3A = arith.constant 0 : i32
        %broadcast_in_dim3A_303 = vector.broadcast %broadcast_in_dim3A : i32 to vector<16xi32>
        %add3A_304 = vector.broadcast %add3A_302 : i32 to vector<16xi32>
        %add3A_305 = arith.addi %broadcast_in_dim3A_303, %add3A_304 : vector<16xi32>
        %get3A = arith.constant 0 : i32
        %get3A_306 = arith.index_cast %get3A : i32 to index
        %get3A_307 = arith.index_cast %add3A_302 : i32 to index
        %get3A_308 = arith.constant 0 : index
        %get3A_309 = tpu.vector_load %arg8[%get3A_306, %get3A_307, %get3A_308] {strides = array<i32>} : memref<4x128x64xf32, #tpu.memory_space<vmem>>, vector<16xf32>,
        %get3A_310 = arith.index_cast %add3A_302 : i32 to index
        %get3A_311 = arith.constant 0 : index
        %get3A_312 = tpu.vector_load %arg6[%get3A_310, %get3A_311] {strides = array<i32>} : memref<128x64xf32, #tpu.memory_space<vmem>>, vector<16xf32>,
        %add3A_313 = arith.addf %get3A_309, %get3A_312 : vector<16xf32>
        %add3A_314 = arith.constant 0 : i32
        %add3A_315 = vector.broadcast %add3A_314 : i32 to vector<16xi32>
        %add3A_316 = arith.addi %iota3A, %add3A_315 : vector<16xi32>
        %scatter3A = arith.constant 0 : i32
        %scatter3A_317 = arith.constant 0 : i32
        %scatter3A_318 = arith.constant 0 : i32
        %scatter3A_319 = tpu.memref_slice %arg9[%scatter3A, %scatter3A_317, %scatter3A_318] : memref<4x64x129xf32, #tpu.memory_space<vmem>> -> memref<1x64x129xf32, #tpu.memory_space<vmem>>
        %scatter3A_320 = tpu.memref_squeeze %scatter3A_319 : memref<1x64x129xf32, #tpu.memory_space<vmem>> -> memref<64x129xf32, #tpu.memory_space<vmem>>
        tpu.vector_store_idx %scatter3A_320[%add3A_316, %add3A_305], %add3A_313 : memref<64x129xf32, #tpu.memory_space<vmem>>[vector<16xi32>, vector<16xi32>], vector<16xf32>,
        %get3A_321 = arith.constant 0 : i32
        %get3A_322 = arith.index_cast %get3A_321 : i32 to index
        %get3A_323 = arith.index_cast %add3A_302 : i32 to index
        %get3A_324 = arith.constant 16 : index
        %get3A_325 = tpu.vector_load %arg8[%get3A_322, %get3A_323, %get3A_324] {strides = array<i32>} : memref<4x128x64xf32, #tpu.memory_space<vmem>>, vector<16xf32>,
        %get3A_326 = arith.index_cast %add3A_302 : i32 to index
        %get3A_327 = arith.constant 16 : index
        %get3A_328 = tpu.vector_load %arg6[%get3A_326, %get3A_327] {strides = array<i32>} : memref<128x64xf32, #tpu.memory_space<vmem>>, vector<16xf32>,
        %add3A_329 = arith.addf %get3A_325, %get3A_328 : vector<16xf32>
        %add3A_330 = arith.constant 16 : i32
        %add3A_331 = vector.broadcast %add3A_330 : i32 to vector<16xi32>
        %add3A_332 = arith.addi %iota3A, %add3A_331 : vector<16xi32>
        %scatter3A_333 = arith.constant 0 : i32
        %scatter3A_334 = arith.constant 0 : i32
        %scatter3A_335 = arith.constant 0 : i32
        %scatter3A_336 = tpu.memref_slice %arg9[%scatter3A_333, %scatter3A_334, %scatter3A_335] : memref<4x64x129xf32, #tpu.memory_space<vmem>> -> memref<1x64x129xf32, #tpu.memory_space<vmem>>
        %scatter3A_337 = tpu.memref_squeeze %scatter3A_336 : memref<1x64x129xf32, #tpu.memory_space<vmem>> -> memref<64x129xf32, #tpu.memory_space<vmem>>
        tpu.vector_store_idx %scatter3A_337[%add3A_332, %add3A_305], %add3A_329 : memref<64x129xf32, #tpu.memory_space<vmem>>[vector<16xi32>, vector<16xi32>], vector<16xf32>,
        %get3A_338 = arith.constant 0 : i32
        %get3A_339 = arith.index_cast %get3A_338 : i32 to index
        %get3A_340 = arith.index_cast %add3A_302 : i32 to index
        %get3A_341 = arith.constant 32 : index
        %get3A_342 = tpu.vector_load %arg8[%get3A_339, %get3A_340, %get3A_341] {strides = array<i32>} : memref<4x128x64xf32, #tpu.memory_space<vmem>>, vector<16xf32>,
        %get3A_343 = arith.index_cast %add3A_302 : i32 to index
        %get3A_344 = arith.constant 32 : index
        %get3A_345 = tpu.vector_load %arg6[%get3A_343, %get3A_344] {strides = array<i32>} : memref<128x64xf32, #tpu.memory_space<vmem>>, vector<16xf32>,
        %add3A_346 = arith.addf %get3A_342, %get3A_345 : vector<16xf32>
        %add3A_347 = arith.constant 32 : i32
        %add3A_348 = vector.broadcast %add3A_347 : i32 to vector<16xi32>
        %add3A_349 = arith.addi %iota3A, %add3A_348 : vector<16xi32>
        %scatter3A_350 = arith.constant 0 : i32
        %scatter3A_351 = arith.constant 0 : i32
        %scatter3A_352 = arith.constant 0 : i32
        %scatter3A_353 = tpu.memref_slice %arg9[%scatter3A_350, %scatter3A_351, %scatter3A_352] : memref<4x64x129xf32, #tpu.memory_space<vmem>> -> memref<1x64x129xf32, #tpu.memory_space<vmem>>
        %scatter3A_354 = tpu.memref_squeeze %scatter3A_353 : memref<1x64x129xf32, #tpu.memory_space<vmem>> -> memref<64x129xf32, #tpu.memory_space<vmem>>
        tpu.vector_store_idx %scatter3A_354[%add3A_349, %add3A_305], %add3A_346 : memref<64x129xf32, #tpu.memory_space<vmem>>[vector<16xi32>, vector<16xi32>], vector<16xf32>,
        %get3A_355 = arith.constant 0 : i32
        %get3A_356 = arith.index_cast %get3A_355 : i32 to index
        %get3A_357 = arith.index_cast %add3A_302 : i32 to index
        %get3A_358 = arith.constant 48 : index
        %get3A_359 = tpu.vector_load %arg8[%get3A_356, %get3A_357, %get3A_358] {strides = array<i32>} : memref<4x128x64xf32, #tpu.memory_space<vmem>>, vector<16xf32>,
        %get3A_360 = arith.index_cast %add3A_302 : i32 to index
        %get3A_361 = arith.constant 48 : index
        %get3A_362 = tpu.vector_load %arg6[%get3A_360, %get3A_361] {strides = array<i32>} : memref<128x64xf32, #tpu.memory_space<vmem>>, vector<16xf32>,
        %add3A_363 = arith.addf %get3A_359, %get3A_362 : vector<16xf32>
        %add3A_364 = arith.constant 48 : i32
        %add3A_365 = vector.broadcast %add3A_364 : i32 to vector<16xi32>
        %add3A_366 = arith.addi %iota3A, %add3A_365 : vector<16xi32>
        %scatter3A_367 = arith.constant 0 : i32
        %scatter3A_368 = arith.constant 0 : i32
        %scatter3A_369 = arith.constant 0 : i32
        %scatter3A_370 = tpu.memref_slice %arg9[%scatter3A_367, %scatter3A_368, %scatter3A_369] : memref<4x64x129xf32, #tpu.memory_space<vmem>> -> memref<1x64x129xf32, #tpu.memory_space<vmem>>
        %scatter3A_371 = tpu.memref_squeeze %scatter3A_370 : memref<1x64x129xf32, #tpu.memory_space<vmem>> -> memref<64x129xf32, #tpu.memory_space<vmem>>
        tpu.vector_store_idx %scatter3A_371[%add3A_366, %add3A_305], %add3A_363 : memref<64x129xf32, #tpu.memory_space<vmem>>[vector<16xi32>, vector<16xi32>], vector<16xf32>,
        %scan3A_372 = arith.constant 1 : i32
        %scan3A_373 = arith.addi %scan3A_298, %scan3A_372 : i32
        %mul3A_374 = arith.constant 1 : i32
        %mul3A_375 = arith.muli %scan3A_373, %mul3A_374 : i32
        %add3A_376 = arith.constant 0 : i32
        %add3A_377 = arith.addi %add3A_376, %mul3A_375 : i32
        %broadcast_in_dim3A_378 = arith.constant 0 : i32
        %broadcast_in_dim3A_379 = vector.broadcast %broadcast_in_dim3A_378 : i32 to vector<16xi32>
        %add3A_380 = vector.broadcast %add3A_377 : i32 to vector<16xi32>
        %add3A_381 = arith.addi %broadcast_in_dim3A_379, %add3A_380 : vector<16xi32>
        %get3A_382 = arith.constant 0 : i32
        %get3A_383 = arith.index_cast %get3A_382 : i32 to index
        %get3A_384 = arith.index_cast %add3A_377 : i32 to index
        %get3A_385 = arith.constant 0 : index
        %get3A_386 = tpu.vector_load %arg8[%get3A_383, %get3A_384, %get3A_385] {strides = array<i32>} : memref<4x128x64xf32, #tpu.memory_space<vmem>>, vector<16xf32>,
        %get3A_387 = arith.index_cast %add3A_377 : i32 to index
        %get3A_388 = arith.constant 0 : index
        %get3A_389 = tpu.vector_load %arg6[%get3A_387, %get3A_388] {strides = array<i32>} : memref<128x64xf32, #tpu.memory_space<vmem>>, vector<16xf32>,
        %add3A_390 = arith.addf %get3A_386, %get3A_389 : vector<16xf32>
        %add3A_391 = arith.constant 0 : i32
        %add3A_392 = vector.broadcast %add3A_391 : i32 to vector<16xi32>
        %add3A_393 = arith.addi %iota3A, %add3A_392 : vector<16xi32>
        %scatter3A_394 = arith.constant 0 : i32
        %scatter3A_395 = arith.constant 0 : i32
        %scatter3A_396 = arith.constant 0 : i32
        %scatter3A_397 = tpu.memref_slice %arg9[%scatter3A_394, %scatter3A_395, %scatter3A_396] : memref<4x64x129xf32, #tpu.memory_space<vmem>> -> memref<1x64x129xf32, #tpu.memory_space<vmem>>
        %scatter3A_398 = tpu.memref_squeeze %scatter3A_397 : memref<1x64x129xf32, #tpu.memory_space<vmem>> -> memref<64x129xf32, #tpu.memory_space<vmem>>
        tpu.vector_store_idx %scatter3A_398[%add3A_393, %add3A_381], %add3A_390 : memref<64x129xf32, #tpu.memory_space<vmem>>[vector<16xi32>, vector<16xi32>], vector<16xf32>,
        %get3A_399 = arith.constant 0 : i32
        %get3A_400 = arith.index_cast %get3A_399 : i32 to index
        %get3A_401 = arith.index_cast %add3A_377 : i32 to index
        %get3A_402 = arith.constant 16 : index
        %get3A_403 = tpu.vector_load %arg8[%get3A_400, %get3A_401, %get3A_402] {strides = array<i32>} : memref<4x128x64xf32, #tpu.memory_space<vmem>>, vector<16xf32>,
        %get3A_404 = arith.index_cast %add3A_377 : i32 to index
        %get3A_405 = arith.constant 16 : index
        %get3A_406 = tpu.vector_load %arg6[%get3A_404, %get3A_405] {strides = array<i32>} : memref<128x64xf32, #tpu.memory_space<vmem>>, vector<16xf32>,
        %add3A_407 = arith.addf %get3A_403, %get3A_406 : vector<16xf32>
        %add3A_408 = arith.constant 16 : i32
        %add3A_409 = vector.broadcast %add3A_408 : i32 to vector<16xi32>
        %add3A_410 = arith.addi %iota3A, %add3A_409 : vector<16xi32>
        %scatter3A_411 = arith.constant 0 : i32
        %scatter3A_412 = arith.constant 0 : i32
        %scatter3A_413 = arith.constant 0 : i32
        %scatter3A_414 = tpu.memref_slice %arg9[%scatter3A_411, %scatter3A_412, %scatter3A_413] : memref<4x64x129xf32, #tpu.memory_space<vmem>> -> memref<1x64x129xf32, #tpu.memory_space<vmem>>
        %scatter3A_415 = tpu.memref_squeeze %scatter3A_414 : memref<1x64x129xf32, #tpu.memory_space<vmem>> -> memref<64x129xf32, #tpu.memory_space<vmem>>
        tpu.vector_store_idx %scatter3A_415[%add3A_410, %add3A_381], %add3A_407 : memref<64x129xf32, #tpu.memory_space<vmem>>[vector<16xi32>, vector<16xi32>], vector<16xf32>,
        %get3A_416 = arith.constant 0 : i32
        %get3A_417 = arith.index_cast %get3A_416 : i32 to index
        %get3A_418 = arith.index_cast %add3A_377 : i32 to index
        %get3A_419 = arith.constant 32 : index
        %get3A_420 = tpu.vector_load %arg8[%get3A_417, %get3A_418, %get3A_419] {strides = array<i32>} : memref<4x128x64xf32, #tpu.memory_space<vmem>>, vector<16xf32>,
        %get3A_421 = arith.index_cast %add3A_377 : i32 to index
        %get3A_422 = arith.constant 32 : index
        %get3A_423 = tpu.vector_load %arg6[%get3A_421, %get3A_422] {strides = array<i32>} : memref<128x64xf32, #tpu.memory_space<vmem>>, vector<16xf32>,
        %add3A_424 = arith.addf %get3A_420, %get3A_423 : vector<16xf32>
        %add3A_425 = arith.constant 32 : i32
        %add3A_426 = vector.broadcast %add3A_425 : i32 to vector<16xi32>
        %add3A_427 = arith.addi %iota3A, %add3A_426 : vector<16xi32>
        %scatter3A_428 = arith.constant 0 : i32
        %scatter3A_429 = arith.constant 0 : i32
        %scatter3A_430 = arith.constant 0 : i32
        %scatter3A_431 = tpu.memref_slice %arg9[%scatter3A_428, %scatter3A_429, %scatter3A_430] : memref<4x64x129xf32, #tpu.memory_space<vmem>> -> memref<1x64x129xf32, #tpu.memory_space<vmem>>
        %scatter3A_432 = tpu.memref_squeeze %scatter3A_431 : memref<1x64x129xf32, #tpu.memory_space<vmem>> -> memref<64x129xf32, #tpu.memory_space<vmem>>
        tpu.vector_store_idx %scatter3A_432[%add3A_427, %add3A_381], %add3A_424 : memref<64x129xf32, #tpu.memory_space<vmem>>[vector<16xi32>, vector<16xi32>], vector<16xf32>,
        %get3A_433 = arith.constant 0 : i32
        %get3A_434 = arith.index_cast %get3A_433 : i32 to index
        %get3A_435 = arith.index_cast %add3A_377 : i32 to index
        %get3A_436 = arith.constant 48 : index
        %get3A_437 = tpu.vector_load %arg8[%get3A_434, %get3A_435, %get3A_436] {strides = array<i32>} : memref<4x128x64xf32, #tpu.memory_space<vmem>>, vector<16xf32>,
        %get3A_438 = arith.index_cast %add3A_377 : i32 to index
        %get3A_439 = arith.constant 48 : index
        %get3A_440 = tpu.vector_load %arg6[%get3A_438, %get3A_439] {strides = array<i32>} : memref<128x64xf32, #tpu.memory_space<vmem>>, vector<16xf32>,
        %add3A_441 = arith.addf %get3A_437, %get3A_440 : vector<16xf32>
        %add3A_442 = arith.constant 48 : i32
        %add3A_443 = vector.broadcast %add3A_442 : i32 to vector<16xi32>
        %add3A_444 = arith.addi %iota3A, %add3A_443 : vector<16xi32>
        %scatter3A_445 = arith.constant 0 : i32
        %scatter3A_446 = arith.constant 0 : i32
        %scatter3A_447 = arith.constant 0 : i32
        %scatter3A_448 = tpu.memref_slice %arg9[%scatter3A_445, %scatter3A_446, %scatter3A_447] : memref<4x64x129xf32, #tpu.memory_space<vmem>> -> memref<1x64x129xf32, #tpu.memory_space<vmem>>
        %scatter3A_449 = tpu.memref_squeeze %scatter3A_448 : memref<1x64x129xf32, #tpu.memory_space<vmem>> -> memref<64x129xf32, #tpu.memory_space<vmem>>
        tpu.vector_store_idx %scatter3A_449[%add3A_444, %add3A_381], %add3A_441 : memref<64x129xf32, #tpu.memory_space<vmem>>[vector<16xi32>, vector<16xi32>], vector<16xf32>,
        %scan3A_450 = arith.constant 2 : i32
        %scan3A_451 = arith.addi %scan3A_298, %scan3A_450 : i32
        %mul3A_452 = arith.constant 1 : i32
        %mul3A_453 = arith.muli %scan3A_451, %mul3A_452 : i32
        %add3A_454 = arith.constant 0 : i32
        %add3A_455 = arith.addi %add3A_454, %mul3A_453 : i32
        %broadcast_in_dim3A_456 = arith.constant 0 : i32
        %broadcast_in_dim3A_457 = vector.broadcast %broadcast_in_dim3A_456 : i32 to vector<16xi32>
        %add3A_458 = vector.broadcast %add3A_455 : i32 to vector<16xi32>
        %add3A_459 = arith.addi %broadcast_in_dim3A_457, %add3A_458 : vector<16xi32>
        %get3A_460 = arith.constant 0 : i32
        %get3A_461 = arith.index_cast %get3A_460 : i32 to index
        %get3A_462 = arith.index_cast %add3A_455 : i32 to index
        %get3A_463 = arith.constant 0 : index
        %get3A_464 = tpu.vector_load %arg8[%get3A_461, %get3A_462, %get3A_463] {strides = array<i32>} : memref<4x128x64xf32, #tpu.memory_space<vmem>>, vector<16xf32>,
        %get3A_465 = arith.index_cast %add3A_455 : i32 to index
        %get3A_466 = arith.constant 0 : index
        %get3A_467 = tpu.vector_load %arg6[%get3A_465, %get3A_466] {strides = array<i32>} : memref<128x64xf32, #tpu.memory_space<vmem>>, vector<16xf32>,
        %add3A_468 = arith.addf %get3A_464, %get3A_467 : vector<16xf32>
        %add3A_469 = arith.constant 0 : i32
        %add3A_470 = vector.broadcast %add3A_469 : i32 to vector<16xi32>
        %add3A_471 = arith.addi %iota3A, %add3A_470 : vector<16xi32>
        %scatter3A_472 = arith.constant 0 : i32
        %scatter3A_473 = arith.constant 0 : i32
        %scatter3A_474 = arith.constant 0 : i32
        %scatter3A_475 = tpu.memref_slice %arg9[%scatter3A_472, %scatter3A_473, %scatter3A_474] : memref<4x64x129xf32, #tpu.memory_space<vmem>> -> memref<1x64x129xf32, #tpu.memory_space<vmem>>
        %scatter3A_476 = tpu.memref_squeeze %scatter3A_475 : memref<1x64x129xf32, #tpu.memory_space<vmem>> -> memref<64x129xf32, #tpu.memory_space<vmem>>
        tpu.vector_store_idx %scatter3A_476[%add3A_471, %add3A_459], %add3A_468 : memref<64x129xf32, #tpu.memory_space<vmem>>[vector<16xi32>, vector<16xi32>], vector<16xf32>,
        %get3A_477 = arith.constant 0 : i32
        %get3A_478 = arith.index_cast %get3A_477 : i32 to index
        %get3A_479 = arith.index_cast %add3A_455 : i32 to index
        %get3A_480 = arith.constant 16 : index
        %get3A_481 = tpu.vector_load %arg8[%get3A_478, %get3A_479, %get3A_480] {strides = array<i32>} : memref<4x128x64xf32, #tpu.memory_space<vmem>>, vector<16xf32>,
        %get3A_482 = arith.index_cast %add3A_455 : i32 to index
        %get3A_483 = arith.constant 16 : index
        %get3A_484 = tpu.vector_load %arg6[%get3A_482, %get3A_483] {strides = array<i32>} : memref<128x64xf32, #tpu.memory_space<vmem>>, vector<16xf32>,
        %add3A_485 = arith.addf %get3A_481, %get3A_484 : vector<16xf32>
        %add3A_486 = arith.constant 16 : i32
        %add3A_487 = vector.broadcast %add3A_486 : i32 to vector<16xi32>
        %add3A_488 = arith.addi %iota3A, %add3A_487 : vector<16xi32>
        %scatter3A_489 = arith.constant 0 : i32
        %scatter3A_490 = arith.constant 0 : i32
        %scatter3A_491 = arith.constant 0 : i32
        %scatter3A_492 = tpu.memref_slice %arg9[%scatter3A_489, %scatter3A_490, %scatter3A_491] : memref<4x64x129xf32, #tpu.memory_space<vmem>> -> memref<1x64x129xf32, #tpu.memory_space<vmem>>
        %scatter3A_493 = tpu.memref_squeeze %scatter3A_492 : memref<1x64x129xf32, #tpu.memory_space<vmem>> -> memref<64x129xf32, #tpu.memory_space<vmem>>
        tpu.vector_store_idx %scatter3A_493[%add3A_488, %add3A_459], %add3A_485 : memref<64x129xf32, #tpu.memory_space<vmem>>[vector<16xi32>, vector<16xi32>], vector<16xf32>,
        %get3A_494 = arith.constant 0 : i32
        %get3A_495 = arith.index_cast %get3A_494 : i32 to index
        %get3A_496 = arith.index_cast %add3A_455 : i32 to index
        %get3A_497 = arith.constant 32 : index
        %get3A_498 = tpu.vector_load %arg8[%get3A_495, %get3A_496, %get3A_497] {strides = array<i32>} : memref<4x128x64xf32, #tpu.memory_space<vmem>>, vector<16xf32>,
        %get3A_499 = arith.index_cast %add3A_455 : i32 to index
        %get3A_500 = arith.constant 32 : index
        %get3A_501 = tpu.vector_load %arg6[%get3A_499, %get3A_500] {strides = array<i32>} : memref<128x64xf32, #tpu.memory_space<vmem>>, vector<16xf32>,
        %add3A_502 = arith.addf %get3A_498, %get3A_501 : vector<16xf32>
        %add3A_503 = arith.constant 32 : i32
        %add3A_504 = vector.broadcast %add3A_503 : i32 to vector<16xi32>
        %add3A_505 = arith.addi %iota3A, %add3A_504 : vector<16xi32>
        %scatter3A_506 = arith.constant 0 : i32
        %scatter3A_507 = arith.constant 0 : i32
        %scatter3A_508 = arith.constant 0 : i32
        %scatter3A_509 = tpu.memref_slice %arg9[%scatter3A_506, %scatter3A_507, %scatter3A_508] : memref<4x64x129xf32, #tpu.memory_space<vmem>> -> memref<1x64x129xf32, #tpu.memory_space<vmem>>
        %scatter3A_510 = tpu.memref_squeeze %scatter3A_509 : memref<1x64x129xf32, #tpu.memory_space<vmem>> -> memref<64x129xf32, #tpu.memory_space<vmem>>
        tpu.vector_store_idx %scatter3A_510[%add3A_505, %add3A_459], %add3A_502 : memref<64x129xf32, #tpu.memory_space<vmem>>[vector<16xi32>, vector<16xi32>], vector<16xf32>,
        %get3A_511 = arith.constant 0 : i32
        %get3A_512 = arith.index_cast %get3A_511 : i32 to index
        %get3A_513 = arith.index_cast %add3A_455 : i32 to index
        %get3A_514 = arith.constant 48 : index
        %get3A_515 = tpu.vector_load %arg8[%get3A_512, %get3A_513, %get3A_514] {strides = array<i32>} : memref<4x128x64xf32, #tpu.memory_space<vmem>>, vector<16xf32>,
        %get3A_516 = arith.index_cast %add3A_455 : i32 to index
        %get3A_517 = arith.constant 48 : index
        %get3A_518 = tpu.vector_load %arg6[%get3A_516, %get3A_517] {strides = array<i32>} : memref<128x64xf32, #tpu.memory_space<vmem>>, vector<16xf32>,
        %add3A_519 = arith.addf %get3A_515, %get3A_518 : vector<16xf32>
        %add3A_520 = arith.constant 48 : i32
        %add3A_521 = vector.broadcast %add3A_520 : i32 to vector<16xi32>
        %add3A_522 = arith.addi %iota3A, %add3A_521 : vector<16xi32>
        %scatter3A_523 = arith.constant 0 : i32
        %scatter3A_524 = arith.constant 0 : i32
        %scatter3A_525 = arith.constant 0 : i32
        %scatter3A_526 = tpu.memref_slice %arg9[%scatter3A_523, %scatter3A_524, %scatter3A_525] : memref<4x64x129xf32, #tpu.memory_space<vmem>> -> memref<1x64x129xf32, #tpu.memory_space<vmem>>
        %scatter3A_527 = tpu.memref_squeeze %scatter3A_526 : memref<1x64x129xf32, #tpu.memory_space<vmem>> -> memref<64x129xf32, #tpu.memory_space<vmem>>
        tpu.vector_store_idx %scatter3A_527[%add3A_522, %add3A_459], %add3A_519 : memref<64x129xf32, #tpu.memory_space<vmem>>[vector<16xi32>, vector<16xi32>], vector<16xf32>,
        %scan3A_528 = arith.constant 3 : i32
        %scan3A_529 = arith.addi %scan3A_298, %scan3A_528 : i32
        %mul3A_530 = arith.constant 1 : i32
        %mul3A_531 = arith.muli %scan3A_529, %mul3A_530 : i32
        %add3A_532 = arith.constant 0 : i32
        %add3A_533 = arith.addi %add3A_532, %mul3A_531 : i32
        %broadcast_in_dim3A_534 = arith.constant 0 : i32
        %broadcast_in_dim3A_535 = vector.broadcast %broadcast_in_dim3A_534 : i32 to vector<16xi32>
        %add3A_536 = vector.broadcast %add3A_533 : i32 to vector<16xi32>
        %add3A_537 = arith.addi %broadcast_in_dim3A_535, %add3A_536 : vector<16xi32>
        %get3A_538 = arith.constant 0 : i32
        %get3A_539 = arith.index_cast %get3A_538 : i32 to index
        %get3A_540 = arith.index_cast %add3A_533 : i32 to index
        %get3A_541 = arith.constant 0 : index
        %get3A_542 = tpu.vector_load %arg8[%get3A_539, %get3A_540, %get3A_541] {strides = array<i32>} : memref<4x128x64xf32, #tpu.memory_space<vmem>>, vector<16xf32>,
        %get3A_543 = arith.index_cast %add3A_533 : i32 to index
        %get3A_544 = arith.constant 0 : index
        %get3A_545 = tpu.vector_load %arg6[%get3A_543, %get3A_544] {strides = array<i32>} : memref<128x64xf32, #tpu.memory_space<vmem>>, vector<16xf32>,
        %add3A_546 = arith.addf %get3A_542, %get3A_545 : vector<16xf32>
        %add3A_547 = arith.constant 0 : i32
        %add3A_548 = vector.broadcast %add3A_547 : i32 to vector<16xi32>
        %add3A_549 = arith.addi %iota3A, %add3A_548 : vector<16xi32>
        %scatter3A_550 = arith.constant 0 : i32
        %scatter3A_551 = arith.constant 0 : i32
        %scatter3A_552 = arith.constant 0 : i32
        %scatter3A_553 = tpu.memref_slice %arg9[%scatter3A_550, %scatter3A_551, %scatter3A_552] : memref<4x64x129xf32, #tpu.memory_space<vmem>> -> memref<1x64x129xf32, #tpu.memory_space<vmem>>
        %scatter3A_554 = tpu.memref_squeeze %scatter3A_553 : memref<1x64x129xf32, #tpu.memory_space<vmem>> -> memref<64x129xf32, #tpu.memory_space<vmem>>
        tpu.vector_store_idx %scatter3A_554[%add3A_549, %add3A_537], %add3A_546 : memref<64x129xf32, #tpu.memory_space<vmem>>[vector<16xi32>, vector<16xi32>], vector<16xf32>,
        %get3A_555 = arith.constant 0 : i32
        %get3A_556 = arith.index_cast %get3A_555 : i32 to index
        %get3A_557 = arith.index_cast %add3A_533 : i32 to index
        %get3A_558 = arith.constant 16 : index
        %get3A_559 = tpu.vector_load %arg8[%get3A_556, %get3A_557, %get3A_558] {strides = array<i32>} : memref<4x128x64xf32, #tpu.memory_space<vmem>>, vector<16xf32>,
        %get3A_560 = arith.index_cast %add3A_533 : i32 to index
        %get3A_561 = arith.constant 16 : index
        %get3A_562 = tpu.vector_load %arg6[%get3A_560, %get3A_561] {strides = array<i32>} : memref<128x64xf32, #tpu.memory_space<vmem>>, vector<16xf32>,
        %add3A_563 = arith.addf %get3A_559, %get3A_562 : vector<16xf32>
        %add3A_564 = arith.constant 16 : i32
        %add3A_565 = vector.broadcast %add3A_564 : i32 to vector<16xi32>
        %add3A_566 = arith.addi %iota3A, %add3A_565 : vector<16xi32>
        %scatter3A_567 = arith.constant 0 : i32
        %scatter3A_568 = arith.constant 0 : i32
        %scatter3A_569 = arith.constant 0 : i32
        %scatter3A_570 = tpu.memref_slice %arg9[%scatter3A_567, %scatter3A_568, %scatter3A_569] : memref<4x64x129xf32, #tpu.memory_space<vmem>> -> memref<1x64x129xf32, #tpu.memory_space<vmem>>
        %scatter3A_571 = tpu.memref_squeeze %scatter3A_570 : memref<1x64x129xf32, #tpu.memory_space<vmem>> -> memref<64x129xf32, #tpu.memory_space<vmem>>
        tpu.vector_store_idx %scatter3A_571[%add3A_566, %add3A_537], %add3A_563 : memref<64x129xf32, #tpu.memory_space<vmem>>[vector<16xi32>, vector<16xi32>], vector<16xf32>,
        %get3A_572 = arith.constant 0 : i32
        %get3A_573 = arith.index_cast %get3A_572 : i32 to index
        %get3A_574 = arith.index_cast %add3A_533 : i32 to index
        %get3A_575 = arith.constant 32 : index
        %get3A_576 = tpu.vector_load %arg8[%get3A_573, %get3A_574, %get3A_575] {strides = array<i32>} : memref<4x128x64xf32, #tpu.memory_space<vmem>>, vector<16xf32>,
        %get3A_577 = arith.index_cast %add3A_533 : i32 to index
        %get3A_578 = arith.constant 32 : index
        %get3A_579 = tpu.vector_load %arg6[%get3A_577, %get3A_578] {strides = array<i32>} : memref<128x64xf32, #tpu.memory_space<vmem>>, vector<16xf32>,
        %add3A_580 = arith.addf %get3A_576, %get3A_579 : vector<16xf32>
        %add3A_581 = arith.constant 32 : i32
        %add3A_582 = vector.broadcast %add3A_581 : i32 to vector<16xi32>
        %add3A_583 = arith.addi %iota3A, %add3A_582 : vector<16xi32>
        %scatter3A_584 = arith.constant 0 : i32
        %scatter3A_585 = arith.constant 0 : i32
        %scatter3A_586 = arith.constant 0 : i32
        %scatter3A_587 = tpu.memref_slice %arg9[%scatter3A_584, %scatter3A_585, %scatter3A_586] : memref<4x64x129xf32, #tpu.memory_space<vmem>> -> memref<1x64x129xf32, #tpu.memory_space<vmem>>
        %scatter3A_588 = tpu.memref_squeeze %scatter3A_587 : memref<1x64x129xf32, #tpu.memory_space<vmem>> -> memref<64x129xf32, #tpu.memory_space<vmem>>
        tpu.vector_store_idx %scatter3A_588[%add3A_583, %add3A_537], %add3A_580 : memref<64x129xf32, #tpu.memory_space<vmem>>[vector<16xi32>, vector<16xi32>], vector<16xf32>,
        %get3A_589 = arith.constant 0 : i32
        %get3A_590 = arith.index_cast %get3A_589 : i32 to index
        %get3A_591 = arith.index_cast %add3A_533 : i32 to index
        %get3A_592 = arith.constant 48 : index
        %get3A_593 = tpu.vector_load %arg8[%get3A_590, %get3A_591, %get3A_592] {strides = array<i32>} : memref<4x128x64xf32, #tpu.memory_space<vmem>>, vector<16xf32>,
        %get3A_594 = arith.index_cast %add3A_533 : i32 to index
        %get3A_595 = arith.constant 48 : index
        %get3A_596 = tpu.vector_load %arg6[%get3A_594, %get3A_595] {strides = array<i32>} : memref<128x64xf32, #tpu.memory_space<vmem>>, vector<16xf32>,
        %add3A_597 = arith.addf %get3A_593, %get3A_596 : vector<16xf32>
        %add3A_598 = arith.constant 48 : i32
        %add3A_599 = vector.broadcast %add3A_598 : i32 to vector<16xi32>
        %add3A_600 = arith.addi %iota3A, %add3A_599 : vector<16xi32>
        %scatter3A_601 = arith.constant 0 : i32
        %scatter3A_602 = arith.constant 0 : i32
        %scatter3A_603 = arith.constant 0 : i32
        %scatter3A_604 = tpu.memref_slice %arg9[%scatter3A_601, %scatter3A_602, %scatter3A_603] : memref<4x64x129xf32, #tpu.memory_space<vmem>> -> memref<1x64x129xf32, #tpu.memory_space<vmem>>
        %scatter3A_605 = tpu.memref_squeeze %scatter3A_604 : memref<1x64x129xf32, #tpu.memory_space<vmem>> -> memref<64x129xf32, #tpu.memory_space<vmem>>
        tpu.vector_store_idx %scatter3A_605[%add3A_600, %add3A_537], %add3A_597 : memref<64x129xf32, #tpu.memory_space<vmem>>[vector<16xi32>, vector<16xi32>], vector<16xf32>,
      }
      %scan3A_135 = arith.constant 128 : i32
      %add3A_136 = arith.addi %mul3A_2, %add3A_111 : i32
      %dma_start3A_137 = arith.constant 0 : i32
      %dma_start3A_138 = arith.constant 0 : i32
      %dma_start3A_139 = arith.constant 0 : i32
      %dma_start3A_140 = tpu.memref_slice %arg9[%dma_start3A_137, %dma_start3A_138, %dma_start3A_139] : memref<4x64x129xf32, #tpu.memory_space<vmem>> -> memref<1x64x128xf32, #tpu.memory_space<vmem>>
      %dma_start3A_141 = tpu.memref_squeeze %dma_start3A_140 : memref<1x64x128xf32, #tpu.memory_space<vmem>> -> memref<64x128xf32, #tpu.memory_space<vmem>>
      %dma_start3A_142 = arith.constant 0 : i32
      %dma_start3A_143 = arith.constant 0 : i32
      %dma_start3A_144 = tpu.memref_slice %arg5[%add3A_136, %dma_start3A_142, %dma_start3A_143] : memref<4096x64x128xf32, #tpu.memory_space<hbm>> -> memref<1x64x128xf32, #tpu.memory_space<hbm>>
      %dma_start3A_145 = tpu.memref_squeeze %dma_start3A_144 : memref<1x64x128xf32, #tpu.memory_space<hbm>> -> memref<64x128xf32, #tpu.memory_space<hbm>>
      %dma_start3A_146 = arith.constant 0 : i32
      %dma_start3A_147 = arith.constant 0 : i32
      %dma_start3A_148 = tpu.memref_slice %arg5[%add3A_136, %dma_start3A_146, %dma_start3A_147] : memref<4096x64x128xf32, #tpu.memory_space<hbm>> -> memref<1x64x128xf32, #tpu.memory_space<hbm>>
      %dma_start3A_149 = tpu.memref_squeeze %dma_start3A_148 : memref<1x64x128xf32, #tpu.memory_space<hbm>> -> memref<64x128xf32, #tpu.memory_space<hbm>>
      %dma_start3A_150 = arith.constant 0 : i32
      %dma_start3A_151 = arith.constant 0 : i32
      %dma_start3A_152 = tpu.memref_slice %arg9[%dma_start3A_137, %dma_start3A_150, %dma_start3A_151] : memref<4x64x129xf32, #tpu.memory_space<vmem>> -> memref<1x64x128xf32, #tpu.memory_space<vmem>>
      %dma_start3A_153 = tpu.memref_squeeze %dma_start3A_152 : memref<1x64x128xf32, #tpu.memory_space<vmem>> -> memref<64x128xf32, #tpu.memory_space<vmem>>
      tpu.enqueue_dma source(%dma_start3A_153 : memref<64x128xf32, #tpu.memory_space<vmem>>) target(%dma_start3A_149 : memref<64x128xf32, #tpu.memory_space<hbm>>) target_semaphore(%arg14 : memref<!tpu.dma_semaphore, #tpu.memory_space<semaphore_mem>>)
      %add3A_154 = arith.constant 1 : i32
      %add3A_155 = arith.addi %add3A_109, %add3A_154 : i32
      %add3A_156 = arith.constant 2 : i32
      %add3A_157 = arith.addi %add3A_155, %add3A_156 : i32
      %lt3A_158 = arith.constant 128 : i32
      %lt3A_159 = arith.cmpi slt, %add3A_157, %lt3A_158 : i32
      %convert_element_type3A_160 = arith.extui %lt3A_159 : i1 to i32
      %cond3A_161 = arith.constant 0 : i32
      %cond3A_162 = arith.cmpi ne, %convert_element_type3A_160, %cond3A_161 : i32
      scf.if %cond3A_162 {
        %dma_start3A_298 = arith.constant 3 : i32
        %dma_start3A_299 = arith.constant 0 : i32
        %dma_start3A_300 = arith.constant 0 : i32
        %dma_start3A_301 = tpu.memref_slice %arg8[%dma_start3A_298, %dma_start3A_299, %dma_start3A_300] : memref<4x128x64xf32, #tpu.memory_space<vmem>> -> memref<1x128x64xf32, #tpu.memory_space<vmem>>
        %dma_start3A_302 = tpu.memref_squeeze %dma_start3A_301 : memref<1x128x64xf32, #tpu.memory_space<vmem>> -> memref<128x64xf32, #tpu.memory_space<vmem>>
        %dma_start3A_303 = arith.constant 0 : i32
        %dma_start3A_304 = tpu.memref_slice %arg7[%add3A_157, %dma_start3A_303] : memref<128x128xi32, #tpu.memory_space<vmem>> -> memref<1x128xi32, #tpu.memory_space<vmem>>
        %dma_start3A_305 = tpu.memref_squeeze %dma_start3A_304 : memref<1x128xi32, #tpu.memory_space<vmem>> -> memref<128xi32, #tpu.memory_space<vmem>>
        %dma_start3A_306 = arith.constant 0 : i32
        %dma_start3A_307 = arith.constant 0 : i32
        %dma_start3A_308 = tpu.memref_slice %arg3[%dma_start3A_306, %dma_start3A_307] : memref<30522x64xf32, #tpu.memory_space<hbm>> -> memref<30522x64xf32, #tpu.memory_space<hbm>>
        tpu.enqueue_indirect_dma source(%dma_start3A_308 : memref<30522x64xf32, #tpu.memory_space<hbm>>) target(%dma_start3A_302 : memref<128x64xf32, #tpu.memory_space<vmem>>) offsets(%dma_start3A_305 : memref<128xi32, #tpu.memory_space<vmem>>) semaphore(%arg13 : memref<!tpu.dma_semaphore, #tpu.memory_space<semaphore_mem>>)
      } else {
      }
      %dma_wait3A_163 = arith.constant 1 : i32
      %dma_wait3A_164 = arith.constant 0 : i32
      %dma_wait3A_165 = arith.constant 0 : i32
      %dma_wait3A_166 = tpu.memref_slice %arg8[%dma_wait3A_163, %dma_wait3A_164, %dma_wait3A_165] : memref<4x128x64xf32, #tpu.memory_space<vmem>> -> memref<1x128x64xf32, #tpu.memory_space<vmem>>
      %dma_wait3A_167 = tpu.memref_squeeze %dma_wait3A_166 : memref<1x128x64xf32, #tpu.memory_space<vmem>> -> memref<128x64xf32, #tpu.memory_space<vmem>>
      %dma_wait3A_168 = arith.constant 0 : i32
      %dma_wait3A_169 = tpu.memref_slice %arg7[%add3A_155, %dma_wait3A_168] : memref<128x128xi32, #tpu.memory_space<vmem>> -> memref<1x128xi32, #tpu.memory_space<vmem>>
      %dma_wait3A_170 = tpu.memref_squeeze %dma_wait3A_169 : memref<1x128xi32, #tpu.memory_space<vmem>> -> memref<128xi32, #tpu.memory_space<vmem>>
      %dma_wait3A_171 = arith.constant 0 : i32
      %dma_wait3A_172 = arith.constant 0 : i32
      %dma_wait3A_173 = tpu.memref_slice %arg3[%dma_wait3A_171, %dma_wait3A_172] : memref<30522x64xf32, #tpu.memory_space<hbm>> -> memref<30522x64xf32, #tpu.memory_space<hbm>>
      tpu.wait_indirect_dma semaphore(%arg11 : memref<!tpu.dma_semaphore, #tpu.memory_space<semaphore_mem>>) src(%dma_wait3A_173 : memref<30522x64xf32, #tpu.memory_space<hbm>>) dst(%dma_wait3A_167 : memref<128x64xf32, #tpu.memory_space<vmem>>)
      %ge3A_174 = arith.constant 4 : i32
      %ge3A_175 = arith.cmpi sge, %add3A_155, %ge3A_174 : i32
      %convert_element_type3A_176 = arith.extui %ge3A_175 : i1 to i32
      %cond3A_177 = arith.constant 0 : i32
      %cond3A_178 = arith.cmpi ne, %convert_element_type3A_176, %cond3A_177 : i32
      scf.if %cond3A_178 {
        %sub3A = arith.constant 4 : i32
        %sub3A_298 = arith.subi %add3A_155, %sub3A : i32
        %add3A_299 = arith.addi %mul3A_2, %sub3A_298 : i32
        %dma_wait3A_300 = arith.constant 1 : i32
        %dma_wait3A_301 = arith.constant 0 : i32
        %dma_wait3A_302 = arith.constant 0 : i32
        %dma_wait3A_303 = tpu.memref_slice %arg9[%dma_wait3A_300, %dma_wait3A_301, %dma_wait3A_302] : memref<4x64x129xf32, #tpu.memory_space<vmem>> -> memref<1x64x128xf32, #tpu.memory_space<vmem>>
        %dma_wait3A_304 = tpu.memref_squeeze %dma_wait3A_303 : memref<1x64x128xf32, #tpu.memory_space<vmem>> -> memref<64x128xf32, #tpu.memory_space<vmem>>
        %dma_wait3A_305 = arith.constant 0 : i32
        %dma_wait3A_306 = arith.constant 0 : i32
        %dma_wait3A_307 = tpu.memref_slice %arg5[%add3A_299, %dma_wait3A_305, %dma_wait3A_306] : memref<4096x64x128xf32, #tpu.memory_space<hbm>> -> memref<1x64x128xf32, #tpu.memory_space<hbm>>
        %dma_wait3A_308 = tpu.memref_squeeze %dma_wait3A_307 : memref<1x64x128xf32, #tpu.memory_space<hbm>> -> memref<64x128xf32, #tpu.memory_space<hbm>>
        %dma_wait3A_309 = arith.constant 0 : i32
        %dma_wait3A_310 = arith.constant 0 : i32
        %dma_wait3A_311 = tpu.memref_slice %arg5[%add3A_299, %dma_wait3A_309, %dma_wait3A_310] : memref<4096x64x128xf32, #tpu.memory_space<hbm>> -> memref<1x64x128xf32, #tpu.memory_space<hbm>>
        %dma_wait3A_312 = tpu.memref_squeeze %dma_wait3A_311 : memref<1x64x128xf32, #tpu.memory_space<hbm>> -> memref<64x128xf32, #tpu.memory_space<hbm>>
        %dma_wait3A_313 = arith.constant 0 : i32
        %dma_wait3A_314 = arith.constant 0 : i32
        %dma_wait3A_315 = tpu.memref_slice %arg9[%dma_wait3A_300, %dma_wait3A_313, %dma_wait3A_314] : memref<4x64x129xf32, #tpu.memory_space<vmem>> -> memref<1x64x128xf32, #tpu.memory_space<vmem>>
        %dma_wait3A_316 = tpu.memref_squeeze %dma_wait3A_315 : memref<1x64x128xf32, #tpu.memory_space<vmem>> -> memref<64x128xf32, #tpu.memory_space<vmem>>
        tpu.wait_dma2 semaphore(%arg15 : memref<!tpu.dma_semaphore, #tpu.memory_space<semaphore_mem>>) src(%dma_wait3A_316 : memref<64x128xf32, #tpu.memory_space<vmem>>) dst(%dma_wait3A_312 : memref<64x128xf32, #tpu.memory_space<hbm>>)
      } else {
      }
      %scan3A_179 = arith.constant 0 : i32
      %scan3A_180 = arith.constant 128 : i32
      %scan3A_181 = arith.addi %scan3A_179, %scan3A_180 : i32
      %scan3A_182 = arith.constant 4 : i32
      scf.for %scan3A_298 = %scan3A_179 to %scan3A_181 step %scan3A_182  : i32 {
        %mul3A_299 = arith.constant 1 : i32
        %mul3A_300 = arith.muli %scan3A_298, %mul3A_299 : i32
        %add3A_301 = arith.constant 0 : i32
        %add3A_302 = arith.addi %add3A_301, %mul3A_300 : i32
        %broadcast_in_dim3A = arith.constant 0 : i32
        %broadcast_in_dim3A_303 = vector.broadcast %broadcast_in_dim3A : i32 to vector<16xi32>
        %add3A_304 = vector.broadcast %add3A_302 : i32 to vector<16xi32>
        %add3A_305 = arith.addi %broadcast_in_dim3A_303, %add3A_304 : vector<16xi32>
        %get3A = arith.constant 1 : i32
        %get3A_306 = arith.index_cast %get3A : i32 to index
        %get3A_307 = arith.index_cast %add3A_302 : i32 to index
        %get3A_308 = arith.constant 0 : index
        %get3A_309 = tpu.vector_load %arg8[%get3A_306, %get3A_307, %get3A_308] {strides = array<i32>} : memref<4x128x64xf32, #tpu.memory_space<vmem>>, vector<16xf32>,
        %get3A_310 = arith.index_cast %add3A_302 : i32 to index
        %get3A_311 = arith.constant 0 : index
        %get3A_312 = tpu.vector_load %arg6[%get3A_310, %get3A_311] {strides = array<i32>} : memref<128x64xf32, #tpu.memory_space<vmem>>, vector<16xf32>,
        %add3A_313 = arith.addf %get3A_309, %get3A_312 : vector<16xf32>
        %add3A_314 = arith.constant 0 : i32
        %add3A_315 = vector.broadcast %add3A_314 : i32 to vector<16xi32>
        %add3A_316 = arith.addi %iota3A, %add3A_315 : vector<16xi32>
        %scatter3A = arith.constant 1 : i32
        %scatter3A_317 = arith.constant 0 : i32
        %scatter3A_318 = arith.constant 0 : i32
        %scatter3A_319 = tpu.memref_slice %arg9[%scatter3A, %scatter3A_317, %scatter3A_318] : memref<4x64x129xf32, #tpu.memory_space<vmem>> -> memref<1x64x129xf32, #tpu.memory_space<vmem>>
        %scatter3A_320 = tpu.memref_squeeze %scatter3A_319 : memref<1x64x129xf32, #tpu.memory_space<vmem>> -> memref<64x129xf32, #tpu.memory_space<vmem>>
        tpu.vector_store_idx %scatter3A_320[%add3A_316, %add3A_305], %add3A_313 : memref<64x129xf32, #tpu.memory_space<vmem>>[vector<16xi32>, vector<16xi32>], vector<16xf32>,
        %get3A_321 = arith.constant 1 : i32
        %get3A_322 = arith.index_cast %get3A_321 : i32 to index
        %get3A_323 = arith.index_cast %add3A_302 : i32 to index
        %get3A_324 = arith.constant 16 : index
        %get3A_325 = tpu.vector_load %arg8[%get3A_322, %get3A_323, %get3A_324] {strides = array<i32>} : memref<4x128x64xf32, #tpu.memory_space<vmem>>, vector<16xf32>,
        %get3A_326 = arith.index_cast %add3A_302 : i32 to index
        %get3A_327 = arith.constant 16 : index
        %get3A_328 = tpu.vector_load %arg6[%get3A_326, %get3A_327] {strides = array<i32>} : memref<128x64xf32, #tpu.memory_space<vmem>>, vector<16xf32>,
        %add3A_329 = arith.addf %get3A_325, %get3A_328 : vector<16xf32>
        %add3A_330 = arith.constant 16 : i32
        %add3A_331 = vector.broadcast %add3A_330 : i32 to vector<16xi32>
        %add3A_332 = arith.addi %iota3A, %add3A_331 : vector<16xi32>
        %scatter3A_333 = arith.constant 1 : i32
        %scatter3A_334 = arith.constant 0 : i32
        %scatter3A_335 = arith.constant 0 : i32
        %scatter3A_336 = tpu.memref_slice %arg9[%scatter3A_333, %scatter3A_334, %scatter3A_335] : memref<4x64x129xf32, #tpu.memory_space<vmem>> -> memref<1x64x129xf32, #tpu.memory_space<vmem>>
        %scatter3A_337 = tpu.memref_squeeze %scatter3A_336 : memref<1x64x129xf32, #tpu.memory_space<vmem>> -> memref<64x129xf32, #tpu.memory_space<vmem>>
        tpu.vector_store_idx %scatter3A_337[%add3A_332, %add3A_305], %add3A_329 : memref<64x129xf32, #tpu.memory_space<vmem>>[vector<16xi32>, vector<16xi32>], vector<16xf32>,
        %get3A_338 = arith.constant 1 : i32
        %get3A_339 = arith.index_cast %get3A_338 : i32 to index
        %get3A_340 = arith.index_cast %add3A_302 : i32 to index
        %get3A_341 = arith.constant 32 : index
        %get3A_342 = tpu.vector_load %arg8[%get3A_339, %get3A_340, %get3A_341] {strides = array<i32>} : memref<4x128x64xf32, #tpu.memory_space<vmem>>, vector<16xf32>,
        %get3A_343 = arith.index_cast %add3A_302 : i32 to index
        %get3A_344 = arith.constant 32 : index
        %get3A_345 = tpu.vector_load %arg6[%get3A_343, %get3A_344] {strides = array<i32>} : memref<128x64xf32, #tpu.memory_space<vmem>>, vector<16xf32>,
        %add3A_346 = arith.addf %get3A_342, %get3A_345 : vector<16xf32>
        %add3A_347 = arith.constant 32 : i32
        %add3A_348 = vector.broadcast %add3A_347 : i32 to vector<16xi32>
        %add3A_349 = arith.addi %iota3A, %add3A_348 : vector<16xi32>
        %scatter3A_350 = arith.constant 1 : i32
        %scatter3A_351 = arith.constant 0 : i32
        %scatter3A_352 = arith.constant 0 : i32
        %scatter3A_353 = tpu.memref_slice %arg9[%scatter3A_350, %scatter3A_351, %scatter3A_352] : memref<4x64x129xf32, #tpu.memory_space<vmem>> -> memref<1x64x129xf32, #tpu.memory_space<vmem>>
        %scatter3A_354 = tpu.memref_squeeze %scatter3A_353 : memref<1x64x129xf32, #tpu.memory_space<vmem>> -> memref<64x129xf32, #tpu.memory_space<vmem>>
        tpu.vector_store_idx %scatter3A_354[%add3A_349, %add3A_305], %add3A_346 : memref<64x129xf32, #tpu.memory_space<vmem>>[vector<16xi32>, vector<16xi32>], vector<16xf32>,
        %get3A_355 = arith.constant 1 : i32
        %get3A_356 = arith.index_cast %get3A_355 : i32 to index
        %get3A_357 = arith.index_cast %add3A_302 : i32 to index
        %get3A_358 = arith.constant 48 : index
        %get3A_359 = tpu.vector_load %arg8[%get3A_356, %get3A_357, %get3A_358] {strides = array<i32>} : memref<4x128x64xf32, #tpu.memory_space<vmem>>, vector<16xf32>,
        %get3A_360 = arith.index_cast %add3A_302 : i32 to index
        %get3A_361 = arith.constant 48 : index
        %get3A_362 = tpu.vector_load %arg6[%get3A_360, %get3A_361] {strides = array<i32>} : memref<128x64xf32, #tpu.memory_space<vmem>>, vector<16xf32>,
        %add3A_363 = arith.addf %get3A_359, %get3A_362 : vector<16xf32>
        %add3A_364 = arith.constant 48 : i32
        %add3A_365 = vector.broadcast %add3A_364 : i32 to vector<16xi32>
        %add3A_366 = arith.addi %iota3A, %add3A_365 : vector<16xi32>
        %scatter3A_367 = arith.constant 1 : i32
        %scatter3A_368 = arith.constant 0 : i32
        %scatter3A_369 = arith.constant 0 : i32
        %scatter3A_370 = tpu.memref_slice %arg9[%scatter3A_367, %scatter3A_368, %scatter3A_369] : memref<4x64x129xf32, #tpu.memory_space<vmem>> -> memref<1x64x129xf32, #tpu.memory_space<vmem>>
        %scatter3A_371 = tpu.memref_squeeze %scatter3A_370 : memref<1x64x129xf32, #tpu.memory_space<vmem>> -> memref<64x129xf32, #tpu.memory_space<vmem>>
        tpu.vector_store_idx %scatter3A_371[%add3A_366, %add3A_305], %add3A_363 : memref<64x129xf32, #tpu.memory_space<vmem>>[vector<16xi32>, vector<16xi32>], vector<16xf32>,
        %scan3A_372 = arith.constant 1 : i32
        %scan3A_373 = arith.addi %scan3A_298, %scan3A_372 : i32
        %mul3A_374 = arith.constant 1 : i32
        %mul3A_375 = arith.muli %scan3A_373, %mul3A_374 : i32
        %add3A_376 = arith.constant 0 : i32
        %add3A_377 = arith.addi %add3A_376, %mul3A_375 : i32
        %broadcast_in_dim3A_378 = arith.constant 0 : i32
        %broadcast_in_dim3A_379 = vector.broadcast %broadcast_in_dim3A_378 : i32 to vector<16xi32>
        %add3A_380 = vector.broadcast %add3A_377 : i32 to vector<16xi32>
        %add3A_381 = arith.addi %broadcast_in_dim3A_379, %add3A_380 : vector<16xi32>
        %get3A_382 = arith.constant 1 : i32
        %get3A_383 = arith.index_cast %get3A_382 : i32 to index
        %get3A_384 = arith.index_cast %add3A_377 : i32 to index
        %get3A_385 = arith.constant 0 : index
        %get3A_386 = tpu.vector_load %arg8[%get3A_383, %get3A_384, %get3A_385] {strides = array<i32>} : memref<4x128x64xf32, #tpu.memory_space<vmem>>, vector<16xf32>,
        %get3A_387 = arith.index_cast %add3A_377 : i32 to index
        %get3A_388 = arith.constant 0 : index
        %get3A_389 = tpu.vector_load %arg6[%get3A_387, %get3A_388] {strides = array<i32>} : memref<128x64xf32, #tpu.memory_space<vmem>>, vector<16xf32>,
        %add3A_390 = arith.addf %get3A_386, %get3A_389 : vector<16xf32>
        %add3A_391 = arith.constant 0 : i32
        %add3A_392 = vector.broadcast %add3A_391 : i32 to vector<16xi32>
        %add3A_393 = arith.addi %iota3A, %add3A_392 : vector<16xi32>
        %scatter3A_394 = arith.constant 1 : i32
        %scatter3A_395 = arith.constant 0 : i32
        %scatter3A_396 = arith.constant 0 : i32
        %scatter3A_397 = tpu.memref_slice %arg9[%scatter3A_394, %scatter3A_395, %scatter3A_396] : memref<4x64x129xf32, #tpu.memory_space<vmem>> -> memref<1x64x129xf32, #tpu.memory_space<vmem>>
        %scatter3A_398 = tpu.memref_squeeze %scatter3A_397 : memref<1x64x129xf32, #tpu.memory_space<vmem>> -> memref<64x129xf32, #tpu.memory_space<vmem>>
        tpu.vector_store_idx %scatter3A_398[%add3A_393, %add3A_381], %add3A_390 : memref<64x129xf32, #tpu.memory_space<vmem>>[vector<16xi32>, vector<16xi32>], vector<16xf32>,
        %get3A_399 = arith.constant 1 : i32
        %get3A_400 = arith.index_cast %get3A_399 : i32 to index
        %get3A_401 = arith.index_cast %add3A_377 : i32 to index
        %get3A_402 = arith.constant 16 : index
        %get3A_403 = tpu.vector_load %arg8[%get3A_400, %get3A_401, %get3A_402] {strides = array<i32>} : memref<4x128x64xf32, #tpu.memory_space<vmem>>, vector<16xf32>,
        %get3A_404 = arith.index_cast %add3A_377 : i32 to index
        %get3A_405 = arith.constant 16 : index
        %get3A_406 = tpu.vector_load %arg6[%get3A_404, %get3A_405] {strides = array<i32>} : memref<128x64xf32, #tpu.memory_space<vmem>>, vector<16xf32>,
        %add3A_407 = arith.addf %get3A_403, %get3A_406 : vector<16xf32>
        %add3A_408 = arith.constant 16 : i32
        %add3A_409 = vector.broadcast %add3A_408 : i32 to vector<16xi32>
        %add3A_410 = arith.addi %iota3A, %add3A_409 : vector<16xi32>
        %scatter3A_411 = arith.constant 1 : i32
        %scatter3A_412 = arith.constant 0 : i32
        %scatter3A_413 = arith.constant 0 : i32
        %scatter3A_414 = tpu.memref_slice %arg9[%scatter3A_411, %scatter3A_412, %scatter3A_413] : memref<4x64x129xf32, #tpu.memory_space<vmem>> -> memref<1x64x129xf32, #tpu.memory_space<vmem>>
        %scatter3A_415 = tpu.memref_squeeze %scatter3A_414 : memref<1x64x129xf32, #tpu.memory_space<vmem>> -> memref<64x129xf32, #tpu.memory_space<vmem>>
        tpu.vector_store_idx %scatter3A_415[%add3A_410, %add3A_381], %add3A_407 : memref<64x129xf32, #tpu.memory_space<vmem>>[vector<16xi32>, vector<16xi32>], vector<16xf32>,
        %get3A_416 = arith.constant 1 : i32
        %get3A_417 = arith.index_cast %get3A_416 : i32 to index
        %get3A_418 = arith.index_cast %add3A_377 : i32 to index
        %get3A_419 = arith.constant 32 : index
        %get3A_420 = tpu.vector_load %arg8[%get3A_417, %get3A_418, %get3A_419] {strides = array<i32>} : memref<4x128x64xf32, #tpu.memory_space<vmem>>, vector<16xf32>,
        %get3A_421 = arith.index_cast %add3A_377 : i32 to index
        %get3A_422 = arith.constant 32 : index
        %get3A_423 = tpu.vector_load %arg6[%get3A_421, %get3A_422] {strides = array<i32>} : memref<128x64xf32, #tpu.memory_space<vmem>>, vector<16xf32>,
        %add3A_424 = arith.addf %get3A_420, %get3A_423 : vector<16xf32>
        %add3A_425 = arith.constant 32 : i32
        %add3A_426 = vector.broadcast %add3A_425 : i32 to vector<16xi32>
        %add3A_427 = arith.addi %iota3A, %add3A_426 : vector<16xi32>
        %scatter3A_428 = arith.constant 1 : i32
        %scatter3A_429 = arith.constant 0 : i32
        %scatter3A_430 = arith.constant 0 : i32
        %scatter3A_431 = tpu.memref_slice %arg9[%scatter3A_428, %scatter3A_429, %scatter3A_430] : memref<4x64x129xf32, #tpu.memory_space<vmem>> -> memref<1x64x129xf32, #tpu.memory_space<vmem>>
        %scatter3A_432 = tpu.memref_squeeze %scatter3A_431 : memref<1x64x129xf32, #tpu.memory_space<vmem>> -> memref<64x129xf32, #tpu.memory_space<vmem>>
        tpu.vector_store_idx %scatter3A_432[%add3A_427, %add3A_381], %add3A_424 : memref<64x129xf32, #tpu.memory_space<vmem>>[vector<16xi32>, vector<16xi32>], vector<16xf32>,
        %get3A_433 = arith.constant 1 : i32
        %get3A_434 = arith.index_cast %get3A_433 : i32 to index
        %get3A_435 = arith.index_cast %add3A_377 : i32 to index
        %get3A_436 = arith.constant 48 : index
        %get3A_437 = tpu.vector_load %arg8[%get3A_434, %get3A_435, %get3A_436] {strides = array<i32>} : memref<4x128x64xf32, #tpu.memory_space<vmem>>, vector<16xf32>,
        %get3A_438 = arith.index_cast %add3A_377 : i32 to index
        %get3A_439 = arith.constant 48 : index
        %get3A_440 = tpu.vector_load %arg6[%get3A_438, %get3A_439] {strides = array<i32>} : memref<128x64xf32, #tpu.memory_space<vmem>>, vector<16xf32>,
        %add3A_441 = arith.addf %get3A_437, %get3A_440 : vector<16xf32>
        %add3A_442 = arith.constant 48 : i32
        %add3A_443 = vector.broadcast %add3A_442 : i32 to vector<16xi32>
        %add3A_444 = arith.addi %iota3A, %add3A_443 : vector<16xi32>
        %scatter3A_445 = arith.constant 1 : i32
        %scatter3A_446 = arith.constant 0 : i32
        %scatter3A_447 = arith.constant 0 : i32
        %scatter3A_448 = tpu.memref_slice %arg9[%scatter3A_445, %scatter3A_446, %scatter3A_447] : memref<4x64x129xf32, #tpu.memory_space<vmem>> -> memref<1x64x129xf32, #tpu.memory_space<vmem>>
        %scatter3A_449 = tpu.memref_squeeze %scatter3A_448 : memref<1x64x129xf32, #tpu.memory_space<vmem>> -> memref<64x129xf32, #tpu.memory_space<vmem>>
        tpu.vector_store_idx %scatter3A_449[%add3A_444, %add3A_381], %add3A_441 : memref<64x129xf32, #tpu.memory_space<vmem>>[vector<16xi32>, vector<16xi32>], vector<16xf32>,
        %scan3A_450 = arith.constant 2 : i32
        %scan3A_451 = arith.addi %scan3A_298, %scan3A_450 : i32
        %mul3A_452 = arith.constant 1 : i32
        %mul3A_453 = arith.muli %scan3A_451, %mul3A_452 : i32
        %add3A_454 = arith.constant 0 : i32
        %add3A_455 = arith.addi %add3A_454, %mul3A_453 : i32
        %broadcast_in_dim3A_456 = arith.constant 0 : i32
        %broadcast_in_dim3A_457 = vector.broadcast %broadcast_in_dim3A_456 : i32 to vector<16xi32>
        %add3A_458 = vector.broadcast %add3A_455 : i32 to vector<16xi32>
        %add3A_459 = arith.addi %broadcast_in_dim3A_457, %add3A_458 : vector<16xi32>
        %get3A_460 = arith.constant 1 : i32
        %get3A_461 = arith.index_cast %get3A_460 : i32 to index
        %get3A_462 = arith.index_cast %add3A_455 : i32 to index
        %get3A_463 = arith.constant 0 : index
        %get3A_464 = tpu.vector_load %arg8[%get3A_461, %get3A_462, %get3A_463] {strides = array<i32>} : memref<4x128x64xf32, #tpu.memory_space<vmem>>, vector<16xf32>,
        %get3A_465 = arith.index_cast %add3A_455 : i32 to index
        %get3A_466 = arith.constant 0 : index
        %get3A_467 = tpu.vector_load %arg6[%get3A_465, %get3A_466] {strides = array<i32>} : memref<128x64xf32, #tpu.memory_space<vmem>>, vector<16xf32>,
        %add3A_468 = arith.addf %get3A_464, %get3A_467 : vector<16xf32>
        %add3A_469 = arith.constant 0 : i32
        %add3A_470 = vector.broadcast %add3A_469 : i32 to vector<16xi32>
        %add3A_471 = arith.addi %iota3A, %add3A_470 : vector<16xi32>
        %scatter3A_472 = arith.constant 1 : i32
        %scatter3A_473 = arith.constant 0 : i32
        %scatter3A_474 = arith.constant 0 : i32
        %scatter3A_475 = tpu.memref_slice %arg9[%scatter3A_472, %scatter3A_473, %scatter3A_474] : memref<4x64x129xf32, #tpu.memory_space<vmem>> -> memref<1x64x129xf32, #tpu.memory_space<vmem>>
        %scatter3A_476 = tpu.memref_squeeze %scatter3A_475 : memref<1x64x129xf32, #tpu.memory_space<vmem>> -> memref<64x129xf32, #tpu.memory_space<vmem>>
        tpu.vector_store_idx %scatter3A_476[%add3A_471, %add3A_459], %add3A_468 : memref<64x129xf32, #tpu.memory_space<vmem>>[vector<16xi32>, vector<16xi32>], vector<16xf32>,
        %get3A_477 = arith.constant 1 : i32
        %get3A_478 = arith.index_cast %get3A_477 : i32 to index
        %get3A_479 = arith.index_cast %add3A_455 : i32 to index
        %get3A_480 = arith.constant 16 : index
        %get3A_481 = tpu.vector_load %arg8[%get3A_478, %get3A_479, %get3A_480] {strides = array<i32>} : memref<4x128x64xf32, #tpu.memory_space<vmem>>, vector<16xf32>,
        %get3A_482 = arith.index_cast %add3A_455 : i32 to index
        %get3A_483 = arith.constant 16 : index
        %get3A_484 = tpu.vector_load %arg6[%get3A_482, %get3A_483] {strides = array<i32>} : memref<128x64xf32, #tpu.memory_space<vmem>>, vector<16xf32>,
        %add3A_485 = arith.addf %get3A_481, %get3A_484 : vector<16xf32>
        %add3A_486 = arith.constant 16 : i32
        %add3A_487 = vector.broadcast %add3A_486 : i32 to vector<16xi32>
        %add3A_488 = arith.addi %iota3A, %add3A_487 : vector<16xi32>
        %scatter3A_489 = arith.constant 1 : i32
        %scatter3A_490 = arith.constant 0 : i32
        %scatter3A_491 = arith.constant 0 : i32
        %scatter3A_492 = tpu.memref_slice %arg9[%scatter3A_489, %scatter3A_490, %scatter3A_491] : memref<4x64x129xf32, #tpu.memory_space<vmem>> -> memref<1x64x129xf32, #tpu.memory_space<vmem>>
        %scatter3A_493 = tpu.memref_squeeze %scatter3A_492 : memref<1x64x129xf32, #tpu.memory_space<vmem>> -> memref<64x129xf32, #tpu.memory_space<vmem>>
        tpu.vector_store_idx %scatter3A_493[%add3A_488, %add3A_459], %add3A_485 : memref<64x129xf32, #tpu.memory_space<vmem>>[vector<16xi32>, vector<16xi32>], vector<16xf32>,
        %get3A_494 = arith.constant 1 : i32
        %get3A_495 = arith.index_cast %get3A_494 : i32 to index
        %get3A_496 = arith.index_cast %add3A_455 : i32 to index
        %get3A_497 = arith.constant 32 : index
        %get3A_498 = tpu.vector_load %arg8[%get3A_495, %get3A_496, %get3A_497] {strides = array<i32>} : memref<4x128x64xf32, #tpu.memory_space<vmem>>, vector<16xf32>,
        %get3A_499 = arith.index_cast %add3A_455 : i32 to index
        %get3A_500 = arith.constant 32 : index
        %get3A_501 = tpu.vector_load %arg6[%get3A_499, %get3A_500] {strides = array<i32>} : memref<128x64xf32, #tpu.memory_space<vmem>>, vector<16xf32>,
        %add3A_502 = arith.addf %get3A_498, %get3A_501 : vector<16xf32>
        %add3A_503 = arith.constant 32 : i32
        %add3A_504 = vector.broadcast %add3A_503 : i32 to vector<16xi32>
        %add3A_505 = arith.addi %iota3A, %add3A_504 : vector<16xi32>
        %scatter3A_506 = arith.constant 1 : i32
        %scatter3A_507 = arith.constant 0 : i32
        %scatter3A_508 = arith.constant 0 : i32
        %scatter3A_509 = tpu.memref_slice %arg9[%scatter3A_506, %scatter3A_507, %scatter3A_508] : memref<4x64x129xf32, #tpu.memory_space<vmem>> -> memref<1x64x129xf32, #tpu.memory_space<vmem>>
        %scatter3A_510 = tpu.memref_squeeze %scatter3A_509 : memref<1x64x129xf32, #tpu.memory_space<vmem>> -> memref<64x129xf32, #tpu.memory_space<vmem>>
        tpu.vector_store_idx %scatter3A_510[%add3A_505, %add3A_459], %add3A_502 : memref<64x129xf32, #tpu.memory_space<vmem>>[vector<16xi32>, vector<16xi32>], vector<16xf32>,
        %get3A_511 = arith.constant 1 : i32
        %get3A_512 = arith.index_cast %get3A_511 : i32 to index
        %get3A_513 = arith.index_cast %add3A_455 : i32 to index
        %get3A_514 = arith.constant 48 : index
        %get3A_515 = tpu.vector_load %arg8[%get3A_512, %get3A_513, %get3A_514] {strides = array<i32>} : memref<4x128x64xf32, #tpu.memory_space<vmem>>, vector<16xf32>,
        %get3A_516 = arith.index_cast %add3A_455 : i32 to index
        %get3A_517 = arith.constant 48 : index
        %get3A_518 = tpu.vector_load %arg6[%get3A_516, %get3A_517] {strides = array<i32>} : memref<128x64xf32, #tpu.memory_space<vmem>>, vector<16xf32>,
        %add3A_519 = arith.addf %get3A_515, %get3A_518 : vector<16xf32>
        %add3A_520 = arith.constant 48 : i32
        %add3A_521 = vector.broadcast %add3A_520 : i32 to vector<16xi32>
        %add3A_522 = arith.addi %iota3A, %add3A_521 : vector<16xi32>
        %scatter3A_523 = arith.constant 1 : i32
        %scatter3A_524 = arith.constant 0 : i32
        %scatter3A_525 = arith.constant 0 : i32
        %scatter3A_526 = tpu.memref_slice %arg9[%scatter3A_523, %scatter3A_524, %scatter3A_525] : memref<4x64x129xf32, #tpu.memory_space<vmem>> -> memref<1x64x129xf32, #tpu.memory_space<vmem>>
        %scatter3A_527 = tpu.memref_squeeze %scatter3A_526 : memref<1x64x129xf32, #tpu.memory_space<vmem>> -> memref<64x129xf32, #tpu.memory_space<vmem>>
        tpu.vector_store_idx %scatter3A_527[%add3A_522, %add3A_459], %add3A_519 : memref<64x129xf32, #tpu.memory_space<vmem>>[vector<16xi32>, vector<16xi32>], vector<16xf32>,
        %scan3A_528 = arith.constant 3 : i32
        %scan3A_529 = arith.addi %scan3A_298, %scan3A_528 : i32
        %mul3A_530 = arith.constant 1 : i32
        %mul3A_531 = arith.muli %scan3A_529, %mul3A_530 : i32
        %add3A_532 = arith.constant 0 : i32
        %add3A_533 = arith.addi %add3A_532, %mul3A_531 : i32
        %broadcast_in_dim3A_534 = arith.constant 0 : i32
        %broadcast_in_dim3A_535 = vector.broadcast %broadcast_in_dim3A_534 : i32 to vector<16xi32>
        %add3A_536 = vector.broadcast %add3A_533 : i32 to vector<16xi32>
        %add3A_537 = arith.addi %broadcast_in_dim3A_535, %add3A_536 : vector<16xi32>
        %get3A_538 = arith.constant 1 : i32
        %get3A_539 = arith.index_cast %get3A_538 : i32 to index
        %get3A_540 = arith.index_cast %add3A_533 : i32 to index
        %get3A_541 = arith.constant 0 : index
        %get3A_542 = tpu.vector_load %arg8[%get3A_539, %get3A_540, %get3A_541] {strides = array<i32>} : memref<4x128x64xf32, #tpu.memory_space<vmem>>, vector<16xf32>,
        %get3A_543 = arith.index_cast %add3A_533 : i32 to index
        %get3A_544 = arith.constant 0 : index
        %get3A_545 = tpu.vector_load %arg6[%get3A_543, %get3A_544] {strides = array<i32>} : memref<128x64xf32, #tpu.memory_space<vmem>>, vector<16xf32>,
        %add3A_546 = arith.addf %get3A_542, %get3A_545 : vector<16xf32>
        %add3A_547 = arith.constant 0 : i32
        %add3A_548 = vector.broadcast %add3A_547 : i32 to vector<16xi32>
        %add3A_549 = arith.addi %iota3A, %add3A_548 : vector<16xi32>
        %scatter3A_550 = arith.constant 1 : i32
        %scatter3A_551 = arith.constant 0 : i32
        %scatter3A_552 = arith.constant 0 : i32
        %scatter3A_553 = tpu.memref_slice %arg9[%scatter3A_550, %scatter3A_551, %scatter3A_552] : memref<4x64x129xf32, #tpu.memory_space<vmem>> -> memref<1x64x129xf32, #tpu.memory_space<vmem>>
        %scatter3A_554 = tpu.memref_squeeze %scatter3A_553 : memref<1x64x129xf32, #tpu.memory_space<vmem>> -> memref<64x129xf32, #tpu.memory_space<vmem>>
        tpu.vector_store_idx %scatter3A_554[%add3A_549, %add3A_537], %add3A_546 : memref<64x129xf32, #tpu.memory_space<vmem>>[vector<16xi32>, vector<16xi32>], vector<16xf32>,
        %get3A_555 = arith.constant 1 : i32
        %get3A_556 = arith.index_cast %get3A_555 : i32 to index
        %get3A_557 = arith.index_cast %add3A_533 : i32 to index
        %get3A_558 = arith.constant 16 : index
        %get3A_559 = tpu.vector_load %arg8[%get3A_556, %get3A_557, %get3A_558] {strides = array<i32>} : memref<4x128x64xf32, #tpu.memory_space<vmem>>, vector<16xf32>,
        %get3A_560 = arith.index_cast %add3A_533 : i32 to index
        %get3A_561 = arith.constant 16 : index
        %get3A_562 = tpu.vector_load %arg6[%get3A_560, %get3A_561] {strides = array<i32>} : memref<128x64xf32, #tpu.memory_space<vmem>>, vector<16xf32>,
        %add3A_563 = arith.addf %get3A_559, %get3A_562 : vector<16xf32>
        %add3A_564 = arith.constant 16 : i32
        %add3A_565 = vector.broadcast %add3A_564 : i32 to vector<16xi32>
        %add3A_566 = arith.addi %iota3A, %add3A_565 : vector<16xi32>
        %scatter3A_567 = arith.constant 1 : i32
        %scatter3A_568 = arith.constant 0 : i32
        %scatter3A_569 = arith.constant 0 : i32
        %scatter3A_570 = tpu.memref_slice %arg9[%scatter3A_567, %scatter3A_568, %scatter3A_569] : memref<4x64x129xf32, #tpu.memory_space<vmem>> -> memref<1x64x129xf32, #tpu.memory_space<vmem>>
        %scatter3A_571 = tpu.memref_squeeze %scatter3A_570 : memref<1x64x129xf32, #tpu.memory_space<vmem>> -> memref<64x129xf32, #tpu.memory_space<vmem>>
        tpu.vector_store_idx %scatter3A_571[%add3A_566, %add3A_537], %add3A_563 : memref<64x129xf32, #tpu.memory_space<vmem>>[vector<16xi32>, vector<16xi32>], vector<16xf32>,
        %get3A_572 = arith.constant 1 : i32
        %get3A_573 = arith.index_cast %get3A_572 : i32 to index
        %get3A_574 = arith.index_cast %add3A_533 : i32 to index
        %get3A_575 = arith.constant 32 : index
        %get3A_576 = tpu.vector_load %arg8[%get3A_573, %get3A_574, %get3A_575] {strides = array<i32>} : memref<4x128x64xf32, #tpu.memory_space<vmem>>, vector<16xf32>,
        %get3A_577 = arith.index_cast %add3A_533 : i32 to index
        %get3A_578 = arith.constant 32 : index
        %get3A_579 = tpu.vector_load %arg6[%get3A_577, %get3A_578] {strides = array<i32>} : memref<128x64xf32, #tpu.memory_space<vmem>>, vector<16xf32>,
        %add3A_580 = arith.addf %get3A_576, %get3A_579 : vector<16xf32>
        %add3A_581 = arith.constant 32 : i32
        %add3A_582 = vector.broadcast %add3A_581 : i32 to vector<16xi32>
        %add3A_583 = arith.addi %iota3A, %add3A_582 : vector<16xi32>
        %scatter3A_584 = arith.constant 1 : i32
        %scatter3A_585 = arith.constant 0 : i32
        %scatter3A_586 = arith.constant 0 : i32
        %scatter3A_587 = tpu.memref_slice %arg9[%scatter3A_584, %scatter3A_585, %scatter3A_586] : memref<4x64x129xf32, #tpu.memory_space<vmem>> -> memref<1x64x129xf32, #tpu.memory_space<vmem>>
        %scatter3A_588 = tpu.memref_squeeze %scatter3A_587 : memref<1x64x129xf32, #tpu.memory_space<vmem>> -> memref<64x129xf32, #tpu.memory_space<vmem>>
        tpu.vector_store_idx %scatter3A_588[%add3A_583, %add3A_537], %add3A_580 : memref<64x129xf32, #tpu.memory_space<vmem>>[vector<16xi32>, vector<16xi32>], vector<16xf32>,
        %get3A_589 = arith.constant 1 : i32
        %get3A_590 = arith.index_cast %get3A_589 : i32 to index
        %get3A_591 = arith.index_cast %add3A_533 : i32 to index
        %get3A_592 = arith.constant 48 : index
        %get3A_593 = tpu.vector_load %arg8[%get3A_590, %get3A_591, %get3A_592] {strides = array<i32>} : memref<4x128x64xf32, #tpu.memory_space<vmem>>, vector<16xf32>,
        %get3A_594 = arith.index_cast %add3A_533 : i32 to index
        %get3A_595 = arith.constant 48 : index
        %get3A_596 = tpu.vector_load %arg6[%get3A_594, %get3A_595] {strides = array<i32>} : memref<128x64xf32, #tpu.memory_space<vmem>>, vector<16xf32>,
        %add3A_597 = arith.addf %get3A_593, %get3A_596 : vector<16xf32>
        %add3A_598 = arith.constant 48 : i32
        %add3A_599 = vector.broadcast %add3A_598 : i32 to vector<16xi32>
        %add3A_600 = arith.addi %iota3A, %add3A_599 : vector<16xi32>
        %scatter3A_601 = arith.constant 1 : i32
        %scatter3A_602 = arith.constant 0 : i32
        %scatter3A_603 = arith.constant 0 : i32
        %scatter3A_604 = tpu.memref_slice %arg9[%scatter3A_601, %scatter3A_602, %scatter3A_603] : memref<4x64x129xf32, #tpu.memory_space<vmem>> -> memref<1x64x129xf32, #tpu.memory_space<vmem>>
        %scatter3A_605 = tpu.memref_squeeze %scatter3A_604 : memref<1x64x129xf32, #tpu.memory_space<vmem>> -> memref<64x129xf32, #tpu.memory_space<vmem>>
        tpu.vector_store_idx %scatter3A_605[%add3A_600, %add3A_537], %add3A_597 : memref<64x129xf32, #tpu.memory_space<vmem>>[vector<16xi32>, vector<16xi32>], vector<16xf32>,
      }
      %scan3A_183 = arith.constant 128 : i32
      %add3A_184 = arith.addi %mul3A_2, %add3A_155 : i32
      %dma_start3A_185 = arith.constant 1 : i32
      %dma_start3A_186 = arith.constant 0 : i32
      %dma_start3A_187 = arith.constant 0 : i32
      %dma_start3A_188 = tpu.memref_slice %arg9[%dma_start3A_185, %dma_start3A_186, %dma_start3A_187] : memref<4x64x129xf32, #tpu.memory_space<vmem>> -> memref<1x64x128xf32, #tpu.memory_space<vmem>>
      %dma_start3A_189 = tpu.memref_squeeze %dma_start3A_188 : memref<1x64x128xf32, #tpu.memory_space<vmem>> -> memref<64x128xf32, #tpu.memory_space<vmem>>
      %dma_start3A_190 = arith.constant 0 : i32
      %dma_start3A_191 = arith.constant 0 : i32
      %dma_start3A_192 = tpu.memref_slice %arg5[%add3A_184, %dma_start3A_190, %dma_start3A_191] : memref<4096x64x128xf32, #tpu.memory_space<hbm>> -> memref<1x64x128xf32, #tpu.memory_space<hbm>>
      %dma_start3A_193 = tpu.memref_squeeze %dma_start3A_192 : memref<1x64x128xf32, #tpu.memory_space<hbm>> -> memref<64x128xf32, #tpu.memory_space<hbm>>
      %dma_start3A_194 = arith.constant 0 : i32
      %dma_start3A_195 = arith.constant 0 : i32
      %dma_start3A_196 = tpu.memref_slice %arg5[%add3A_184, %dma_start3A_194, %dma_start3A_195] : memref<4096x64x128xf32, #tpu.memory_space<hbm>> -> memref<1x64x128xf32, #tpu.memory_space<hbm>>
      %dma_start3A_197 = tpu.memref_squeeze %dma_start3A_196 : memref<1x64x128xf32, #tpu.memory_space<hbm>> -> memref<64x128xf32, #tpu.memory_space<hbm>>
      %dma_start3A_198 = arith.constant 0 : i32
      %dma_start3A_199 = arith.constant 0 : i32
      %dma_start3A_200 = tpu.memref_slice %arg9[%dma_start3A_185, %dma_start3A_198, %dma_start3A_199] : memref<4x64x129xf32, #tpu.memory_space<vmem>> -> memref<1x64x128xf32, #tpu.memory_space<vmem>>
      %dma_start3A_201 = tpu.memref_squeeze %dma_start3A_200 : memref<1x64x128xf32, #tpu.memory_space<vmem>> -> memref<64x128xf32, #tpu.memory_space<vmem>>
      tpu.enqueue_dma source(%dma_start3A_201 : memref<64x128xf32, #tpu.memory_space<vmem>>) target(%dma_start3A_197 : memref<64x128xf32, #tpu.memory_space<hbm>>) target_semaphore(%arg15 : memref<!tpu.dma_semaphore, #tpu.memory_space<semaphore_mem>>)
      %add3A_202 = arith.constant 2 : i32
      %add3A_203 = arith.addi %add3A_109, %add3A_202 : i32
      %add3A_204 = arith.constant 2 : i32
      %add3A_205 = arith.addi %add3A_203, %add3A_204 : i32
      %lt3A_206 = arith.constant 128 : i32
      %lt3A_207 = arith.cmpi slt, %add3A_205, %lt3A_206 : i32
      %convert_element_type3A_208 = arith.extui %lt3A_207 : i1 to i32
      %cond3A_209 = arith.constant 0 : i32
      %cond3A_210 = arith.cmpi ne, %convert_element_type3A_208, %cond3A_209 : i32
      scf.if %cond3A_210 {
        %dma_start3A_298 = arith.constant 0 : i32
        %dma_start3A_299 = arith.constant 0 : i32
        %dma_start3A_300 = arith.constant 0 : i32
        %dma_start3A_301 = tpu.memref_slice %arg8[%dma_start3A_298, %dma_start3A_299, %dma_start3A_300] : memref<4x128x64xf32, #tpu.memory_space<vmem>> -> memref<1x128x64xf32, #tpu.memory_space<vmem>>
        %dma_start3A_302 = tpu.memref_squeeze %dma_start3A_301 : memref<1x128x64xf32, #tpu.memory_space<vmem>> -> memref<128x64xf32, #tpu.memory_space<vmem>>
        %dma_start3A_303 = arith.constant 0 : i32
        %dma_start3A_304 = tpu.memref_slice %arg7[%add3A_205, %dma_start3A_303] : memref<128x128xi32, #tpu.memory_space<vmem>> -> memref<1x128xi32, #tpu.memory_space<vmem>>
        %dma_start3A_305 = tpu.memref_squeeze %dma_start3A_304 : memref<1x128xi32, #tpu.memory_space<vmem>> -> memref<128xi32, #tpu.memory_space<vmem>>
        %dma_start3A_306 = arith.constant 0 : i32
        %dma_start3A_307 = arith.constant 0 : i32
        %dma_start3A_308 = tpu.memref_slice %arg3[%dma_start3A_306, %dma_start3A_307] : memref<30522x64xf32, #tpu.memory_space<hbm>> -> memref<30522x64xf32, #tpu.memory_space<hbm>>
        tpu.enqueue_indirect_dma source(%dma_start3A_308 : memref<30522x64xf32, #tpu.memory_space<hbm>>) target(%dma_start3A_302 : memref<128x64xf32, #tpu.memory_space<vmem>>) offsets(%dma_start3A_305 : memref<128xi32, #tpu.memory_space<vmem>>) semaphore(%arg10 : memref<!tpu.dma_semaphore, #tpu.memory_space<semaphore_mem>>)
      } else {
      }
      %dma_wait3A_211 = arith.constant 2 : i32
      %dma_wait3A_212 = arith.constant 0 : i32
      %dma_wait3A_213 = arith.constant 0 : i32
      %dma_wait3A_214 = tpu.memref_slice %arg8[%dma_wait3A_211, %dma_wait3A_212, %dma_wait3A_213] : memref<4x128x64xf32, #tpu.memory_space<vmem>> -> memref<1x128x64xf32, #tpu.memory_space<vmem>>
      %dma_wait3A_215 = tpu.memref_squeeze %dma_wait3A_214 : memref<1x128x64xf32, #tpu.memory_space<vmem>> -> memref<128x64xf32, #tpu.memory_space<vmem>>
      %dma_wait3A_216 = arith.constant 0 : i32
      %dma_wait3A_217 = tpu.memref_slice %arg7[%add3A_203, %dma_wait3A_216] : memref<128x128xi32, #tpu.memory_space<vmem>> -> memref<1x128xi32, #tpu.memory_space<vmem>>
      %dma_wait3A_218 = tpu.memref_squeeze %dma_wait3A_217 : memref<1x128xi32, #tpu.memory_space<vmem>> -> memref<128xi32, #tpu.memory_space<vmem>>
      %dma_wait3A_219 = arith.constant 0 : i32
      %dma_wait3A_220 = arith.constant 0 : i32
      %dma_wait3A_221 = tpu.memref_slice %arg3[%dma_wait3A_219, %dma_wait3A_220] : memref<30522x64xf32, #tpu.memory_space<hbm>> -> memref<30522x64xf32, #tpu.memory_space<hbm>>
      tpu.wait_indirect_dma semaphore(%arg12 : memref<!tpu.dma_semaphore, #tpu.memory_space<semaphore_mem>>) src(%dma_wait3A_221 : memref<30522x64xf32, #tpu.memory_space<hbm>>) dst(%dma_wait3A_215 : memref<128x64xf32, #tpu.memory_space<vmem>>)
      %ge3A_222 = arith.constant 4 : i32
      %ge3A_223 = arith.cmpi sge, %add3A_203, %ge3A_222 : i32
      %convert_element_type3A_224 = arith.extui %ge3A_223 : i1 to i32
      %cond3A_225 = arith.constant 0 : i32
      %cond3A_226 = arith.cmpi ne, %convert_element_type3A_224, %cond3A_225 : i32
      scf.if %cond3A_226 {
        %sub3A = arith.constant 4 : i32
        %sub3A_298 = arith.subi %add3A_203, %sub3A : i32
        %add3A_299 = arith.addi %mul3A_2, %sub3A_298 : i32
        %dma_wait3A_300 = arith.constant 2 : i32
        %dma_wait3A_301 = arith.constant 0 : i32
        %dma_wait3A_302 = arith.constant 0 : i32
        %dma_wait3A_303 = tpu.memref_slice %arg9[%dma_wait3A_300, %dma_wait3A_301, %dma_wait3A_302] : memref<4x64x129xf32, #tpu.memory_space<vmem>> -> memref<1x64x128xf32, #tpu.memory_space<vmem>>
        %dma_wait3A_304 = tpu.memref_squeeze %dma_wait3A_303 : memref<1x64x128xf32, #tpu.memory_space<vmem>> -> memref<64x128xf32, #tpu.memory_space<vmem>>
        %dma_wait3A_305 = arith.constant 0 : i32
        %dma_wait3A_306 = arith.constant 0 : i32
        %dma_wait3A_307 = tpu.memref_slice %arg5[%add3A_299, %dma_wait3A_305, %dma_wait3A_306] : memref<4096x64x128xf32, #tpu.memory_space<hbm>> -> memref<1x64x128xf32, #tpu.memory_space<hbm>>
        %dma_wait3A_308 = tpu.memref_squeeze %dma_wait3A_307 : memref<1x64x128xf32, #tpu.memory_space<hbm>> -> memref<64x128xf32, #tpu.memory_space<hbm>>
        %dma_wait3A_309 = arith.constant 0 : i32
        %dma_wait3A_310 = arith.constant 0 : i32
        %dma_wait3A_311 = tpu.memref_slice %arg5[%add3A_299, %dma_wait3A_309, %dma_wait3A_310] : memref<4096x64x128xf32, #tpu.memory_space<hbm>> -> memref<1x64x128xf32, #tpu.memory_space<hbm>>
        %dma_wait3A_312 = tpu.memref_squeeze %dma_wait3A_311 : memref<1x64x128xf32, #tpu.memory_space<hbm>> -> memref<64x128xf32, #tpu.memory_space<hbm>>
        %dma_wait3A_313 = arith.constant 0 : i32
        %dma_wait3A_314 = arith.constant 0 : i32
        %dma_wait3A_315 = tpu.memref_slice %arg9[%dma_wait3A_300, %dma_wait3A_313, %dma_wait3A_314] : memref<4x64x129xf32, #tpu.memory_space<vmem>> -> memref<1x64x128xf32, #tpu.memory_space<vmem>>
        %dma_wait3A_316 = tpu.memref_squeeze %dma_wait3A_315 : memref<1x64x128xf32, #tpu.memory_space<vmem>> -> memref<64x128xf32, #tpu.memory_space<vmem>>
        tpu.wait_dma2 semaphore(%arg16 : memref<!tpu.dma_semaphore, #tpu.memory_space<semaphore_mem>>) src(%dma_wait3A_316 : memref<64x128xf32, #tpu.memory_space<vmem>>) dst(%dma_wait3A_312 : memref<64x128xf32, #tpu.memory_space<hbm>>)
      } else {
      }
      %scan3A_227 = arith.constant 0 : i32
      %scan3A_228 = arith.constant 128 : i32
      %scan3A_229 = arith.addi %scan3A_227, %scan3A_228 : i32
      %scan3A_230 = arith.constant 4 : i32
      scf.for %scan3A_298 = %scan3A_227 to %scan3A_229 step %scan3A_230  : i32 {
        %mul3A_299 = arith.constant 1 : i32
        %mul3A_300 = arith.muli %scan3A_298, %mul3A_299 : i32
        %add3A_301 = arith.constant 0 : i32
        %add3A_302 = arith.addi %add3A_301, %mul3A_300 : i32
        %broadcast_in_dim3A = arith.constant 0 : i32
        %broadcast_in_dim3A_303 = vector.broadcast %broadcast_in_dim3A : i32 to vector<16xi32>
        %add3A_304 = vector.broadcast %add3A_302 : i32 to vector<16xi32>
        %add3A_305 = arith.addi %broadcast_in_dim3A_303, %add3A_304 : vector<16xi32>
        %get3A = arith.constant 2 : i32
        %get3A_306 = arith.index_cast %get3A : i32 to index
        %get3A_307 = arith.index_cast %add3A_302 : i32 to index
        %get3A_308 = arith.constant 0 : index
        %get3A_309 = tpu.vector_load %arg8[%get3A_306, %get3A_307, %get3A_308] {strides = array<i32>} : memref<4x128x64xf32, #tpu.memory_space<vmem>>, vector<16xf32>,
        %get3A_310 = arith.index_cast %add3A_302 : i32 to index
        %get3A_311 = arith.constant 0 : index
        %get3A_312 = tpu.vector_load %arg6[%get3A_310, %get3A_311] {strides = array<i32>} : memref<128x64xf32, #tpu.memory_space<vmem>>, vector<16xf32>,
        %add3A_313 = arith.addf %get3A_309, %get3A_312 : vector<16xf32>
        %add3A_314 = arith.constant 0 : i32
        %add3A_315 = vector.broadcast %add3A_314 : i32 to vector<16xi32>
        %add3A_316 = arith.addi %iota3A, %add3A_315 : vector<16xi32>
        %scatter3A = arith.constant 2 : i32
        %scatter3A_317 = arith.constant 0 : i32
        %scatter3A_318 = arith.constant 0 : i32
        %scatter3A_319 = tpu.memref_slice %arg9[%scatter3A, %scatter3A_317, %scatter3A_318] : memref<4x64x129xf32, #tpu.memory_space<vmem>> -> memref<1x64x129xf32, #tpu.memory_space<vmem>>
        %scatter3A_320 = tpu.memref_squeeze %scatter3A_319 : memref<1x64x129xf32, #tpu.memory_space<vmem>> -> memref<64x129xf32, #tpu.memory_space<vmem>>
        tpu.vector_store_idx %scatter3A_320[%add3A_316, %add3A_305], %add3A_313 : memref<64x129xf32, #tpu.memory_space<vmem>>[vector<16xi32>, vector<16xi32>], vector<16xf32>,
        %get3A_321 = arith.constant 2 : i32
        %get3A_322 = arith.index_cast %get3A_321 : i32 to index
        %get3A_323 = arith.index_cast %add3A_302 : i32 to index
        %get3A_324 = arith.constant 16 : index
        %get3A_325 = tpu.vector_load %arg8[%get3A_322, %get3A_323, %get3A_324] {strides = array<i32>} : memref<4x128x64xf32, #tpu.memory_space<vmem>>, vector<16xf32>,
        %get3A_326 = arith.index_cast %add3A_302 : i32 to index
        %get3A_327 = arith.constant 16 : index
        %get3A_328 = tpu.vector_load %arg6[%get3A_326, %get3A_327] {strides = array<i32>} : memref<128x64xf32, #tpu.memory_space<vmem>>, vector<16xf32>,
        %add3A_329 = arith.addf %get3A_325, %get3A_328 : vector<16xf32>
        %add3A_330 = arith.constant 16 : i32
        %add3A_331 = vector.broadcast %add3A_330 : i32 to vector<16xi32>
        %add3A_332 = arith.addi %iota3A, %add3A_331 : vector<16xi32>
        %scatter3A_333 = arith.constant 2 : i32
        %scatter3A_334 = arith.constant 0 : i32
        %scatter3A_335 = arith.constant 0 : i32
        %scatter3A_336 = tpu.memref_slice %arg9[%scatter3A_333, %scatter3A_334, %scatter3A_335] : memref<4x64x129xf32, #tpu.memory_space<vmem>> -> memref<1x64x129xf32, #tpu.memory_space<vmem>>
        %scatter3A_337 = tpu.memref_squeeze %scatter3A_336 : memref<1x64x129xf32, #tpu.memory_space<vmem>> -> memref<64x129xf32, #tpu.memory_space<vmem>>
        tpu.vector_store_idx %scatter3A_337[%add3A_332, %add3A_305], %add3A_329 : memref<64x129xf32, #tpu.memory_space<vmem>>[vector<16xi32>, vector<16xi32>], vector<16xf32>,
        %get3A_338 = arith.constant 2 : i32
        %get3A_339 = arith.index_cast %get3A_338 : i32 to index
        %get3A_340 = arith.index_cast %add3A_302 : i32 to index
        %get3A_341 = arith.constant 32 : index
        %get3A_342 = tpu.vector_load %arg8[%get3A_339, %get3A_340, %get3A_341] {strides = array<i32>} : memref<4x128x64xf32, #tpu.memory_space<vmem>>, vector<16xf32>,
        %get3A_343 = arith.index_cast %add3A_302 : i32 to index
        %get3A_344 = arith.constant 32 : index
        %get3A_345 = tpu.vector_load %arg6[%get3A_343, %get3A_344] {strides = array<i32>} : memref<128x64xf32, #tpu.memory_space<vmem>>, vector<16xf32>,
        %add3A_346 = arith.addf %get3A_342, %get3A_345 : vector<16xf32>
        %add3A_347 = arith.constant 32 : i32
        %add3A_348 = vector.broadcast %add3A_347 : i32 to vector<16xi32>
        %add3A_349 = arith.addi %iota3A, %add3A_348 : vector<16xi32>
        %scatter3A_350 = arith.constant 2 : i32
        %scatter3A_351 = arith.constant 0 : i32
        %scatter3A_352 = arith.constant 0 : i32
        %scatter3A_353 = tpu.memref_slice %arg9[%scatter3A_350, %scatter3A_351, %scatter3A_352] : memref<4x64x129xf32, #tpu.memory_space<vmem>> -> memref<1x64x129xf32, #tpu.memory_space<vmem>>
        %scatter3A_354 = tpu.memref_squeeze %scatter3A_353 : memref<1x64x129xf32, #tpu.memory_space<vmem>> -> memref<64x129xf32, #tpu.memory_space<vmem>>
        tpu.vector_store_idx %scatter3A_354[%add3A_349, %add3A_305], %add3A_346 : memref<64x129xf32, #tpu.memory_space<vmem>>[vector<16xi32>, vector<16xi32>], vector<16xf32>,
        %get3A_355 = arith.constant 2 : i32
        %get3A_356 = arith.index_cast %get3A_355 : i32 to index
        %get3A_357 = arith.index_cast %add3A_302 : i32 to index
        %get3A_358 = arith.constant 48 : index
        %get3A_359 = tpu.vector_load %arg8[%get3A_356, %get3A_357, %get3A_358] {strides = array<i32>} : memref<4x128x64xf32, #tpu.memory_space<vmem>>, vector<16xf32>,
        %get3A_360 = arith.index_cast %add3A_302 : i32 to index
        %get3A_361 = arith.constant 48 : index
        %get3A_362 = tpu.vector_load %arg6[%get3A_360, %get3A_361] {strides = array<i32>} : memref<128x64xf32, #tpu.memory_space<vmem>>, vector<16xf32>,
        %add3A_363 = arith.addf %get3A_359, %get3A_362 : vector<16xf32>
        %add3A_364 = arith.constant 48 : i32
        %add3A_365 = vector.broadcast %add3A_364 : i32 to vector<16xi32>
        %add3A_366 = arith.addi %iota3A, %add3A_365 : vector<16xi32>
        %scatter3A_367 = arith.constant 2 : i32
        %scatter3A_368 = arith.constant 0 : i32
        %scatter3A_369 = arith.constant 0 : i32
        %scatter3A_370 = tpu.memref_slice %arg9[%scatter3A_367, %scatter3A_368, %scatter3A_369] : memref<4x64x129xf32, #tpu.memory_space<vmem>> -> memref<1x64x129xf32, #tpu.memory_space<vmem>>
        %scatter3A_371 = tpu.memref_squeeze %scatter3A_370 : memref<1x64x129xf32, #tpu.memory_space<vmem>> -> memref<64x129xf32, #tpu.memory_space<vmem>>
        tpu.vector_store_idx %scatter3A_371[%add3A_366, %add3A_305], %add3A_363 : memref<64x129xf32, #tpu.memory_space<vmem>>[vector<16xi32>, vector<16xi32>], vector<16xf32>,
        %scan3A_372 = arith.constant 1 : i32
        %scan3A_373 = arith.addi %scan3A_298, %scan3A_372 : i32
        %mul3A_374 = arith.constant 1 : i32
        %mul3A_375 = arith.muli %scan3A_373, %mul3A_374 : i32
        %add3A_376 = arith.constant 0 : i32
        %add3A_377 = arith.addi %add3A_376, %mul3A_375 : i32
        %broadcast_in_dim3A_378 = arith.constant 0 : i32
        %broadcast_in_dim3A_379 = vector.broadcast %broadcast_in_dim3A_378 : i32 to vector<16xi32>
        %add3A_380 = vector.broadcast %add3A_377 : i32 to vector<16xi32>
        %add3A_381 = arith.addi %broadcast_in_dim3A_379, %add3A_380 : vector<16xi32>
        %get3A_382 = arith.constant 2 : i32
        %get3A_383 = arith.index_cast %get3A_382 : i32 to index
        %get3A_384 = arith.index_cast %add3A_377 : i32 to index
        %get3A_385 = arith.constant 0 : index
        %get3A_386 = tpu.vector_load %arg8[%get3A_383, %get3A_384, %get3A_385] {strides = array<i32>} : memref<4x128x64xf32, #tpu.memory_space<vmem>>, vector<16xf32>,
        %get3A_387 = arith.index_cast %add3A_377 : i32 to index
        %get3A_388 = arith.constant 0 : index
        %get3A_389 = tpu.vector_load %arg6[%get3A_387, %get3A_388] {strides = array<i32>} : memref<128x64xf32, #tpu.memory_space<vmem>>, vector<16xf32>,
        %add3A_390 = arith.addf %get3A_386, %get3A_389 : vector<16xf32>
        %add3A_391 = arith.constant 0 : i32
        %add3A_392 = vector.broadcast %add3A_391 : i32 to vector<16xi32>
        %add3A_393 = arith.addi %iota3A, %add3A_392 : vector<16xi32>
        %scatter3A_394 = arith.constant 2 : i32
        %scatter3A_395 = arith.constant 0 : i32
        %scatter3A_396 = arith.constant 0 : i32
        %scatter3A_397 = tpu.memref_slice %arg9[%scatter3A_394, %scatter3A_395, %scatter3A_396] : memref<4x64x129xf32, #tpu.memory_space<vmem>> -> memref<1x64x129xf32, #tpu.memory_space<vmem>>
        %scatter3A_398 = tpu.memref_squeeze %scatter3A_397 : memref<1x64x129xf32, #tpu.memory_space<vmem>> -> memref<64x129xf32, #tpu.memory_space<vmem>>
        tpu.vector_store_idx %scatter3A_398[%add3A_393, %add3A_381], %add3A_390 : memref<64x129xf32, #tpu.memory_space<vmem>>[vector<16xi32>, vector<16xi32>], vector<16xf32>,
        %get3A_399 = arith.constant 2 : i32
        %get3A_400 = arith.index_cast %get3A_399 : i32 to index
        %get3A_401 = arith.index_cast %add3A_377 : i32 to index
        %get3A_402 = arith.constant 16 : index
        %get3A_403 = tpu.vector_load %arg8[%get3A_400, %get3A_401, %get3A_402] {strides = array<i32>} : memref<4x128x64xf32, #tpu.memory_space<vmem>>, vector<16xf32>,
        %get3A_404 = arith.index_cast %add3A_377 : i32 to index
        %get3A_405 = arith.constant 16 : index
        %get3A_406 = tpu.vector_load %arg6[%get3A_404, %get3A_405] {strides = array<i32>} : memref<128x64xf32, #tpu.memory_space<vmem>>, vector<16xf32>,
        %add3A_407 = arith.addf %get3A_403, %get3A_406 : vector<16xf32>
        %add3A_408 = arith.constant 16 : i32
        %add3A_409 = vector.broadcast %add3A_408 : i32 to vector<16xi32>
        %add3A_410 = arith.addi %iota3A, %add3A_409 : vector<16xi32>
        %scatter3A_411 = arith.constant 2 : i32
        %scatter3A_412 = arith.constant 0 : i32
        %scatter3A_413 = arith.constant 0 : i32
        %scatter3A_414 = tpu.memref_slice %arg9[%scatter3A_411, %scatter3A_412, %scatter3A_413] : memref<4x64x129xf32, #tpu.memory_space<vmem>> -> memref<1x64x129xf32, #tpu.memory_space<vmem>>
        %scatter3A_415 = tpu.memref_squeeze %scatter3A_414 : memref<1x64x129xf32, #tpu.memory_space<vmem>> -> memref<64x129xf32, #tpu.memory_space<vmem>>
        tpu.vector_store_idx %scatter3A_415[%add3A_410, %add3A_381], %add3A_407 : memref<64x129xf32, #tpu.memory_space<vmem>>[vector<16xi32>, vector<16xi32>], vector<16xf32>,
        %get3A_416 = arith.constant 2 : i32
        %get3A_417 = arith.index_cast %get3A_416 : i32 to index
        %get3A_418 = arith.index_cast %add3A_377 : i32 to index
        %get3A_419 = arith.constant 32 : index
        %get3A_420 = tpu.vector_load %arg8[%get3A_417, %get3A_418, %get3A_419] {strides = array<i32>} : memref<4x128x64xf32, #tpu.memory_space<vmem>>, vector<16xf32>,
        %get3A_421 = arith.index_cast %add3A_377 : i32 to index
        %get3A_422 = arith.constant 32 : index
        %get3A_423 = tpu.vector_load %arg6[%get3A_421, %get3A_422] {strides = array<i32>} : memref<128x64xf32, #tpu.memory_space<vmem>>, vector<16xf32>,
        %add3A_424 = arith.addf %get3A_420, %get3A_423 : vector<16xf32>
        %add3A_425 = arith.constant 32 : i32
        %add3A_426 = vector.broadcast %add3A_425 : i32 to vector<16xi32>
        %add3A_427 = arith.addi %iota3A, %add3A_426 : vector<16xi32>
        %scatter3A_428 = arith.constant 2 : i32
        %scatter3A_429 = arith.constant 0 : i32
        %scatter3A_430 = arith.constant 0 : i32
        %scatter3A_431 = tpu.memref_slice %arg9[%scatter3A_428, %scatter3A_429, %scatter3A_430] : memref<4x64x129xf32, #tpu.memory_space<vmem>> -> memref<1x64x129xf32, #tpu.memory_space<vmem>>
        %scatter3A_432 = tpu.memref_squeeze %scatter3A_431 : memref<1x64x129xf32, #tpu.memory_space<vmem>> -> memref<64x129xf32, #tpu.memory_space<vmem>>
        tpu.vector_store_idx %scatter3A_432[%add3A_427, %add3A_381], %add3A_424 : memref<64x129xf32, #tpu.memory_space<vmem>>[vector<16xi32>, vector<16xi32>], vector<16xf32>,
        %get3A_433 = arith.constant 2 : i32
        %get3A_434 = arith.index_cast %get3A_433 : i32 to index
        %get3A_435 = arith.index_cast %add3A_377 : i32 to index
        %get3A_436 = arith.constant 48 : index
        %get3A_437 = tpu.vector_load %arg8[%get3A_434, %get3A_435, %get3A_436] {strides = array<i32>} : memref<4x128x64xf32, #tpu.memory_space<vmem>>, vector<16xf32>,
        %get3A_438 = arith.index_cast %add3A_377 : i32 to index
        %get3A_439 = arith.constant 48 : index
        %get3A_440 = tpu.vector_load %arg6[%get3A_438, %get3A_439] {strides = array<i32>} : memref<128x64xf32, #tpu.memory_space<vmem>>, vector<16xf32>,
        %add3A_441 = arith.addf %get3A_437, %get3A_440 : vector<16xf32>
        %add3A_442 = arith.constant 48 : i32
        %add3A_443 = vector.broadcast %add3A_442 : i32 to vector<16xi32>
        %add3A_444 = arith.addi %iota3A, %add3A_443 : vector<16xi32>
        %scatter3A_445 = arith.constant 2 : i32
        %scatter3A_446 = arith.constant 0 : i32
        %scatter3A_447 = arith.constant 0 : i32
        %scatter3A_448 = tpu.memref_slice %arg9[%scatter3A_445, %scatter3A_446, %scatter3A_447] : memref<4x64x129xf32, #tpu.memory_space<vmem>> -> memref<1x64x129xf32, #tpu.memory_space<vmem>>
        %scatter3A_449 = tpu.memref_squeeze %scatter3A_448 : memref<1x64x129xf32, #tpu.memory_space<vmem>> -> memref<64x129xf32, #tpu.memory_space<vmem>>
        tpu.vector_store_idx %scatter3A_449[%add3A_444, %add3A_381], %add3A_441 : memref<64x129xf32, #tpu.memory_space<vmem>>[vector<16xi32>, vector<16xi32>], vector<16xf32>,
        %scan3A_450 = arith.constant 2 : i32
        %scan3A_451 = arith.addi %scan3A_298, %scan3A_450 : i32
        %mul3A_452 = arith.constant 1 : i32
        %mul3A_453 = arith.muli %scan3A_451, %mul3A_452 : i32
        %add3A_454 = arith.constant 0 : i32
        %add3A_455 = arith.addi %add3A_454, %mul3A_453 : i32
        %broadcast_in_dim3A_456 = arith.constant 0 : i32
        %broadcast_in_dim3A_457 = vector.broadcast %broadcast_in_dim3A_456 : i32 to vector<16xi32>
        %add3A_458 = vector.broadcast %add3A_455 : i32 to vector<16xi32>
        %add3A_459 = arith.addi %broadcast_in_dim3A_457, %add3A_458 : vector<16xi32>
        %get3A_460 = arith.constant 2 : i32
        %get3A_461 = arith.index_cast %get3A_460 : i32 to index
        %get3A_462 = arith.index_cast %add3A_455 : i32 to index
        %get3A_463 = arith.constant 0 : index
        %get3A_464 = tpu.vector_load %arg8[%get3A_461, %get3A_462, %get3A_463] {strides = array<i32>} : memref<4x128x64xf32, #tpu.memory_space<vmem>>, vector<16xf32>,
        %get3A_465 = arith.index_cast %add3A_455 : i32 to index
        %get3A_466 = arith.constant 0 : index
        %get3A_467 = tpu.vector_load %arg6[%get3A_465, %get3A_466] {strides = array<i32>} : memref<128x64xf32, #tpu.memory_space<vmem>>, vector<16xf32>,
        %add3A_468 = arith.addf %get3A_464, %get3A_467 : vector<16xf32>
        %add3A_469 = arith.constant 0 : i32
        %add3A_470 = vector.broadcast %add3A_469 : i32 to vector<16xi32>
        %add3A_471 = arith.addi %iota3A, %add3A_470 : vector<16xi32>
        %scatter3A_472 = arith.constant 2 : i32
        %scatter3A_473 = arith.constant 0 : i32
        %scatter3A_474 = arith.constant 0 : i32
        %scatter3A_475 = tpu.memref_slice %arg9[%scatter3A_472, %scatter3A_473, %scatter3A_474] : memref<4x64x129xf32, #tpu.memory_space<vmem>> -> memref<1x64x129xf32, #tpu.memory_space<vmem>>
        %scatter3A_476 = tpu.memref_squeeze %scatter3A_475 : memref<1x64x129xf32, #tpu.memory_space<vmem>> -> memref<64x129xf32, #tpu.memory_space<vmem>>
        tpu.vector_store_idx %scatter3A_476[%add3A_471, %add3A_459], %add3A_468 : memref<64x129xf32, #tpu.memory_space<vmem>>[vector<16xi32>, vector<16xi32>], vector<16xf32>,
        %get3A_477 = arith.constant 2 : i32
        %get3A_478 = arith.index_cast %get3A_477 : i32 to index
        %get3A_479 = arith.index_cast %add3A_455 : i32 to index
        %get3A_480 = arith.constant 16 : index
        %get3A_481 = tpu.vector_load %arg8[%get3A_478, %get3A_479, %get3A_480] {strides = array<i32>} : memref<4x128x64xf32, #tpu.memory_space<vmem>>, vector<16xf32>,
        %get3A_482 = arith.index_cast %add3A_455 : i32 to index
        %get3A_483 = arith.constant 16 : index
        %get3A_484 = tpu.vector_load %arg6[%get3A_482, %get3A_483] {strides = array<i32>} : memref<128x64xf32, #tpu.memory_space<vmem>>, vector<16xf32>,
        %add3A_485 = arith.addf %get3A_481, %get3A_484 : vector<16xf32>
        %add3A_486 = arith.constant 16 : i32
        %add3A_487 = vector.broadcast %add3A_486 : i32 to vector<16xi32>
        %add3A_488 = arith.addi %iota3A, %add3A_487 : vector<16xi32>
        %scatter3A_489 = arith.constant 2 : i32
        %scatter3A_490 = arith.constant 0 : i32
        %scatter3A_491 = arith.constant 0 : i32
        %scatter3A_492 = tpu.memref_slice %arg9[%scatter3A_489, %scatter3A_490, %scatter3A_491] : memref<4x64x129xf32, #tpu.memory_space<vmem>> -> memref<1x64x129xf32, #tpu.memory_space<vmem>>
        %scatter3A_493 = tpu.memref_squeeze %scatter3A_492 : memref<1x64x129xf32, #tpu.memory_space<vmem>> -> memref<64x129xf32, #tpu.memory_space<vmem>>
        tpu.vector_store_idx %scatter3A_493[%add3A_488, %add3A_459], %add3A_485 : memref<64x129xf32, #tpu.memory_space<vmem>>[vector<16xi32>, vector<16xi32>], vector<16xf32>,
        %get3A_494 = arith.constant 2 : i32
        %get3A_495 = arith.index_cast %get3A_494 : i32 to index
        %get3A_496 = arith.index_cast %add3A_455 : i32 to index
        %get3A_497 = arith.constant 32 : index
        %get3A_498 = tpu.vector_load %arg8[%get3A_495, %get3A_496, %get3A_497] {strides = array<i32>} : memref<4x128x64xf32, #tpu.memory_space<vmem>>, vector<16xf32>,
        %get3A_499 = arith.index_cast %add3A_455 : i32 to index
        %get3A_500 = arith.constant 32 : index
        %get3A_501 = tpu.vector_load %arg6[%get3A_499, %get3A_500] {strides = array<i32>} : memref<128x64xf32, #tpu.memory_space<vmem>>, vector<16xf32>,
        %add3A_502 = arith.addf %get3A_498, %get3A_501 : vector<16xf32>
        %add3A_503 = arith.constant 32 : i32
        %add3A_504 = vector.broadcast %add3A_503 : i32 to vector<16xi32>
        %add3A_505 = arith.addi %iota3A, %add3A_504 : vector<16xi32>
        %scatter3A_506 = arith.constant 2 : i32
        %scatter3A_507 = arith.constant 0 : i32
        %scatter3A_508 = arith.constant 0 : i32
        %scatter3A_509 = tpu.memref_slice %arg9[%scatter3A_506, %scatter3A_507, %scatter3A_508] : memref<4x64x129xf32, #tpu.memory_space<vmem>> -> memref<1x64x129xf32, #tpu.memory_space<vmem>>
        %scatter3A_510 = tpu.memref_squeeze %scatter3A_509 : memref<1x64x129xf32, #tpu.memory_space<vmem>> -> memref<64x129xf32, #tpu.memory_space<vmem>>
        tpu.vector_store_idx %scatter3A_510[%add3A_505, %add3A_459], %add3A_502 : memref<64x129xf32, #tpu.memory_space<vmem>>[vector<16xi32>, vector<16xi32>], vector<16xf32>,
        %get3A_511 = arith.constant 2 : i32
        %get3A_512 = arith.index_cast %get3A_511 : i32 to index
        %get3A_513 = arith.index_cast %add3A_455 : i32 to index
        %get3A_514 = arith.constant 48 : index
        %get3A_515 = tpu.vector_load %arg8[%get3A_512, %get3A_513, %get3A_514] {strides = array<i32>} : memref<4x128x64xf32, #tpu.memory_space<vmem>>, vector<16xf32>,
        %get3A_516 = arith.index_cast %add3A_455 : i32 to index
        %get3A_517 = arith.constant 48 : index
        %get3A_518 = tpu.vector_load %arg6[%get3A_516, %get3A_517] {strides = array<i32>} : memref<128x64xf32, #tpu.memory_space<vmem>>, vector<16xf32>,
        %add3A_519 = arith.addf %get3A_515, %get3A_518 : vector<16xf32>
        %add3A_520 = arith.constant 48 : i32
        %add3A_521 = vector.broadcast %add3A_520 : i32 to vector<16xi32>
        %add3A_522 = arith.addi %iota3A, %add3A_521 : vector<16xi32>
        %scatter3A_523 = arith.constant 2 : i32
        %scatter3A_524 = arith.constant 0 : i32
        %scatter3A_525 = arith.constant 0 : i32
        %scatter3A_526 = tpu.memref_slice %arg9[%scatter3A_523, %scatter3A_524, %scatter3A_525] : memref<4x64x129xf32, #tpu.memory_space<vmem>> -> memref<1x64x129xf32, #tpu.memory_space<vmem>>
        %scatter3A_527 = tpu.memref_squeeze %scatter3A_526 : memref<1x64x129xf32, #tpu.memory_space<vmem>> -> memref<64x129xf32, #tpu.memory_space<vmem>>
        tpu.vector_store_idx %scatter3A_527[%add3A_522, %add3A_459], %add3A_519 : memref<64x129xf32, #tpu.memory_space<vmem>>[vector<16xi32>, vector<16xi32>], vector<16xf32>,
        %scan3A_528 = arith.constant 3 : i32
        %scan3A_529 = arith.addi %scan3A_298, %scan3A_528 : i32
        %mul3A_530 = arith.constant 1 : i32
        %mul3A_531 = arith.muli %scan3A_529, %mul3A_530 : i32
        %add3A_532 = arith.constant 0 : i32
        %add3A_533 = arith.addi %add3A_532, %mul3A_531 : i32
        %broadcast_in_dim3A_534 = arith.constant 0 : i32
        %broadcast_in_dim3A_535 = vector.broadcast %broadcast_in_dim3A_534 : i32 to vector<16xi32>
        %add3A_536 = vector.broadcast %add3A_533 : i32 to vector<16xi32>
        %add3A_537 = arith.addi %broadcast_in_dim3A_535, %add3A_536 : vector<16xi32>
        %get3A_538 = arith.constant 2 : i32
        %get3A_539 = arith.index_cast %get3A_538 : i32 to index
        %get3A_540 = arith.index_cast %add3A_533 : i32 to index
        %get3A_541 = arith.constant 0 : index
        %get3A_542 = tpu.vector_load %arg8[%get3A_539, %get3A_540, %get3A_541] {strides = array<i32>} : memref<4x128x64xf32, #tpu.memory_space<vmem>>, vector<16xf32>,
        %get3A_543 = arith.index_cast %add3A_533 : i32 to index
        %get3A_544 = arith.constant 0 : index
        %get3A_545 = tpu.vector_load %arg6[%get3A_543, %get3A_544] {strides = array<i32>} : memref<128x64xf32, #tpu.memory_space<vmem>>, vector<16xf32>,
        %add3A_546 = arith.addf %get3A_542, %get3A_545 : vector<16xf32>
        %add3A_547 = arith.constant 0 : i32
        %add3A_548 = vector.broadcast %add3A_547 : i32 to vector<16xi32>
        %add3A_549 = arith.addi %iota3A, %add3A_548 : vector<16xi32>
        %scatter3A_550 = arith.constant 2 : i32
        %scatter3A_551 = arith.constant 0 : i32
        %scatter3A_552 = arith.constant 0 : i32
        %scatter3A_553 = tpu.memref_slice %arg9[%scatter3A_550, %scatter3A_551, %scatter3A_552] : memref<4x64x129xf32, #tpu.memory_space<vmem>> -> memref<1x64x129xf32, #tpu.memory_space<vmem>>
        %scatter3A_554 = tpu.memref_squeeze %scatter3A_553 : memref<1x64x129xf32, #tpu.memory_space<vmem>> -> memref<64x129xf32, #tpu.memory_space<vmem>>
        tpu.vector_store_idx %scatter3A_554[%add3A_549, %add3A_537], %add3A_546 : memref<64x129xf32, #tpu.memory_space<vmem>>[vector<16xi32>, vector<16xi32>], vector<16xf32>,
        %get3A_555 = arith.constant 2 : i32
        %get3A_556 = arith.index_cast %get3A_555 : i32 to index
        %get3A_557 = arith.index_cast %add3A_533 : i32 to index
        %get3A_558 = arith.constant 16 : index
        %get3A_559 = tpu.vector_load %arg8[%get3A_556, %get3A_557, %get3A_558] {strides = array<i32>} : memref<4x128x64xf32, #tpu.memory_space<vmem>>, vector<16xf32>,
        %get3A_560 = arith.index_cast %add3A_533 : i32 to index
        %get3A_561 = arith.constant 16 : index
        %get3A_562 = tpu.vector_load %arg6[%get3A_560, %get3A_561] {strides = array<i32>} : memref<128x64xf32, #tpu.memory_space<vmem>>, vector<16xf32>,
        %add3A_563 = arith.addf %get3A_559, %get3A_562 : vector<16xf32>
        %add3A_564 = arith.constant 16 : i32
        %add3A_565 = vector.broadcast %add3A_564 : i32 to vector<16xi32>
        %add3A_566 = arith.addi %iota3A, %add3A_565 : vector<16xi32>
        %scatter3A_567 = arith.constant 2 : i32
        %scatter3A_568 = arith.constant 0 : i32
        %scatter3A_569 = arith.constant 0 : i32
        %scatter3A_570 = tpu.memref_slice %arg9[%scatter3A_567, %scatter3A_568, %scatter3A_569] : memref<4x64x129xf32, #tpu.memory_space<vmem>> -> memref<1x64x129xf32, #tpu.memory_space<vmem>>
        %scatter3A_571 = tpu.memref_squeeze %scatter3A_570 : memref<1x64x129xf32, #tpu.memory_space<vmem>> -> memref<64x129xf32, #tpu.memory_space<vmem>>
        tpu.vector_store_idx %scatter3A_571[%add3A_566, %add3A_537], %add3A_563 : memref<64x129xf32, #tpu.memory_space<vmem>>[vector<16xi32>, vector<16xi32>], vector<16xf32>,
        %get3A_572 = arith.constant 2 : i32
        %get3A_573 = arith.index_cast %get3A_572 : i32 to index
        %get3A_574 = arith.index_cast %add3A_533 : i32 to index
        %get3A_575 = arith.constant 32 : index
        %get3A_576 = tpu.vector_load %arg8[%get3A_573, %get3A_574, %get3A_575] {strides = array<i32>} : memref<4x128x64xf32, #tpu.memory_space<vmem>>, vector<16xf32>,
        %get3A_577 = arith.index_cast %add3A_533 : i32 to index
        %get3A_578 = arith.constant 32 : index
        %get3A_579 = tpu.vector_load %arg6[%get3A_577, %get3A_578] {strides = array<i32>} : memref<128x64xf32, #tpu.memory_space<vmem>>, vector<16xf32>,
        %add3A_580 = arith.addf %get3A_576, %get3A_579 : vector<16xf32>
        %add3A_581 = arith.constant 32 : i32
        %add3A_582 = vector.broadcast %add3A_581 : i32 to vector<16xi32>
        %add3A_583 = arith.addi %iota3A, %add3A_582 : vector<16xi32>
        %scatter3A_584 = arith.constant 2 : i32
        %scatter3A_585 = arith.constant 0 : i32
        %scatter3A_586 = arith.constant 0 : i32
        %scatter3A_587 = tpu.memref_slice %arg9[%scatter3A_584, %scatter3A_585, %scatter3A_586] : memref<4x64x129xf32, #tpu.memory_space<vmem>> -> memref<1x64x129xf32, #tpu.memory_space<vmem>>
        %scatter3A_588 = tpu.memref_squeeze %scatter3A_587 : memref<1x64x129xf32, #tpu.memory_space<vmem>> -> memref<64x129xf32, #tpu.memory_space<vmem>>
        tpu.vector_store_idx %scatter3A_588[%add3A_583, %add3A_537], %add3A_580 : memref<64x129xf32, #tpu.memory_space<vmem>>[vector<16xi32>, vector<16xi32>], vector<16xf32>,
        %get3A_589 = arith.constant 2 : i32
        %get3A_590 = arith.index_cast %get3A_589 : i32 to index
        %get3A_591 = arith.index_cast %add3A_533 : i32 to index
        %get3A_592 = arith.constant 48 : index
        %get3A_593 = tpu.vector_load %arg8[%get3A_590, %get3A_591, %get3A_592] {strides = array<i32>} : memref<4x128x64xf32, #tpu.memory_space<vmem>>, vector<16xf32>,
        %get3A_594 = arith.index_cast %add3A_533 : i32 to index
        %get3A_595 = arith.constant 48 : index
        %get3A_596 = tpu.vector_load %arg6[%get3A_594, %get3A_595] {strides = array<i32>} : memref<128x64xf32, #tpu.memory_space<vmem>>, vector<16xf32>,
        %add3A_597 = arith.addf %get3A_593, %get3A_596 : vector<16xf32>
        %add3A_598 = arith.constant 48 : i32
        %add3A_599 = vector.broadcast %add3A_598 : i32 to vector<16xi32>
        %add3A_600 = arith.addi %iota3A, %add3A_599 : vector<16xi32>
        %scatter3A_601 = arith.constant 2 : i32
        %scatter3A_602 = arith.constant 0 : i32
        %scatter3A_603 = arith.constant 0 : i32
        %scatter3A_604 = tpu.memref_slice %arg9[%scatter3A_601, %scatter3A_602, %scatter3A_603] : memref<4x64x129xf32, #tpu.memory_space<vmem>> -> memref<1x64x129xf32, #tpu.memory_space<vmem>>
        %scatter3A_605 = tpu.memref_squeeze %scatter3A_604 : memref<1x64x129xf32, #tpu.memory_space<vmem>> -> memref<64x129xf32, #tpu.memory_space<vmem>>
        tpu.vector_store_idx %scatter3A_605[%add3A_600, %add3A_537], %add3A_597 : memref<64x129xf32, #tpu.memory_space<vmem>>[vector<16xi32>, vector<16xi32>], vector<16xf32>,
      }
      %scan3A_231 = arith.constant 128 : i32
      %add3A_232 = arith.addi %mul3A_2, %add3A_203 : i32
      %dma_start3A_233 = arith.constant 2 : i32
      %dma_start3A_234 = arith.constant 0 : i32
      %dma_start3A_235 = arith.constant 0 : i32
      %dma_start3A_236 = tpu.memref_slice %arg9[%dma_start3A_233, %dma_start3A_234, %dma_start3A_235] : memref<4x64x129xf32, #tpu.memory_space<vmem>> -> memref<1x64x128xf32, #tpu.memory_space<vmem>>
      %dma_start3A_237 = tpu.memref_squeeze %dma_start3A_236 : memref<1x64x128xf32, #tpu.memory_space<vmem>> -> memref<64x128xf32, #tpu.memory_space<vmem>>
      %dma_start3A_238 = arith.constant 0 : i32
      %dma_start3A_239 = arith.constant 0 : i32
      %dma_start3A_240 = tpu.memref_slice %arg5[%add3A_232, %dma_start3A_238, %dma_start3A_239] : memref<4096x64x128xf32, #tpu.memory_space<hbm>> -> memref<1x64x128xf32, #tpu.memory_space<hbm>>
      %dma_start3A_241 = tpu.memref_squeeze %dma_start3A_240 : memref<1x64x128xf32, #tpu.memory_space<hbm>> -> memref<64x128xf32, #tpu.memory_space<hbm>>
      %dma_start3A_242 = arith.constant 0 : i32
      %dma_start3A_243 = arith.constant 0 : i32
      %dma_start3A_244 = tpu.memref_slice %arg5[%add3A_232, %dma_start3A_242, %dma_start3A_243] : memref<4096x64x128xf32, #tpu.memory_space<hbm>> -> memref<1x64x128xf32, #tpu.memory_space<hbm>>
      %dma_start3A_245 = tpu.memref_squeeze %dma_start3A_244 : memref<1x64x128xf32, #tpu.memory_space<hbm>> -> memref<64x128xf32, #tpu.memory_space<hbm>>
      %dma_start3A_246 = arith.constant 0 : i32
      %dma_start3A_247 = arith.constant 0 : i32
      %dma_start3A_248 = tpu.memref_slice %arg9[%dma_start3A_233, %dma_start3A_246, %dma_start3A_247] : memref<4x64x129xf32, #tpu.memory_space<vmem>> -> memref<1x64x128xf32, #tpu.memory_space<vmem>>
      %dma_start3A_249 = tpu.memref_squeeze %dma_start3A_248 : memref<1x64x128xf32, #tpu.memory_space<vmem>> -> memref<64x128xf32, #tpu.memory_space<vmem>>
      tpu.enqueue_dma source(%dma_start3A_249 : memref<64x128xf32, #tpu.memory_space<vmem>>) target(%dma_start3A_245 : memref<64x128xf32, #tpu.memory_space<hbm>>) target_semaphore(%arg16 : memref<!tpu.dma_semaphore, #tpu.memory_space<semaphore_mem>>)
      %add3A_250 = arith.constant 3 : i32
      %add3A_251 = arith.addi %add3A_109, %add3A_250 : i32
      %add3A_252 = arith.constant 2 : i32
      %add3A_253 = arith.addi %add3A_251, %add3A_252 : i32
      %lt3A_254 = arith.constant 128 : i32
      %lt3A_255 = arith.cmpi slt, %add3A_253, %lt3A_254 : i32
      %convert_element_type3A_256 = arith.extui %lt3A_255 : i1 to i32
      %cond3A_257 = arith.constant 0 : i32
      %cond3A_258 = arith.cmpi ne, %convert_element_type3A_256, %cond3A_257 : i32
      scf.if %cond3A_258 {
        %dma_start3A_298 = arith.constant 1 : i32
        %dma_start3A_299 = arith.constant 0 : i32
        %dma_start3A_300 = arith.constant 0 : i32
        %dma_start3A_301 = tpu.memref_slice %arg8[%dma_start3A_298, %dma_start3A_299, %dma_start3A_300] : memref<4x128x64xf32, #tpu.memory_space<vmem>> -> memref<1x128x64xf32, #tpu.memory_space<vmem>>
        %dma_start3A_302 = tpu.memref_squeeze %dma_start3A_301 : memref<1x128x64xf32, #tpu.memory_space<vmem>> -> memref<128x64xf32, #tpu.memory_space<vmem>>
        %dma_start3A_303 = arith.constant 0 : i32
        %dma_start3A_304 = tpu.memref_slice %arg7[%add3A_253, %dma_start3A_303] : memref<128x128xi32, #tpu.memory_space<vmem>> -> memref<1x128xi32, #tpu.memory_space<vmem>>
        %dma_start3A_305 = tpu.memref_squeeze %dma_start3A_304 : memref<1x128xi32, #tpu.memory_space<vmem>> -> memref<128xi32, #tpu.memory_space<vmem>>
        %dma_start3A_306 = arith.constant 0 : i32
        %dma_start3A_307 = arith.constant 0 : i32
        %dma_start3A_308 = tpu.memref_slice %arg3[%dma_start3A_306, %dma_start3A_307] : memref<30522x64xf32, #tpu.memory_space<hbm>> -> memref<30522x64xf32, #tpu.memory_space<hbm>>
        tpu.enqueue_indirect_dma source(%dma_start3A_308 : memref<30522x64xf32, #tpu.memory_space<hbm>>) target(%dma_start3A_302 : memref<128x64xf32, #tpu.memory_space<vmem>>) offsets(%dma_start3A_305 : memref<128xi32, #tpu.memory_space<vmem>>) semaphore(%arg11 : memref<!tpu.dma_semaphore, #tpu.memory_space<semaphore_mem>>)
      } else {
      }
      %dma_wait3A_259 = arith.constant 3 : i32
      %dma_wait3A_260 = arith.constant 0 : i32
      %dma_wait3A_261 = arith.constant 0 : i32
      %dma_wait3A_262 = tpu.memref_slice %arg8[%dma_wait3A_259, %dma_wait3A_260, %dma_wait3A_261] : memref<4x128x64xf32, #tpu.memory_space<vmem>> -> memref<1x128x64xf32, #tpu.memory_space<vmem>>
      %dma_wait3A_263 = tpu.memref_squeeze %dma_wait3A_262 : memref<1x128x64xf32, #tpu.memory_space<vmem>> -> memref<128x64xf32, #tpu.memory_space<vmem>>
      %dma_wait3A_264 = arith.constant 0 : i32
      %dma_wait3A_265 = tpu.memref_slice %arg7[%add3A_251, %dma_wait3A_264] : memref<128x128xi32, #tpu.memory_space<vmem>> -> memref<1x128xi32, #tpu.memory_space<vmem>>
      %dma_wait3A_266 = tpu.memref_squeeze %dma_wait3A_265 : memref<1x128xi32, #tpu.memory_space<vmem>> -> memref<128xi32, #tpu.memory_space<vmem>>
      %dma_wait3A_267 = arith.constant 0 : i32
      %dma_wait3A_268 = arith.constant 0 : i32
      %dma_wait3A_269 = tpu.memref_slice %arg3[%dma_wait3A_267, %dma_wait3A_268] : memref<30522x64xf32, #tpu.memory_space<hbm>> -> memref<30522x64xf32, #tpu.memory_space<hbm>>
      tpu.wait_indirect_dma semaphore(%arg13 : memref<!tpu.dma_semaphore, #tpu.memory_space<semaphore_mem>>) src(%dma_wait3A_269 : memref<30522x64xf32, #tpu.memory_space<hbm>>) dst(%dma_wait3A_263 : memref<128x64xf32, #tpu.memory_space<vmem>>)
      %ge3A_270 = arith.constant 4 : i32
      %ge3A_271 = arith.cmpi sge, %add3A_251, %ge3A_270 : i32
      %convert_element_type3A_272 = arith.extui %ge3A_271 : i1 to i32
      %cond3A_273 = arith.constant 0 : i32
      %cond3A_274 = arith.cmpi ne, %convert_element_type3A_272, %cond3A_273 : i32
      scf.if %cond3A_274 {
        %sub3A = arith.constant 4 : i32
        %sub3A_298 = arith.subi %add3A_251, %sub3A : i32
        %add3A_299 = arith.addi %mul3A_2, %sub3A_298 : i32
        %dma_wait3A_300 = arith.constant 3 : i32
        %dma_wait3A_301 = arith.constant 0 : i32
        %dma_wait3A_302 = arith.constant 0 : i32
        %dma_wait3A_303 = tpu.memref_slice %arg9[%dma_wait3A_300, %dma_wait3A_301, %dma_wait3A_302] : memref<4x64x129xf32, #tpu.memory_space<vmem>> -> memref<1x64x128xf32, #tpu.memory_space<vmem>>
        %dma_wait3A_304 = tpu.memref_squeeze %dma_wait3A_303 : memref<1x64x128xf32, #tpu.memory_space<vmem>> -> memref<64x128xf32, #tpu.memory_space<vmem>>
        %dma_wait3A_305 = arith.constant 0 : i32
        %dma_wait3A_306 = arith.constant 0 : i32
        %dma_wait3A_307 = tpu.memref_slice %arg5[%add3A_299, %dma_wait3A_305, %dma_wait3A_306] : memref<4096x64x128xf32, #tpu.memory_space<hbm>> -> memref<1x64x128xf32, #tpu.memory_space<hbm>>
        %dma_wait3A_308 = tpu.memref_squeeze %dma_wait3A_307 : memref<1x64x128xf32, #tpu.memory_space<hbm>> -> memref<64x128xf32, #tpu.memory_space<hbm>>
        %dma_wait3A_309 = arith.constant 0 : i32
        %dma_wait3A_310 = arith.constant 0 : i32
        %dma_wait3A_311 = tpu.memref_slice %arg5[%add3A_299, %dma_wait3A_309, %dma_wait3A_310] : memref<4096x64x128xf32, #tpu.memory_space<hbm>> -> memref<1x64x128xf32, #tpu.memory_space<hbm>>
        %dma_wait3A_312 = tpu.memref_squeeze %dma_wait3A_311 : memref<1x64x128xf32, #tpu.memory_space<hbm>> -> memref<64x128xf32, #tpu.memory_space<hbm>>
        %dma_wait3A_313 = arith.constant 0 : i32
        %dma_wait3A_314 = arith.constant 0 : i32
        %dma_wait3A_315 = tpu.memref_slice %arg9[%dma_wait3A_300, %dma_wait3A_313, %dma_wait3A_314] : memref<4x64x129xf32, #tpu.memory_space<vmem>> -> memref<1x64x128xf32, #tpu.memory_space<vmem>>
        %dma_wait3A_316 = tpu.memref_squeeze %dma_wait3A_315 : memref<1x64x128xf32, #tpu.memory_space<vmem>> -> memref<64x128xf32, #tpu.memory_space<vmem>>
        tpu.wait_dma2 semaphore(%arg17 : memref<!tpu.dma_semaphore, #tpu.memory_space<semaphore_mem>>) src(%dma_wait3A_316 : memref<64x128xf32, #tpu.memory_space<vmem>>) dst(%dma_wait3A_312 : memref<64x128xf32, #tpu.memory_space<hbm>>)
      } else {
      }
      %scan3A_275 = arith.constant 0 : i32
      %scan3A_276 = arith.constant 128 : i32
      %scan3A_277 = arith.addi %scan3A_275, %scan3A_276 : i32
      %scan3A_278 = arith.constant 4 : i32
      scf.for %scan3A_298 = %scan3A_275 to %scan3A_277 step %scan3A_278  : i32 {
        %mul3A_299 = arith.constant 1 : i32
        %mul3A_300 = arith.muli %scan3A_298, %mul3A_299 : i32
        %add3A_301 = arith.constant 0 : i32
        %add3A_302 = arith.addi %add3A_301, %mul3A_300 : i32
        %broadcast_in_dim3A = arith.constant 0 : i32
        %broadcast_in_dim3A_303 = vector.broadcast %broadcast_in_dim3A : i32 to vector<16xi32>
        %add3A_304 = vector.broadcast %add3A_302 : i32 to vector<16xi32>
        %add3A_305 = arith.addi %broadcast_in_dim3A_303, %add3A_304 : vector<16xi32>
        %get3A = arith.constant 3 : i32
        %get3A_306 = arith.index_cast %get3A : i32 to index
        %get3A_307 = arith.index_cast %add3A_302 : i32 to index
        %get3A_308 = arith.constant 0 : index
        %get3A_309 = tpu.vector_load %arg8[%get3A_306, %get3A_307, %get3A_308] {strides = array<i32>} : memref<4x128x64xf32, #tpu.memory_space<vmem>>, vector<16xf32>,
        %get3A_310 = arith.index_cast %add3A_302 : i32 to index
        %get3A_311 = arith.constant 0 : index
        %get3A_312 = tpu.vector_load %arg6[%get3A_310, %get3A_311] {strides = array<i32>} : memref<128x64xf32, #tpu.memory_space<vmem>>, vector<16xf32>,
        %add3A_313 = arith.addf %get3A_309, %get3A_312 : vector<16xf32>
        %add3A_314 = arith.constant 0 : i32
        %add3A_315 = vector.broadcast %add3A_314 : i32 to vector<16xi32>
        %add3A_316 = arith.addi %iota3A, %add3A_315 : vector<16xi32>
        %scatter3A = arith.constant 3 : i32
        %scatter3A_317 = arith.constant 0 : i32
        %scatter3A_318 = arith.constant 0 : i32
        %scatter3A_319 = tpu.memref_slice %arg9[%scatter3A, %scatter3A_317, %scatter3A_318] : memref<4x64x129xf32, #tpu.memory_space<vmem>> -> memref<1x64x129xf32, #tpu.memory_space<vmem>>
        %scatter3A_320 = tpu.memref_squeeze %scatter3A_319 : memref<1x64x129xf32, #tpu.memory_space<vmem>> -> memref<64x129xf32, #tpu.memory_space<vmem>>
        tpu.vector_store_idx %scatter3A_320[%add3A_316, %add3A_305], %add3A_313 : memref<64x129xf32, #tpu.memory_space<vmem>>[vector<16xi32>, vector<16xi32>], vector<16xf32>,
        %get3A_321 = arith.constant 3 : i32
        %get3A_322 = arith.index_cast %get3A_321 : i32 to index
        %get3A_323 = arith.index_cast %add3A_302 : i32 to index
        %get3A_324 = arith.constant 16 : index
        %get3A_325 = tpu.vector_load %arg8[%get3A_322, %get3A_323, %get3A_324] {strides = array<i32>} : memref<4x128x64xf32, #tpu.memory_space<vmem>>, vector<16xf32>,
        %get3A_326 = arith.index_cast %add3A_302 : i32 to index
        %get3A_327 = arith.constant 16 : index
        %get3A_328 = tpu.vector_load %arg6[%get3A_326, %get3A_327] {strides = array<i32>} : memref<128x64xf32, #tpu.memory_space<vmem>>, vector<16xf32>,
        %add3A_329 = arith.addf %get3A_325, %get3A_328 : vector<16xf32>
        %add3A_330 = arith.constant 16 : i32
        %add3A_331 = vector.broadcast %add3A_330 : i32 to vector<16xi32>
        %add3A_332 = arith.addi %iota3A, %add3A_331 : vector<16xi32>
        %scatter3A_333 = arith.constant 3 : i32
        %scatter3A_334 = arith.constant 0 : i32
        %scatter3A_335 = arith.constant 0 : i32
        %scatter3A_336 = tpu.memref_slice %arg9[%scatter3A_333, %scatter3A_334, %scatter3A_335] : memref<4x64x129xf32, #tpu.memory_space<vmem>> -> memref<1x64x129xf32, #tpu.memory_space<vmem>>
        %scatter3A_337 = tpu.memref_squeeze %scatter3A_336 : memref<1x64x129xf32, #tpu.memory_space<vmem>> -> memref<64x129xf32, #tpu.memory_space<vmem>>
        tpu.vector_store_idx %scatter3A_337[%add3A_332, %add3A_305], %add3A_329 : memref<64x129xf32, #tpu.memory_space<vmem>>[vector<16xi32>, vector<16xi32>], vector<16xf32>,
        %get3A_338 = arith.constant 3 : i32
        %get3A_339 = arith.index_cast %get3A_338 : i32 to index
        %get3A_340 = arith.index_cast %add3A_302 : i32 to index
        %get3A_341 = arith.constant 32 : index
        %get3A_342 = tpu.vector_load %arg8[%get3A_339, %get3A_340, %get3A_341] {strides = array<i32>} : memref<4x128x64xf32, #tpu.memory_space<vmem>>, vector<16xf32>,
        %get3A_343 = arith.index_cast %add3A_302 : i32 to index
        %get3A_344 = arith.constant 32 : index
        %get3A_345 = tpu.vector_load %arg6[%get3A_343, %get3A_344] {strides = array<i32>} : memref<128x64xf32, #tpu.memory_space<vmem>>, vector<16xf32>,
        %add3A_346 = arith.addf %get3A_342, %get3A_345 : vector<16xf32>
        %add3A_347 = arith.constant 32 : i32
        %add3A_348 = vector.broadcast %add3A_347 : i32 to vector<16xi32>
        %add3A_349 = arith.addi %iota3A, %add3A_348 : vector<16xi32>
        %scatter3A_350 = arith.constant 3 : i32
        %scatter3A_351 = arith.constant 0 : i32
        %scatter3A_352 = arith.constant 0 : i32
        %scatter3A_353 = tpu.memref_slice %arg9[%scatter3A_350, %scatter3A_351, %scatter3A_352] : memref<4x64x129xf32, #tpu.memory_space<vmem>> -> memref<1x64x129xf32, #tpu.memory_space<vmem>>
        %scatter3A_354 = tpu.memref_squeeze %scatter3A_353 : memref<1x64x129xf32, #tpu.memory_space<vmem>> -> memref<64x129xf32, #tpu.memory_space<vmem>>
        tpu.vector_store_idx %scatter3A_354[%add3A_349, %add3A_305], %add3A_346 : memref<64x129xf32, #tpu.memory_space<vmem>>[vector<16xi32>, vector<16xi32>], vector<16xf32>,
        %get3A_355 = arith.constant 3 : i32
        %get3A_356 = arith.index_cast %get3A_355 : i32 to index
        %get3A_357 = arith.index_cast %add3A_302 : i32 to index
        %get3A_358 = arith.constant 48 : index
        %get3A_359 = tpu.vector_load %arg8[%get3A_356, %get3A_357, %get3A_358] {strides = array<i32>} : memref<4x128x64xf32, #tpu.memory_space<vmem>>, vector<16xf32>,
        %get3A_360 = arith.index_cast %add3A_302 : i32 to index
        %get3A_361 = arith.constant 48 : index
        %get3A_362 = tpu.vector_load %arg6[%get3A_360, %get3A_361] {strides = array<i32>} : memref<128x64xf32, #tpu.memory_space<vmem>>, vector<16xf32>,
        %add3A_363 = arith.addf %get3A_359, %get3A_362 : vector<16xf32>
        %add3A_364 = arith.constant 48 : i32
        %add3A_365 = vector.broadcast %add3A_364 : i32 to vector<16xi32>
        %add3A_366 = arith.addi %iota3A, %add3A_365 : vector<16xi32>
        %scatter3A_367 = arith.constant 3 : i32
        %scatter3A_368 = arith.constant 0 : i32
        %scatter3A_369 = arith.constant 0 : i32
        %scatter3A_370 = tpu.memref_slice %arg9[%scatter3A_367, %scatter3A_368, %scatter3A_369] : memref<4x64x129xf32, #tpu.memory_space<vmem>> -> memref<1x64x129xf32, #tpu.memory_space<vmem>>
        %scatter3A_371 = tpu.memref_squeeze %scatter3A_370 : memref<1x64x129xf32, #tpu.memory_space<vmem>> -> memref<64x129xf32, #tpu.memory_space<vmem>>
        tpu.vector_store_idx %scatter3A_371[%add3A_366, %add3A_305], %add3A_363 : memref<64x129xf32, #tpu.memory_space<vmem>>[vector<16xi32>, vector<16xi32>], vector<16xf32>,
        %scan3A_372 = arith.constant 1 : i32
        %scan3A_373 = arith.addi %scan3A_298, %scan3A_372 : i32
        %mul3A_374 = arith.constant 1 : i32
        %mul3A_375 = arith.muli %scan3A_373, %mul3A_374 : i32
        %add3A_376 = arith.constant 0 : i32
        %add3A_377 = arith.addi %add3A_376, %mul3A_375 : i32
        %broadcast_in_dim3A_378 = arith.constant 0 : i32
        %broadcast_in_dim3A_379 = vector.broadcast %broadcast_in_dim3A_378 : i32 to vector<16xi32>
        %add3A_380 = vector.broadcast %add3A_377 : i32 to vector<16xi32>
        %add3A_381 = arith.addi %broadcast_in_dim3A_379, %add3A_380 : vector<16xi32>
        %get3A_382 = arith.constant 3 : i32
        %get3A_383 = arith.index_cast %get3A_382 : i32 to index
        %get3A_384 = arith.index_cast %add3A_377 : i32 to index
        %get3A_385 = arith.constant 0 : index
        %get3A_386 = tpu.vector_load %arg8[%get3A_383, %get3A_384, %get3A_385] {strides = array<i32>} : memref<4x128x64xf32, #tpu.memory_space<vmem>>, vector<16xf32>,
        %get3A_387 = arith.index_cast %add3A_377 : i32 to index
        %get3A_388 = arith.constant 0 : index
        %get3A_389 = tpu.vector_load %arg6[%get3A_387, %get3A_388] {strides = array<i32>} : memref<128x64xf32, #tpu.memory_space<vmem>>, vector<16xf32>,
        %add3A_390 = arith.addf %get3A_386, %get3A_389 : vector<16xf32>
        %add3A_391 = arith.constant 0 : i32
        %add3A_392 = vector.broadcast %add3A_391 : i32 to vector<16xi32>
        %add3A_393 = arith.addi %iota3A, %add3A_392 : vector<16xi32>
        %scatter3A_394 = arith.constant 3 : i32
        %scatter3A_395 = arith.constant 0 : i32
        %scatter3A_396 = arith.constant 0 : i32
        %scatter3A_397 = tpu.memref_slice %arg9[%scatter3A_394, %scatter3A_395, %scatter3A_396] : memref<4x64x129xf32, #tpu.memory_space<vmem>> -> memref<1x64x129xf32, #tpu.memory_space<vmem>>
        %scatter3A_398 = tpu.memref_squeeze %scatter3A_397 : memref<1x64x129xf32, #tpu.memory_space<vmem>> -> memref<64x129xf32, #tpu.memory_space<vmem>>
        tpu.vector_store_idx %scatter3A_398[%add3A_393, %add3A_381], %add3A_390 : memref<64x129xf32, #tpu.memory_space<vmem>>[vector<16xi32>, vector<16xi32>], vector<16xf32>,
        %get3A_399 = arith.constant 3 : i32
        %get3A_400 = arith.index_cast %get3A_399 : i32 to index
        %get3A_401 = arith.index_cast %add3A_377 : i32 to index
        %get3A_402 = arith.constant 16 : index
        %get3A_403 = tpu.vector_load %arg8[%get3A_400, %get3A_401, %get3A_402] {strides = array<i32>} : memref<4x128x64xf32, #tpu.memory_space<vmem>>, vector<16xf32>,
        %get3A_404 = arith.index_cast %add3A_377 : i32 to index
        %get3A_405 = arith.constant 16 : index
        %get3A_406 = tpu.vector_load %arg6[%get3A_404, %get3A_405] {strides = array<i32>} : memref<128x64xf32, #tpu.memory_space<vmem>>, vector<16xf32>,
        %add3A_407 = arith.addf %get3A_403, %get3A_406 : vector<16xf32>
        %add3A_408 = arith.constant 16 : i32
        %add3A_409 = vector.broadcast %add3A_408 : i32 to vector<16xi32>
        %add3A_410 = arith.addi %iota3A, %add3A_409 : vector<16xi32>
        %scatter3A_411 = arith.constant 3 : i32
        %scatter3A_412 = arith.constant 0 : i32
        %scatter3A_413 = arith.constant 0 : i32
        %scatter3A_414 = tpu.memref_slice %arg9[%scatter3A_411, %scatter3A_412, %scatter3A_413] : memref<4x64x129xf32, #tpu.memory_space<vmem>> -> memref<1x64x129xf32, #tpu.memory_space<vmem>>
        %scatter3A_415 = tpu.memref_squeeze %scatter3A_414 : memref<1x64x129xf32, #tpu.memory_space<vmem>> -> memref<64x129xf32, #tpu.memory_space<vmem>>
        tpu.vector_store_idx %scatter3A_415[%add3A_410, %add3A_381], %add3A_407 : memref<64x129xf32, #tpu.memory_space<vmem>>[vector<16xi32>, vector<16xi32>], vector<16xf32>,
        %get3A_416 = arith.constant 3 : i32
        %get3A_417 = arith.index_cast %get3A_416 : i32 to index
        %get3A_418 = arith.index_cast %add3A_377 : i32 to index
        %get3A_419 = arith.constant 32 : index
        %get3A_420 = tpu.vector_load %arg8[%get3A_417, %get3A_418, %get3A_419] {strides = array<i32>} : memref<4x128x64xf32, #tpu.memory_space<vmem>>, vector<16xf32>,
        %get3A_421 = arith.index_cast %add3A_377 : i32 to index
        %get3A_422 = arith.constant 32 : index
        %get3A_423 = tpu.vector_load %arg6[%get3A_421, %get3A_422] {strides = array<i32>} : memref<128x64xf32, #tpu.memory_space<vmem>>, vector<16xf32>,
        %add3A_424 = arith.addf %get3A_420, %get3A_423 : vector<16xf32>
        %add3A_425 = arith.constant 32 : i32
        %add3A_426 = vector.broadcast %add3A_425 : i32 to vector<16xi32>
        %add3A_427 = arith.addi %iota3A, %add3A_426 : vector<16xi32>
        %scatter3A_428 = arith.constant 3 : i32
        %scatter3A_429 = arith.constant 0 : i32
        %scatter3A_430 = arith.constant 0 : i32
        %scatter3A_431 = tpu.memref_slice %arg9[%scatter3A_428, %scatter3A_429, %scatter3A_430] : memref<4x64x129xf32, #tpu.memory_space<vmem>> -> memref<1x64x129xf32, #tpu.memory_space<vmem>>
        %scatter3A_432 = tpu.memref_squeeze %scatter3A_431 : memref<1x64x129xf32, #tpu.memory_space<vmem>> -> memref<64x129xf32, #tpu.memory_space<vmem>>
        tpu.vector_store_idx %scatter3A_432[%add3A_427, %add3A_381], %add3A_424 : memref<64x129xf32, #tpu.memory_space<vmem>>[vector<16xi32>, vector<16xi32>], vector<16xf32>,
        %get3A_433 = arith.constant 3 : i32
        %get3A_434 = arith.index_cast %get3A_433 : i32 to index
        %get3A_435 = arith.index_cast %add3A_377 : i32 to index
        %get3A_436 = arith.constant 48 : index
        %get3A_437 = tpu.vector_load %arg8[%get3A_434, %get3A_435, %get3A_436] {strides = array<i32>} : memref<4x128x64xf32, #tpu.memory_space<vmem>>, vector<16xf32>,
        %get3A_438 = arith.index_cast %add3A_377 : i32 to index
        %get3A_439 = arith.constant 48 : index
        %get3A_440 = tpu.vector_load %arg6[%get3A_438, %get3A_439] {strides = array<i32>} : memref<128x64xf32, #tpu.memory_space<vmem>>, vector<16xf32>,
        %add3A_441 = arith.addf %get3A_437, %get3A_440 : vector<16xf32>
        %add3A_442 = arith.constant 48 : i32
        %add3A_443 = vector.broadcast %add3A_442 : i32 to vector<16xi32>
        %add3A_444 = arith.addi %iota3A, %add3A_443 : vector<16xi32>
        %scatter3A_445 = arith.constant 3 : i32
        %scatter3A_446 = arith.constant 0 : i32
        %scatter3A_447 = arith.constant 0 : i32
        %scatter3A_448 = tpu.memref_slice %arg9[%scatter3A_445, %scatter3A_446, %scatter3A_447] : memref<4x64x129xf32, #tpu.memory_space<vmem>> -> memref<1x64x129xf32, #tpu.memory_space<vmem>>
        %scatter3A_449 = tpu.memref_squeeze %scatter3A_448 : memref<1x64x129xf32, #tpu.memory_space<vmem>> -> memref<64x129xf32, #tpu.memory_space<vmem>>
        tpu.vector_store_idx %scatter3A_449[%add3A_444, %add3A_381], %add3A_441 : memref<64x129xf32, #tpu.memory_space<vmem>>[vector<16xi32>, vector<16xi32>], vector<16xf32>,
        %scan3A_450 = arith.constant 2 : i32
        %scan3A_451 = arith.addi %scan3A_298, %scan3A_450 : i32
        %mul3A_452 = arith.constant 1 : i32
        %mul3A_453 = arith.muli %scan3A_451, %mul3A_452 : i32
        %add3A_454 = arith.constant 0 : i32
        %add3A_455 = arith.addi %add3A_454, %mul3A_453 : i32
        %broadcast_in_dim3A_456 = arith.constant 0 : i32
        %broadcast_in_dim3A_457 = vector.broadcast %broadcast_in_dim3A_456 : i32 to vector<16xi32>
        %add3A_458 = vector.broadcast %add3A_455 : i32 to vector<16xi32>
        %add3A_459 = arith.addi %broadcast_in_dim3A_457, %add3A_458 : vector<16xi32>
        %get3A_460 = arith.constant 3 : i32
        %get3A_461 = arith.index_cast %get3A_460 : i32 to index
        %get3A_462 = arith.index_cast %add3A_455 : i32 to index
        %get3A_463 = arith.constant 0 : index
        %get3A_464 = tpu.vector_load %arg8[%get3A_461, %get3A_462, %get3A_463] {strides = array<i32>} : memref<4x128x64xf32, #tpu.memory_space<vmem>>, vector<16xf32>,
        %get3A_465 = arith.index_cast %add3A_455 : i32 to index
        %get3A_466 = arith.constant 0 : index
        %get3A_467 = tpu.vector_load %arg6[%get3A_465, %get3A_466] {strides = array<i32>} : memref<128x64xf32, #tpu.memory_space<vmem>>, vector<16xf32>,
        %add3A_468 = arith.addf %get3A_464, %get3A_467 : vector<16xf32>
        %add3A_469 = arith.constant 0 : i32
        %add3A_470 = vector.broadcast %add3A_469 : i32 to vector<16xi32>
        %add3A_471 = arith.addi %iota3A, %add3A_470 : vector<16xi32>
        %scatter3A_472 = arith.constant 3 : i32
        %scatter3A_473 = arith.constant 0 : i32
        %scatter3A_474 = arith.constant 0 : i32
        %scatter3A_475 = tpu.memref_slice %arg9[%scatter3A_472, %scatter3A_473, %scatter3A_474] : memref<4x64x129xf32, #tpu.memory_space<vmem>> -> memref<1x64x129xf32, #tpu.memory_space<vmem>>
        %scatter3A_476 = tpu.memref_squeeze %scatter3A_475 : memref<1x64x129xf32, #tpu.memory_space<vmem>> -> memref<64x129xf32, #tpu.memory_space<vmem>>
        tpu.vector_store_idx %scatter3A_476[%add3A_471, %add3A_459], %add3A_468 : memref<64x129xf32, #tpu.memory_space<vmem>>[vector<16xi32>, vector<16xi32>], vector<16xf32>,
        %get3A_477 = arith.constant 3 : i32
        %get3A_478 = arith.index_cast %get3A_477 : i32 to index
        %get3A_479 = arith.index_cast %add3A_455 : i32 to index
        %get3A_480 = arith.constant 16 : index
        %get3A_481 = tpu.vector_load %arg8[%get3A_478, %get3A_479, %get3A_480] {strides = array<i32>} : memref<4x128x64xf32, #tpu.memory_space<vmem>>, vector<16xf32>,
        %get3A_482 = arith.index_cast %add3A_455 : i32 to index
        %get3A_483 = arith.constant 16 : index
        %get3A_484 = tpu.vector_load %arg6[%get3A_482, %get3A_483] {strides = array<i32>} : memref<128x64xf32, #tpu.memory_space<vmem>>, vector<16xf32>,
        %add3A_485 = arith.addf %get3A_481, %get3A_484 : vector<16xf32>
        %add3A_486 = arith.constant 16 : i32
        %add3A_487 = vector.broadcast %add3A_486 : i32 to vector<16xi32>
        %add3A_488 = arith.addi %iota3A, %add3A_487 : vector<16xi32>
        %scatter3A_489 = arith.constant 3 : i32
        %scatter3A_490 = arith.constant 0 : i32
        %scatter3A_491 = arith.constant 0 : i32
        %scatter3A_492 = tpu.memref_slice %arg9[%scatter3A_489, %scatter3A_490, %scatter3A_491] : memref<4x64x129xf32, #tpu.memory_space<vmem>> -> memref<1x64x129xf32, #tpu.memory_space<vmem>>
        %scatter3A_493 = tpu.memref_squeeze %scatter3A_492 : memref<1x64x129xf32, #tpu.memory_space<vmem>> -> memref<64x129xf32, #tpu.memory_space<vmem>>
        tpu.vector_store_idx %scatter3A_493[%add3A_488, %add3A_459], %add3A_485 : memref<64x129xf32, #tpu.memory_space<vmem>>[vector<16xi32>, vector<16xi32>], vector<16xf32>,
        %get3A_494 = arith.constant 3 : i32
        %get3A_495 = arith.index_cast %get3A_494 : i32 to index
        %get3A_496 = arith.index_cast %add3A_455 : i32 to index
        %get3A_497 = arith.constant 32 : index
        %get3A_498 = tpu.vector_load %arg8[%get3A_495, %get3A_496, %get3A_497] {strides = array<i32>} : memref<4x128x64xf32, #tpu.memory_space<vmem>>, vector<16xf32>,
        %get3A_499 = arith.index_cast %add3A_455 : i32 to index
        %get3A_500 = arith.constant 32 : index
        %get3A_501 = tpu.vector_load %arg6[%get3A_499, %get3A_500] {strides = array<i32>} : memref<128x64xf32, #tpu.memory_space<vmem>>, vector<16xf32>,
        %add3A_502 = arith.addf %get3A_498, %get3A_501 : vector<16xf32>
        %add3A_503 = arith.constant 32 : i32
        %add3A_504 = vector.broadcast %add3A_503 : i32 to vector<16xi32>
        %add3A_505 = arith.addi %iota3A, %add3A_504 : vector<16xi32>
        %scatter3A_506 = arith.constant 3 : i32
        %scatter3A_507 = arith.constant 0 : i32
        %scatter3A_508 = arith.constant 0 : i32
        %scatter3A_509 = tpu.memref_slice %arg9[%scatter3A_506, %scatter3A_507, %scatter3A_508] : memref<4x64x129xf32, #tpu.memory_space<vmem>> -> memref<1x64x129xf32, #tpu.memory_space<vmem>>
        %scatter3A_510 = tpu.memref_squeeze %scatter3A_509 : memref<1x64x129xf32, #tpu.memory_space<vmem>> -> memref<64x129xf32, #tpu.memory_space<vmem>>
        tpu.vector_store_idx %scatter3A_510[%add3A_505, %add3A_459], %add3A_502 : memref<64x129xf32, #tpu.memory_space<vmem>>[vector<16xi32>, vector<16xi32>], vector<16xf32>,
        %get3A_511 = arith.constant 3 : i32
        %get3A_512 = arith.index_cast %get3A_511 : i32 to index
        %get3A_513 = arith.index_cast %add3A_455 : i32 to index
        %get3A_514 = arith.constant 48 : index
        %get3A_515 = tpu.vector_load %arg8[%get3A_512, %get3A_513, %get3A_514] {strides = array<i32>} : memref<4x128x64xf32, #tpu.memory_space<vmem>>, vector<16xf32>,
        %get3A_516 = arith.index_cast %add3A_455 : i32 to index
        %get3A_517 = arith.constant 48 : index
        %get3A_518 = tpu.vector_load %arg6[%get3A_516, %get3A_517] {strides = array<i32>} : memref<128x64xf32, #tpu.memory_space<vmem>>, vector<16xf32>,
        %add3A_519 = arith.addf %get3A_515, %get3A_518 : vector<16xf32>
        %add3A_520 = arith.constant 48 : i32
        %add3A_521 = vector.broadcast %add3A_520 : i32 to vector<16xi32>
        %add3A_522 = arith.addi %iota3A, %add3A_521 : vector<16xi32>
        %scatter3A_523 = arith.constant 3 : i32
        %scatter3A_524 = arith.constant 0 : i32
        %scatter3A_525 = arith.constant 0 : i32
        %scatter3A_526 = tpu.memref_slice %arg9[%scatter3A_523, %scatter3A_524, %scatter3A_525] : memref<4x64x129xf32, #tpu.memory_space<vmem>> -> memref<1x64x129xf32, #tpu.memory_space<vmem>>
        %scatter3A_527 = tpu.memref_squeeze %scatter3A_526 : memref<1x64x129xf32, #tpu.memory_space<vmem>> -> memref<64x129xf32, #tpu.memory_space<vmem>>
        tpu.vector_store_idx %scatter3A_527[%add3A_522, %add3A_459], %add3A_519 : memref<64x129xf32, #tpu.memory_space<vmem>>[vector<16xi32>, vector<16xi32>], vector<16xf32>,
        %scan3A_528 = arith.constant 3 : i32
        %scan3A_529 = arith.addi %scan3A_298, %scan3A_528 : i32
        %mul3A_530 = arith.constant 1 : i32
        %mul3A_531 = arith.muli %scan3A_529, %mul3A_530 : i32
        %add3A_532 = arith.constant 0 : i32
        %add3A_533 = arith.addi %add3A_532, %mul3A_531 : i32
        %broadcast_in_dim3A_534 = arith.constant 0 : i32
        %broadcast_in_dim3A_535 = vector.broadcast %broadcast_in_dim3A_534 : i32 to vector<16xi32>
        %add3A_536 = vector.broadcast %add3A_533 : i32 to vector<16xi32>
        %add3A_537 = arith.addi %broadcast_in_dim3A_535, %add3A_536 : vector<16xi32>
        %get3A_538 = arith.constant 3 : i32
        %get3A_539 = arith.index_cast %get3A_538 : i32 to index
        %get3A_540 = arith.index_cast %add3A_533 : i32 to index
        %get3A_541 = arith.constant 0 : index
        %get3A_542 = tpu.vector_load %arg8[%get3A_539, %get3A_540, %get3A_541] {strides = array<i32>} : memref<4x128x64xf32, #tpu.memory_space<vmem>>, vector<16xf32>,
        %get3A_543 = arith.index_cast %add3A_533 : i32 to index
        %get3A_544 = arith.constant 0 : index
        %get3A_545 = tpu.vector_load %arg6[%get3A_543, %get3A_544] {strides = array<i32>} : memref<128x64xf32, #tpu.memory_space<vmem>>, vector<16xf32>,
        %add3A_546 = arith.addf %get3A_542, %get3A_545 : vector<16xf32>
        %add3A_547 = arith.constant 0 : i32
        %add3A_548 = vector.broadcast %add3A_547 : i32 to vector<16xi32>
        %add3A_549 = arith.addi %iota3A, %add3A_548 : vector<16xi32>
        %scatter3A_550 = arith.constant 3 : i32
        %scatter3A_551 = arith.constant 0 : i32
        %scatter3A_552 = arith.constant 0 : i32
        %scatter3A_553 = tpu.memref_slice %arg9[%scatter3A_550, %scatter3A_551, %scatter3A_552] : memref<4x64x129xf32, #tpu.memory_space<vmem>> -> memref<1x64x129xf32, #tpu.memory_space<vmem>>
        %scatter3A_554 = tpu.memref_squeeze %scatter3A_553 : memref<1x64x129xf32, #tpu.memory_space<vmem>> -> memref<64x129xf32, #tpu.memory_space<vmem>>
        tpu.vector_store_idx %scatter3A_554[%add3A_549, %add3A_537], %add3A_546 : memref<64x129xf32, #tpu.memory_space<vmem>>[vector<16xi32>, vector<16xi32>], vector<16xf32>,
        %get3A_555 = arith.constant 3 : i32
        %get3A_556 = arith.index_cast %get3A_555 : i32 to index
        %get3A_557 = arith.index_cast %add3A_533 : i32 to index
        %get3A_558 = arith.constant 16 : index
        %get3A_559 = tpu.vector_load %arg8[%get3A_556, %get3A_557, %get3A_558] {strides = array<i32>} : memref<4x128x64xf32, #tpu.memory_space<vmem>>, vector<16xf32>,
        %get3A_560 = arith.index_cast %add3A_533 : i32 to index
        %get3A_561 = arith.constant 16 : index
        %get3A_562 = tpu.vector_load %arg6[%get3A_560, %get3A_561] {strides = array<i32>} : memref<128x64xf32, #tpu.memory_space<vmem>>, vector<16xf32>,
        %add3A_563 = arith.addf %get3A_559, %get3A_562 : vector<16xf32>
        %add3A_564 = arith.constant 16 : i32
        %add3A_565 = vector.broadcast %add3A_564 : i32 to vector<16xi32>
        %add3A_566 = arith.addi %iota3A, %add3A_565 : vector<16xi32>
        %scatter3A_567 = arith.constant 3 : i32
        %scatter3A_568 = arith.constant 0 : i32
        %scatter3A_569 = arith.constant 0 : i32
        %scatter3A_570 = tpu.memref_slice %arg9[%scatter3A_567, %scatter3A_568, %scatter3A_569] : memref<4x64x129xf32, #tpu.memory_space<vmem>> -> memref<1x64x129xf32, #tpu.memory_space<vmem>>
        %scatter3A_571 = tpu.memref_squeeze %scatter3A_570 : memref<1x64x129xf32, #tpu.memory_space<vmem>> -> memref<64x129xf32, #tpu.memory_space<vmem>>
        tpu.vector_store_idx %scatter3A_571[%add3A_566, %add3A_537], %add3A_563 : memref<64x129xf32, #tpu.memory_space<vmem>>[vector<16xi32>, vector<16xi32>], vector<16xf32>,
        %get3A_572 = arith.constant 3 : i32
        %get3A_573 = arith.index_cast %get3A_572 : i32 to index
        %get3A_574 = arith.index_cast %add3A_533 : i32 to index
        %get3A_575 = arith.constant 32 : index
        %get3A_576 = tpu.vector_load %arg8[%get3A_573, %get3A_574, %get3A_575] {strides = array<i32>} : memref<4x128x64xf32, #tpu.memory_space<vmem>>, vector<16xf32>,
        %get3A_577 = arith.index_cast %add3A_533 : i32 to index
        %get3A_578 = arith.constant 32 : index
        %get3A_579 = tpu.vector_load %arg6[%get3A_577, %get3A_578] {strides = array<i32>} : memref<128x64xf32, #tpu.memory_space<vmem>>, vector<16xf32>,
        %add3A_580 = arith.addf %get3A_576, %get3A_579 : vector<16xf32>
        %add3A_581 = arith.constant 32 : i32
        %add3A_582 = vector.broadcast %add3A_581 : i32 to vector<16xi32>
        %add3A_583 = arith.addi %iota3A, %add3A_582 : vector<16xi32>
        %scatter3A_584 = arith.constant 3 : i32
        %scatter3A_585 = arith.constant 0 : i32
        %scatter3A_586 = arith.constant 0 : i32
        %scatter3A_587 = tpu.memref_slice %arg9[%scatter3A_584, %scatter3A_585, %scatter3A_586] : memref<4x64x129xf32, #tpu.memory_space<vmem>> -> memref<1x64x129xf32, #tpu.memory_space<vmem>>
        %scatter3A_588 = tpu.memref_squeeze %scatter3A_587 : memref<1x64x129xf32, #tpu.memory_space<vmem>> -> memref<64x129xf32, #tpu.memory_space<vmem>>
        tpu.vector_store_idx %scatter3A_588[%add3A_583, %add3A_537], %add3A_580 : memref<64x129xf32, #tpu.memory_space<vmem>>[vector<16xi32>, vector<16xi32>], vector<16xf32>,
        %get3A_589 = arith.constant 3 : i32
        %get3A_590 = arith.index_cast %get3A_589 : i32 to index
        %get3A_591 = arith.index_cast %add3A_533 : i32 to index
        %get3A_592 = arith.constant 48 : index
        %get3A_593 = tpu.vector_load %arg8[%get3A_590, %get3A_591, %get3A_592] {strides = array<i32>} : memref<4x128x64xf32, #tpu.memory_space<vmem>>, vector<16xf32>,
        %get3A_594 = arith.index_cast %add3A_533 : i32 to index
        %get3A_595 = arith.constant 48 : index
        %get3A_596 = tpu.vector_load %arg6[%get3A_594, %get3A_595] {strides = array<i32>} : memref<128x64xf32, #tpu.memory_space<vmem>>, vector<16xf32>,
        %add3A_597 = arith.addf %get3A_593, %get3A_596 : vector<16xf32>
        %add3A_598 = arith.constant 48 : i32
        %add3A_599 = vector.broadcast %add3A_598 : i32 to vector<16xi32>
        %add3A_600 = arith.addi %iota3A, %add3A_599 : vector<16xi32>
        %scatter3A_601 = arith.constant 3 : i32
        %scatter3A_602 = arith.constant 0 : i32
        %scatter3A_603 = arith.constant 0 : i32
        %scatter3A_604 = tpu.memref_slice %arg9[%scatter3A_601, %scatter3A_602, %scatter3A_603] : memref<4x64x129xf32, #tpu.memory_space<vmem>> -> memref<1x64x129xf32, #tpu.memory_space<vmem>>
        %scatter3A_605 = tpu.memref_squeeze %scatter3A_604 : memref<1x64x129xf32, #tpu.memory_space<vmem>> -> memref<64x129xf32, #tpu.memory_space<vmem>>
        tpu.vector_store_idx %scatter3A_605[%add3A_600, %add3A_537], %add3A_597 : memref<64x129xf32, #tpu.memory_space<vmem>>[vector<16xi32>, vector<16xi32>], vector<16xf32>,
      }
      %scan3A_279 = arith.constant 128 : i32
      %add3A_280 = arith.addi %mul3A_2, %add3A_251 : i32
      %dma_start3A_281 = arith.constant 3 : i32
      %dma_start3A_282 = arith.constant 0 : i32
      %dma_start3A_283 = arith.constant 0 : i32
      %dma_start3A_284 = tpu.memref_slice %arg9[%dma_start3A_281, %dma_start3A_282, %dma_start3A_283] : memref<4x64x129xf32, #tpu.memory_space<vmem>> -> memref<1x64x128xf32, #tpu.memory_space<vmem>>
      %dma_start3A_285 = tpu.memref_squeeze %dma_start3A_284 : memref<1x64x128xf32, #tpu.memory_space<vmem>> -> memref<64x128xf32, #tpu.memory_space<vmem>>
      %dma_start3A_286 = arith.constant 0 : i32
      %dma_start3A_287 = arith.constant 0 : i32
      %dma_start3A_288 = tpu.memref_slice %arg5[%add3A_280, %dma_start3A_286, %dma_start3A_287] : memref<4096x64x128xf32, #tpu.memory_space<hbm>> -> memref<1x64x128xf32, #tpu.memory_space<hbm>>
      %dma_start3A_289 = tpu.memref_squeeze %dma_start3A_288 : memref<1x64x128xf32, #tpu.memory_space<hbm>> -> memref<64x128xf32, #tpu.memory_space<hbm>>
      %dma_start3A_290 = arith.constant 0 : i32
      %dma_start3A_291 = arith.constant 0 : i32
      %dma_start3A_292 = tpu.memref_slice %arg5[%add3A_280, %dma_start3A_290, %dma_start3A_291] : memref<4096x64x128xf32, #tpu.memory_space<hbm>> -> memref<1x64x128xf32, #tpu.memory_space<hbm>>
      %dma_start3A_293 = tpu.memref_squeeze %dma_start3A_292 : memref<1x64x128xf32, #tpu.memory_space<hbm>> -> memref<64x128xf32, #tpu.memory_space<hbm>>
      %dma_start3A_294 = arith.constant 0 : i32
      %dma_start3A_295 = arith.constant 0 : i32
      %dma_start3A_296 = tpu.memref_slice %arg9[%dma_start3A_281, %dma_start3A_294, %dma_start3A_295] : memref<4x64x129xf32, #tpu.memory_space<vmem>> -> memref<1x64x128xf32, #tpu.memory_space<vmem>>
      %dma_start3A_297 = tpu.memref_squeeze %dma_start3A_296 : memref<1x64x128xf32, #tpu.memory_space<vmem>> -> memref<64x128xf32, #tpu.memory_space<vmem>>
      tpu.enqueue_dma source(%dma_start3A_297 : memref<64x128xf32, #tpu.memory_space<vmem>>) target(%dma_start3A_293 : memref<64x128xf32, #tpu.memory_space<hbm>>) target_semaphore(%arg17 : memref<!tpu.dma_semaphore, #tpu.memory_space<semaphore_mem>>)
    }
    %scan3A_29 = arith.constant 32 : i32
    %add3A_30 = arith.constant 124 : i32
    %add3A_31 = arith.addi %mul3A_2, %add3A_30 : i32
    %dma_wait3A = arith.constant 0 : i32
    %dma_wait3A_32 = arith.constant 0 : i32
    %dma_wait3A_33 = arith.constant 0 : i32
    %dma_wait3A_34 = tpu.memref_slice %arg9[%dma_wait3A, %dma_wait3A_32, %dma_wait3A_33] : memref<4x64x129xf32, #tpu.memory_space<vmem>> -> memref<1x64x128xf32, #tpu.memory_space<vmem>>
    %dma_wait3A_35 = tpu.memref_squeeze %dma_wait3A_34 : memref<1x64x128xf32, #tpu.memory_space<vmem>> -> memref<64x128xf32, #tpu.memory_space<vmem>>
    %dma_wait3A_36 = arith.constant 0 : i32
    %dma_wait3A_37 = arith.constant 0 : i32
    %dma_wait3A_38 = tpu.memref_slice %arg5[%add3A_31, %dma_wait3A_36, %dma_wait3A_37] : memref<4096x64x128xf32, #tpu.memory_space<hbm>> -> memref<1x64x128xf32, #tpu.memory_space<hbm>>
    %dma_wait3A_39 = tpu.memref_squeeze %dma_wait3A_38 : memref<1x64x128xf32, #tpu.memory_space<hbm>> -> memref<64x128xf32, #tpu.memory_space<hbm>>
    %dma_wait3A_40 = arith.constant 0 : i32
    %dma_wait3A_41 = arith.constant 0 : i32
    %dma_wait3A_42 = tpu.memref_slice %arg5[%add3A_31, %dma_wait3A_40, %dma_wait3A_41] : memref<4096x64x128xf32, #tpu.memory_space<hbm>> -> memref<1x64x128xf32, #tpu.memory_space<hbm>>
    %dma_wait3A_43 = tpu.memref_squeeze %dma_wait3A_42 : memref<1x64x128xf32, #tpu.memory_space<hbm>> -> memref<64x128xf32, #tpu.memory_space<hbm>>
    %dma_wait3A_44 = arith.constant 0 : i32
    %dma_wait3A_45 = arith.constant 0 : i32
    %dma_wait3A_46 = tpu.memref_slice %arg9[%dma_wait3A, %dma_wait3A_44, %dma_wait3A_45] : memref<4x64x129xf32, #tpu.memory_space<vmem>> -> memref<1x64x128xf32, #tpu.memory_space<vmem>>
    %dma_wait3A_47 = tpu.memref_squeeze %dma_wait3A_46 : memref<1x64x128xf32, #tpu.memory_space<vmem>> -> memref<64x128xf32, #tpu.memory_space<vmem>>
    tpu.wait_dma2 semaphore(%arg14 : memref<!tpu.dma_semaphore, #tpu.memory_space<semaphore_mem>>) src(%dma_wait3A_47 : memref<64x128xf32, #tpu.memory_space<vmem>>) dst(%dma_wait3A_43 : memref<64x128xf32, #tpu.memory_space<hbm>>)
    %add3A_48 = arith.constant 125 : i32
    %add3A_49 = arith.addi %mul3A_2, %add3A_48 : i32
    %dma_wait3A_50 = arith.constant 1 : i32
    %dma_wait3A_51 = arith.constant 0 : i32
    %dma_wait3A_52 = arith.constant 0 : i32
    %dma_wait3A_53 = tpu.memref_slice %arg9[%dma_wait3A_50, %dma_wait3A_51, %dma_wait3A_52] : memref<4x64x129xf32, #tpu.memory_space<vmem>> -> memref<1x64x128xf32, #tpu.memory_space<vmem>>
    %dma_wait3A_54 = tpu.memref_squeeze %dma_wait3A_53 : memref<1x64x128xf32, #tpu.memory_space<vmem>> -> memref<64x128xf32, #tpu.memory_space<vmem>>
    %dma_wait3A_55 = arith.constant 0 : i32
    %dma_wait3A_56 = arith.constant 0 : i32
    %dma_wait3A_57 = tpu.memref_slice %arg5[%add3A_49, %dma_wait3A_55, %dma_wait3A_56] : memref<4096x64x128xf32, #tpu.memory_space<hbm>> -> memref<1x64x128xf32, #tpu.memory_space<hbm>>
    %dma_wait3A_58 = tpu.memref_squeeze %dma_wait3A_57 : memref<1x64x128xf32, #tpu.memory_space<hbm>> -> memref<64x128xf32, #tpu.memory_space<hbm>>
    %dma_wait3A_59 = arith.constant 0 : i32
    %dma_wait3A_60 = arith.constant 0 : i32
    %dma_wait3A_61 = tpu.memref_slice %arg5[%add3A_49, %dma_wait3A_59, %dma_wait3A_60] : memref<4096x64x128xf32, #tpu.memory_space<hbm>> -> memref<1x64x128xf32, #tpu.memory_space<hbm>>
    %dma_wait3A_62 = tpu.memref_squeeze %dma_wait3A_61 : memref<1x64x128xf32, #tpu.memory_space<hbm>> -> memref<64x128xf32, #tpu.memory_space<hbm>>
    %dma_wait3A_63 = arith.constant 0 : i32
    %dma_wait3A_64 = arith.constant 0 : i32
    %dma_wait3A_65 = tpu.memref_slice %arg9[%dma_wait3A_50, %dma_wait3A_63, %dma_wait3A_64] : memref<4x64x129xf32, #tpu.memory_space<vmem>> -> memref<1x64x128xf32, #tpu.memory_space<vmem>>
    %dma_wait3A_66 = tpu.memref_squeeze %dma_wait3A_65 : memref<1x64x128xf32, #tpu.memory_space<vmem>> -> memref<64x128xf32, #tpu.memory_space<vmem>>
    tpu.wait_dma2 semaphore(%arg15 : memref<!tpu.dma_semaphore, #tpu.memory_space<semaphore_mem>>) src(%dma_wait3A_66 : memref<64x128xf32, #tpu.memory_space<vmem>>) dst(%dma_wait3A_62 : memref<64x128xf32, #tpu.memory_space<hbm>>)
    %add3A_67 = arith.constant 126 : i32
    %add3A_68 = arith.addi %mul3A_2, %add3A_67 : i32
    %dma_wait3A_69 = arith.constant 2 : i32
    %dma_wait3A_70 = arith.constant 0 : i32
    %dma_wait3A_71 = arith.constant 0 : i32
    %dma_wait3A_72 = tpu.memref_slice %arg9[%dma_wait3A_69, %dma_wait3A_70, %dma_wait3A_71] : memref<4x64x129xf32, #tpu.memory_space<vmem>> -> memref<1x64x128xf32, #tpu.memory_space<vmem>>
    %dma_wait3A_73 = tpu.memref_squeeze %dma_wait3A_72 : memref<1x64x128xf32, #tpu.memory_space<vmem>> -> memref<64x128xf32, #tpu.memory_space<vmem>>
    %dma_wait3A_74 = arith.constant 0 : i32
    %dma_wait3A_75 = arith.constant 0 : i32
    %dma_wait3A_76 = tpu.memref_slice %arg5[%add3A_68, %dma_wait3A_74, %dma_wait3A_75] : memref<4096x64x128xf32, #tpu.memory_space<hbm>> -> memref<1x64x128xf32, #tpu.memory_space<hbm>>
    %dma_wait3A_77 = tpu.memref_squeeze %dma_wait3A_76 : memref<1x64x128xf32, #tpu.memory_space<hbm>> -> memref<64x128xf32, #tpu.memory_space<hbm>>
    %dma_wait3A_78 = arith.constant 0 : i32
    %dma_wait3A_79 = arith.constant 0 : i32
    %dma_wait3A_80 = tpu.memref_slice %arg5[%add3A_68, %dma_wait3A_78, %dma_wait3A_79] : memref<4096x64x128xf32, #tpu.memory_space<hbm>> -> memref<1x64x128xf32, #tpu.memory_space<hbm>>
    %dma_wait3A_81 = tpu.memref_squeeze %dma_wait3A_80 : memref<1x64x128xf32, #tpu.memory_space<hbm>> -> memref<64x128xf32, #tpu.memory_space<hbm>>
    %dma_wait3A_82 = arith.constant 0 : i32
    %dma_wait3A_83 = arith.constant 0 : i32
    %dma_wait3A_84 = tpu.memref_slice %arg9[%dma_wait3A_69, %dma_wait3A_82, %dma_wait3A_83] : memref<4x64x129xf32, #tpu.memory_space<vmem>> -> memref<1x64x128xf32, #tpu.memory_space<vmem>>
    %dma_wait3A_85 = tpu.memref_squeeze %dma_wait3A_84 : memref<1x64x128xf32, #tpu.memory_space<vmem>> -> memref<64x128xf32, #tpu.memory_space<vmem>>
    tpu.wait_dma2 semaphore(%arg16 : memref<!tpu.dma_semaphore, #tpu.memory_space<semaphore_mem>>) src(%dma_wait3A_85 : memref<64x128xf32, #tpu.memory_space<vmem>>) dst(%dma_wait3A_81 : memref<64x128xf32, #tpu.memory_space<hbm>>)
    %add3A_86 = arith.constant 127 : i32
    %add3A_87 = arith.addi %mul3A_2, %add3A_86 : i32
    %dma_wait3A_88 = arith.constant 3 : i32
    %dma_wait3A_89 = arith.constant 0 : i32
    %dma_wait3A_90 = arith.constant 0 : i32
    %dma_wait3A_91 = tpu.memref_slice %arg9[%dma_wait3A_88, %dma_wait3A_89, %dma_wait3A_90] : memref<4x64x129xf32, #tpu.memory_space<vmem>> -> memref<1x64x128xf32, #tpu.memory_space<vmem>>
    %dma_wait3A_92 = tpu.memref_squeeze %dma_wait3A_91 : memref<1x64x128xf32, #tpu.memory_space<vmem>> -> memref<64x128xf32, #tpu.memory_space<vmem>>
    %dma_wait3A_93 = arith.constant 0 : i32
    %dma_wait3A_94 = arith.constant 0 : i32
    %dma_wait3A_95 = tpu.memref_slice %arg5[%add3A_87, %dma_wait3A_93, %dma_wait3A_94] : memref<4096x64x128xf32, #tpu.memory_space<hbm>> -> memref<1x64x128xf32, #tpu.memory_space<hbm>>
    %dma_wait3A_96 = tpu.memref_squeeze %dma_wait3A_95 : memref<1x64x128xf32, #tpu.memory_space<hbm>> -> memref<64x128xf32, #tpu.memory_space<hbm>>
    %dma_wait3A_97 = arith.constant 0 : i32
    %dma_wait3A_98 = arith.constant 0 : i32
    %dma_wait3A_99 = tpu.memref_slice %arg5[%add3A_87, %dma_wait3A_97, %dma_wait3A_98] : memref<4096x64x128xf32, #tpu.memory_space<hbm>> -> memref<1x64x128xf32, #tpu.memory_space<hbm>>
    %dma_wait3A_100 = tpu.memref_squeeze %dma_wait3A_99 : memref<1x64x128xf32, #tpu.memory_space<hbm>> -> memref<64x128xf32, #tpu.memory_space<hbm>>
    %dma_wait3A_101 = arith.constant 0 : i32
    %dma_wait3A_102 = arith.constant 0 : i32
    %dma_wait3A_103 = tpu.memref_slice %arg9[%dma_wait3A_88, %dma_wait3A_101, %dma_wait3A_102] : memref<4x64x129xf32, #tpu.memory_space<vmem>> -> memref<1x64x128xf32, #tpu.memory_space<vmem>>
    %dma_wait3A_104 = tpu.memref_squeeze %dma_wait3A_103 : memref<1x64x128xf32, #tpu.memory_space<vmem>> -> memref<64x128xf32, #tpu.memory_space<vmem>>
    tpu.wait_dma2 semaphore(%arg17 : memref<!tpu.dma_semaphore, #tpu.memory_space<semaphore_mem>>) src(%dma_wait3A_104 : memref<64x128xf32, #tpu.memory_space<vmem>>) dst(%dma_wait3A_100 : memref<64x128xf32, #tpu.memory_space<hbm>>)
    return
  }
}

</mosaic_0001>

<sc_bundles>
// kernel: kernel.3.cloned.1.call-start
scs
__scs_entry_jumppad:
0x0: {  	(pc) =	sbr.rel $0x88, $3  }
0x1: {  	(tag) =	ssettag $0x0;
	lr =	simm.s32 $0x1  }
0x2: {  	[smem:$0x3F9E] =	sst lr;
	_ =	strace $0xD0000000  }
0x3: {  	_ = 	snop  }
0x4: {  	_ = 	snop  }
0x5: {  	_ = 	snop  }
0x6: {  	_ = 	snop  }
0x7: {  	_ = 	snop  }
__scs_overlays_trampoline_lowered:
0x8: {  	[smem:$0x3FAD] =	sst s0  }
0x9: {  	[smem:$0x3FAE] =	sst s1  }
0xa: {  	[smem:$0x3FAF] =	sst s2  }
0xb: {  	[smem:$0x3FB0] =	sst s3  }
0xc: {  	[smem:$0x3FB1] =	sst s4  }
0xd: {  	[smem:$0x3FB2] =	sst s5  }
0xe: {  	[smem:$0x3FB3] =	sst s6  }
0xf: {  	[smem:$0x3FB4] =	sst s7  }
0x10: {  	[smem:$0x3FB5] =	sst s8  }
0x11: {  	[smem:$0x3FB6] =	sst s9;
	s0 =	simm.s32 @!p0 $0x0  }
0x12: {  	s1 =	sld [smem:$0x3F9C];
	s0 =	simm.s32 @p0 $0x1  }
0x13: {  	[smem:$0x3FB7] =	sst s0;
	s0 =	simm.s32 @!p1 $0x0  }
0x14: {  	s2 =	sld [smem:$0x3F9B];
	s0 =	simm.s32 @p1 $0x1  }
0x15: {  	[smem:$0x3FB8] =	sst s0;
	s0 =	simm.s32 @!p2 $0x0  }
0x16: {  	s3 =	sld [smem:$0x3FDB];
	s0 =	simm.s32 @p2 $0x1  }
0x17: {  	s4 =	simm.s32 $0x1BF5;
	[smem:$0x3FBA] =	sst s0  }
0x18: {  	s0 =	sld [smem:$0x3F9D];
	_ =	swait.ge [sflag:s4], $0x0  }
0x19: {  	s7 =	sld [smem:$0x3F9E]  }
0x1a: {  	s8 =	sadd.s32 $0xFFFFE003, lr  }
0x1b: {  	s9 =	sadd.s32 $0xFFFFFEF7, lr;
	s5 =	simm.s32 $0xFFFFFFFF;
	p2 =	slt.u32 s8, $0xFFFFF086  }
0x1c: {  	p1 =	slt.u32 s9, $0xF7A;
	s5 =	simm.s32 @!p2 $0x0  }
0x1d: {  	s5 =	simm.s32 @p1 $0x1;
	p0 =	seq.s32 s7, s2  }
0x1e: {  	s7 =	smul.u32 @!p0 $0xF7A, s2;
	p2 =	seq.s32 @!p0 s5, $0x0  }
0x1f: {  	s9 =	smul.u32 $0xF7A, s1;
	s8 =	simm.s32 @!p0 $0x1BF5;
	p2 =	por !p2, p0  }
0x20: {  	[sflag:s8] =	ssyncset.s32 @!p0 $0xFFFFF086;
	s6 =	sadd.s32 @!p0 s3, s7;
	s7 =	simm.s32 @!p0 $0x108  }
0x21: {  	s3 =	sadd.s32 s3, s9;
	s6 =	sadd.s32 @!p0 $0x88, s6;
	s7 =	simm.s32 @p2 $0x1082  }
0x22: {  	[simem:s7], [sflag:s8] =	dma.local @!p0 [hbm:s6], $0xF7A  }
0x23: {  	s9 =	sor.u32 $0xD0000000, s2;
	s6 =	simm.s32 $0x108;
	_ =	swait.ge @!p0 [sflag:s8], $0x0  }
0x24: {  	s3 =	sadd.s32 $0x88, s3;
	s6 =	simm.s32 @!p1 $0x1082;
	[sflag:s4] =	ssyncset.s32 $0xFFFFF086  }
0x25: {  	[simem:s6], [sflag:s4] =	dma.local [hbm:s3], $0xF7A  }
0x26: {  	[smem:$0x3F9E] =	sst s1;
	(tag) =	ssettag s2;
	_ =	strace s9  }
0x27: {  	s1 =	sld [smem:$0x3FAE]  }
0x28: {  	s2 =	sld [smem:$0x3FAF]  }
0x29: {  	s4 =	sld [smem:$0x3FB1]  }
0x2a: {  	p0 =	seq.s32 s5, $0x0;
	s5 =	sld [smem:$0x3FB2]  }
0x2b: {  	s6 =	sld [smem:$0x3FB3]  }
0x2c: {  	s7 =	sld [smem:$0x3FB4]  }
0x2d: {  	s3 =	simm.s32 $0x108;
	s8 =	sld [smem:$0x3FB5]  }
0x2e: {  	s3 =	simm.s32 @!p0 $0x1082;
	s9 =	sld [smem:$0x3FB6]  }
0x2f: {  	lr =	sadd.s32 s0, s3;
	s0 =	sld [smem:$0x3FAD]  }
0x30: {  	s3 =	sld [smem:$0x3FB0]  }
0x31: {  	[smem:$0x3FB9] =	sst s10  }
0x32: {  	s10 =	sld [smem:$0x3FB7];
	_ =	sdelay $0x3  }
0x33: {  	p0 =	seq.s32 s10, $0x1;
	s10 =	sld [smem:$0x3FB9];
	_ =	sdelay $0x3  }
0x34: {  	[smem:$0x3FB9] =	sst s10  }
0x35: {  	s10 =	sld [smem:$0x3FB8];
	_ =	sdelay $0x3  }
0x36: {  	p1 =	seq.s32 s10, $0x1;
	s10 =	sld [smem:$0x3FB9];
	_ =	sdelay $0x3  }
0x37: {  	[smem:$0x3FB9] =	sst s10  }
0x38: {  	s10 =	sld [smem:$0x3FBA]  }
0x39: {  	_ = 	snop;
	(pc) =	sbr.ind lr, $3  }
0x3a: {  	_ = 	snop  }
0x3b: {  	_ = 	snop  }
0x3c: {  	p2 =	seq.s32 s10, $0x1;
	s10 =	sld [smem:$0x3FB9]  }
0x3d: {  	_ =	shalt  }
0x3e: {  	_ =	shalt  }
0x3f: {  	_ =	shalt  }
0x40: {  	_ =	shalt  }
0x41: {  	_ =	shalt  }
0x42: {  	_ =	shalt  }
0x43: {  	_ =	shalt  }
0x44: {  	_ =	shalt  }
0x45: {  	_ =	shalt  }
0x46: {  	_ =	shalt  }
0x47: {  	_ =	shalt  }
0x48: {  	_ =	shalt  }
0x49: {  	_ =	shalt  }
0x4a: {  	_ =	shalt  }
0x4b: {  	_ =	shalt  }
0x4c: {  	_ =	shalt  }
0x4d: {  	_ =	shalt  }
0x4e: {  	_ =	shalt  }
0x4f: {  	_ =	shalt  }
0x50: {  	_ =	shalt  }
0x51: {  	_ =	shalt  }
0x52: {  	_ =	shalt  }
0x53: {  	_ =	shalt  }
0x54: {  	_ =	shalt  }
0x55: {  	_ =	shalt  }
0x56: {  	_ =	shalt  }
0x57: {  	_ =	shalt  }
0x58: {  	_ =	shalt  }
0x59: {  	_ =	shalt  }
0x5a: {  	_ =	shalt  }
0x5b: {  	_ =	shalt  }
0x5c: {  	_ =	shalt  }
0x5d: {  	_ =	shalt  }
0x5e: {  	_ =	shalt  }
0x5f: {  	_ =	shalt  }
0x60: {  	_ =	shalt  }
0x61: {  	_ =	shalt  }
0x62: {  	_ =	shalt  }
0x63: {  	_ =	shalt  }
0x64: {  	_ =	shalt  }
0x65: {  	_ =	shalt  }
0x66: {  	_ =	shalt  }
0x67: {  	_ =	shalt  }
0x68: {  	_ =	shalt  }
0x69: {  	_ =	shalt  }
0x6a: {  	_ =	shalt  }
0x6b: {  	_ =	shalt  }
0x6c: {  	_ =	shalt  }
0x6d: {  	_ =	shalt  }
0x6e: {  	_ =	shalt  }
0x6f: {  	_ =	shalt  }
0x70: {  	_ =	shalt  }
0x71: {  	_ =	shalt  }
0x72: {  	_ =	shalt  }
0x73: {  	_ =	shalt  }
0x74: {  	_ =	shalt  }
0x75: {  	_ =	shalt  }
0x76: {  	_ =	shalt  }
0x77: {  	_ =	shalt  }
0x78: {  	_ =	shalt  }
0x79: {  	_ =	shalt  }
0x7a: {  	_ =	shalt  }
0x7b: {  	_ =	shalt  }
0x7c: {  	_ =	shalt  }
0x7d: {  	_ =	shalt  }
0x7e: {  	_ =	shalt  }
0x7f: {  	_ =	shalt  }
0x80: {  	_ =	shalt  }
0x81: {  	_ =	shalt  }
0x82: {  	_ =	shalt  }
0x83: {  	_ =	shalt  }
0x84: {  	_ =	shalt  }
0x85: {  	_ =	shalt  }
0x86: {  	_ =	shalt  }
0x87: {  	_ =	shalt  }
.Lfunc_end0:
.L_simem_size_0:
called_computation_lowered:
.L_overlay_start_0:
0x88: {  	s2 =	sld [smem:$0x3FD9]  }
0x89: {  	s3 =	sld [smem:$0x3FFE];
	_ =	sdelay $0x1  }
0x8a: {  	s1 =	srdreg.scid  }
0x8b: {  	s0 =	sand.u32 $0x1, s1  }
0x8c: {  	s17 =	sshll.u32 s0, $0xA;
	s2 =	sadd.s32 s3, s2  }
0x8d: {  	s2 =	sadd.s32 s2, s17  }
0x8e: {  	[smem:$0x3FC5] =	sst s2  }
0x8f: {  	_ = 	snop  }
0x90: {  	s2 =	sld [smem:$0x3FC9]  }
0x91: {  	s18 =	sld [smem:$0x3FD0];
	(tm) =	ssettm $0x1  }
0x92: {  	s4 =	sld [smem:$0x3FFB];
	_ =	sdelay $0x3  }
0x93: {  	_ =	strace s4  }
0x94: {  	s4 =	sld [smem:$0x3FFC];
	_ =	sdelay $0x3  }
0x95: {  	_ =	strace s4  }
0x96: {  	s4 =	sld [smem:$0x3FFD];
	_ =	sdelay $0x3  }
0x97: {  	_ =	strace s4  }
0x98: {  	_ =	strace $0x8FFFFFFF  }
0x99: {  	s19 =	sld [smem:$0x3FDB];
	_ =	sdelay $0x1  }
0x9a: {  	s5 =	simm.s32 $_scs_section_size  }
0x9b: {  	s6 =	simm.s32 $_size__tile_overlayer_lowered;
	s7 =	simm.s32 $_tile_overlayer_lowered  }
0x9c: {  	s22 =	simm.s32 $0x1BFF;
	s21 =	sshll.u32 s7, $0x1;
	s4 =	sadd.s32 s5, s19  }
0x9d: {  	s8 =	simm.s32 $0x0;
	s20 =	sshll.u32 s6, $0x1;
	s6 =	sadd.s32 s21, s4  }
0x9e: {  	[timem:s8], [sflag:s22] =	dma.local [hbm:s6], s20  }
0x9f: {  	_ =	swait.ge [sflag:s22], s20  }
0xa0: {  	s5 =	ssub.s32 $0x0, s20;
	[sflag:s22] =	ssyncset.done $0x0  }
0xa1: {  	[sflag:s22] =	ssyncadd.s32 s5;
	_ =	sdelay $0x1  }
0xa2: {  	s23 =	simm.s32 $0x1B8B  }
0xa3: {  	_ =	swait.ge [sflag:s23], $0x1  }
0xa4: {  	[sflag:s23] =	ssyncset.done $0x0  }
0xa5: {  	s25 =	simm.s32 $0x1B8E;
	s24 =	sld [smem:$0x3FFE];
	[sflag:s23] =	ssyncadd.s32 $0xFFFFFFFF  }
0xa6: {  	s26 =	simm.s32 $execute0_lowered;
	[smem:$0x3FD2] =	sst s25  }
0xa7: {  	s6 =	sshll.u32 s26, $0x1;
	_ =	strace $0x80000046;
	[dreg:$0x1] =	wrdreg $0xFFFFFFFF  }
0xa8: {  	s28 =	simm.s32 $_size_execute0_lowered;
	s4 =	sadd.s32 s4, s6;
	[dreg:$0x0] =	wrdreg $0x0  }
0xa9: {  	s6 =	sshll.u32 s28, $0x1;
	[dreg:$0x2] =	wrdreg s4  }
0xaa: {  	[dreg:$0x3] =	wrdreg s6  }
0xab: {  	[dreg:$0x4] =	wrdreg $0xC0  }
0xac: {  	_ =	task [dreg:s8], $0x5FFFF  }
0xad: {  	[dreg:$0x1] =	wrdreg $0xFFFFFFFF  }
0xae: {  	[dreg:$0x0] =	wrdreg $0x60  }
0xaf: {  	[dreg:$0x2] =	wrdreg s2  }
0xb0: {  	[dreg:$0x3] =	wrdreg s24  }
0xb1: {  	[dreg:$0x4] =	wrdreg s18  }
0xb2: {  	[dreg:$0x5] =	wrdreg $0x9  }
0xb3: {  	_ =	task.clear_ibuf [dreg:s8], $0x6FFFF;
	_ =	strace $0x90000046  }
0xb4: {  	s29 =	simm.s32 $0x9;
	_ =	strace $0x80000048  }
0xb5: {  	_ =	swait.ge [sflag:s29], $0x1  }
0xb6: {  	[sflag:s29] =	ssyncadd.s32 $0xFFFFFFFF  }
0xb7: {  	_ =	strace $0x90000048  }
0xb8: {  	_ =	sfence  }
0xb9: {  	s30 =	sld [smem:$0x0];
	_ =	sdelay $0x2  }
0xba: {  	s31 =	sshll.u32 s1, $0xD;
	s1 =	sshrl.u32 s1, $0x2  }
0xbb: {  	s3 =	sand.u32 $0x4000, s31;
	s1 =	sadd.s32 s1, s30  }
0xbc: {  	s0 =	sor.u32 s3, s0;
	s1 =	sshll.u32 s1, $0x11  }
0xbd: {  	s0 =	sor.u32 s1, s0  }
0xbe: {  	s0 =	sadd.s32 $0x8F2B, s0  }
0xbf: {  	[sflag:s0] =	ssyncadd.remote.s32 $0x1  }
0xc0: {  	_ =	sfence.sel $0xFFFF  }
0xc1: {  	[dreg:$0x0] =	wrdreg $0xFFFFFFFF;
	(pc) =	sbr.abs _section_cstart, $3  }
0xc2: {  	[dreg:$0x1] =	wrdreg $0xFFFFFFFF  }
0xc3: {  	_ =	task.clear_ibuf [dreg:s8], $0x2FFFF;
	_ =	strace $0x9FFFFFFF  }
0xc4: {  	(tm) =	ssettm $0x7FFFFFFF  }
0xc5: {  	_ =	shalt  }
tec
execute0_lowered:
.L_overlay_start_1:
0x0: {  	(tag) =	ssettag $0x1  }
0x1: {  	s0 =	rddreg [dreg:$0x0]  }
0x2: {  	s2 =	rddreg [dreg:$0x1]  }
0x3: {  	s1 =	rddreg [dreg:$0x2]  }
0x4: {  	s3 =	simm.s32 $0x0;
	s4 =	srdreg.scid;
	s5 =	stileid.u32  }
0x5: {  	s11 =	simm.s32 $0x80;
	s12 =	simm.s32 $0x6000;
	s14 =	simm.s32 $0x8000  }
0x6: {  	s15 =	simm.s32 $0xA000;
	s16 =	simm.s32 $0x1;
	s17 =	simm.s32 $0xE000  }
0x7: {  	s18 =	simm.s32 $0xC000;
	s19 =	simm.s32 $0x2;
	s20 =	simm.s32 $0x10200  }
0x8: {  	s21 =	simm.s32 $0x3;
	s22 =	simm.s32 $0x7;
	s23 =	simm.s32 $0x12400  }
0x9: {  	s24 =	simm.s32 $0x4;
	[smem:$0x7FF] =	sst s3;
	s4 =	sand.u32 $0x1, s4  }
0xa: {  	s5 =	sshll.u32 s5, $0x8;
	s6 =	ssub.s32 $0x2, s4;
	s4 =	sshll.u32 s4, $0x7  }
0xb: {  	_ =	strace $0x80000047;
	s7 =	sshrl.u32 s6, $0x1;
	s4 =	sor.u32 s4, s5  }
0xc: {  	v0 =	vlaneseq.u32;
	s5 =	sadd.s32 $0x800, s2;
	s2 =	sadd.s32 $0x400, s2;
	s29 =	sshll.u32 s4, $0x4  }
0xd: {  	v0 =	vmul.u32 $0x88, v0;
	s6 =	ssub.s32 s6, s7;
	[dreg:$0x4] =	wrdreg s2;
	s0 =	sadd.s32 s0, s29  }
0xe: {  	s25 =	simm.s32 $0x8;
	s31 =	smax.u32 s6, $0x1;
	[dreg:$0x5] =	wrdreg s0  }
0xf: {  	s26 =	simm.s32 $0x14600;
	s30 =	simm.s32 $0x0;
	v1 =	vadd.s32 $0x880, v0;
	v2 =	vadd.s32 $0x1100, v0;
	v3 =	vadd.s32 $0x1980, v0;
	[dreg:$0x6] =	wrdreg s31  }
.LBB2_1:
0x10: {  	s0 =	rddreg [dreg:$0x4];
	s2 =	simm.s32 $0x9  }
0x11: {  	[tilespmem:s3], [sflag:$0x9] =	stream.linear.gather [hbm4b:s0+s3], $0x2000, $0x38;
	[tilespmem:$0x16800] =	vst v63  }
0x12: {  	_ =	swait.ge [sflag:s2], $0x2000  }
0x13: {  	[sflag:s2] =	ssyncset.done $0x0  }
0x14: {  	s6 =	simm.s32 $0x2000;
	s28 =	rddreg [dreg:$0x5];
	[sflag:s2] =	ssyncadd.s32 $0xFFFFE000  }
0x15: {  	[tilespmem:s6], [sflag:$0x9] =	stream.linear.gather [hbm4b:s28+s3], $0x4000, $0x38;
	[tilespmem:$0x16800] =	vst v63  }
0x16: {  	_ =	swait.ge [sflag:s2], $0x4000  }
0x17: {  	[sflag:s2] =	ssyncset.done $0x0  }
0x18: {  	[sflag:s2] =	ssyncadd.s32 $0xFFFFC000  }
0x19: {  	[tilespmem:s12], [sflag:$0x1] =	stream.indirect.gather [hbm4b:s5+s11], $0x40, s6, s11, $0xb8;
	[tilespmem:$0x16800] =	vst v63  }
0x1a: {  	s29 =	simm.s32 $0x2080;
	s31 =	simm.s32 $0x0  }
0x1b: {  	[tilespmem:s14], [sflag:$0x2] =	stream.indirect.gather [hbm4b:s5+s11], $0x40, s29, s11, $0xb8;
	[tilespmem:$0x16800] =	vst v63  }
.LBB2_2:
0x1c: {  	s13 =	sshll.u32 s31, $0x2  }
0x1d: {  	s2 =	sor.u32 $0x2, s13  }
0x1e: {  	s0 =	sshll.u32 s2, $0x7  }
0x1f: {  	s0 =	sand.u32 $0x3FFFFF00, s0  }
0x20: {  	s0 =	sadd.s32 $0x2000, s0  }
0x21: {  	[tilespmem:s15], [sflag:$0x3] =	stream.indirect.gather [hbm4b:s5+s11], $0x40, s0, s11, $0xb8;
	[tilespmem:$0x16800] =	vst v63  }
0x22: {  	_ =	swait.ge [sflag:s16], $0x2000  }
0x23: {  	p0 =	seq.s32 s31, $0x0;
	[sflag:s16] =	ssyncset.done $0x0  }
0x24: {  	s0 =	simm.s32 @!p0 $0x5;
	[sflag:s16] =	ssyncadd.s32 $0xFFFFE000  }
0x25: {  	_ =	swait.ge @!p0 [sflag:s0], $0x2000  }
0x26: {  	[sflag:s0] =	ssyncset.done @!p0 $0x0  }
0x27: {  	[sflag:s0] =	ssyncadd.s32 @!p0 $0xFFFFE000;
	s0 =	simm.s32 $0x80  }
0x28: {  	s7 =	simm.s32 $0x0;
	s6 =	simm.s32 $0x6080;
	v4 =	vld [tilespmem:s0+$0xFFFFFF80]  }
0x29: {  	v5 =	vmov s7;
	v6 =	vld [tilespmem:s6+$0xFFFFFF80]  }
0x2a: {  	v5 =	vand.u32 $0x7C, v5  }
0x2b: {  	v7 =	vadd.s32 v0, v5;
	_ =	sdelay $0x2  }
0x2c: {  	v4 =	vadd.f32 v4, v6;
	_ =	sdelay $0x1  }
0x2d: {  	[tilespmem:v7+s17+$0x0] =	vst.idx.msk $0xffff, v4  }
0x2e: {  	v4 =	vld [tilespmem:s6+$0xFFFFFF90]  }
0x2f: {  	v6 =	vld [tilespmem:s0+$0xFFFFFF90];
	_ =	sdelay $0x1  }
0x30: {  	v7 =	vadd.s32 v1, v5;
	_ =	sdelay $0x2  }
0x31: {  	v4 =	vadd.f32 v6, v4;
	_ =	sdelay $0x1  }
0x32: {  	[tilespmem:v7+s17+$0x0] =	vst.idx.msk $0xffff, v4  }
0x33: {  	v4 =	vld [tilespmem:s6+$0xFFFFFFA0]  }
0x34: {  	v6 =	vld [tilespmem:s0+$0xFFFFFFA0];
	_ =	sdelay $0x1  }
0x35: {  	v7 =	vadd.s32 v2, v5;
	_ =	sdelay $0x2  }
0x36: {  	v4 =	vadd.f32 v6, v4;
	_ =	sdelay $0x1  }
0x37: {  	[tilespmem:v7+s17+$0x0] =	vst.idx.msk $0xffff, v4  }
0x38: {  	v4 =	vld [tilespmem:s6+$0xFFFFFFB0]  }
0x39: {  	v6 =	vld [tilespmem:s0+$0xFFFFFFB0];
	_ =	sdelay $0x1  }
0x3a: {  	v5 =	vadd.s32 v3, v5;
	_ =	sdelay $0x2  }
0x3b: {  	v4 =	vadd.f32 v6, v4;
	_ =	sdelay $0x1  }
0x3c: {  	[tilespmem:v5+s17+$0x0] =	vst.idx.msk $0xffff, v4  }
0x3d: {  	s10 =	simm.s32 $0x1;
	v4 =	vld [tilespmem:s6+$0xFFFFFFC0]  }
0x3e: {  	v5 =	vmov s10;
	v6 =	vld [tilespmem:s0+$0xFFFFFFC0]  }
0x3f: {  	v5 =	vand.u32 $0x7D, v5  }
0x40: {  	v7 =	vadd.s32 v0, v5;
	_ =	sdelay $0x2  }
0x41: {  	v4 =	vadd.f32 v6, v4;
	_ =	sdelay $0x1  }
0x42: {  	[tilespmem:v7+s17+$0x0] =	vst.idx.msk $0xffff, v4  }
0x43: {  	v4 =	vld [tilespmem:s6+$0xFFFFFFD0]  }
0x44: {  	v6 =	vld [tilespmem:s0+$0xFFFFFFD0];
	_ =	sdelay $0x1  }
0x45: {  	v7 =	vadd.s32 v1, v5;
	_ =	sdelay $0x2  }
0x46: {  	v4 =	vadd.f32 v6, v4;
	_ =	sdelay $0x1  }
0x47: {  	[tilespmem:v7+s17+$0x0] =	vst.idx.msk $0xffff, v4  }
0x48: {  	v4 =	vld [tilespmem:s6+$0xFFFFFFE0]  }
0x49: {  	v6 =	vld [tilespmem:s0+$0xFFFFFFE0];
	_ =	sdelay $0x1  }
0x4a: {  	v7 =	vadd.s32 v2, v5;
	_ =	sdelay $0x2  }
0x4b: {  	v4 =	vadd.f32 v6, v4;
	_ =	sdelay $0x1  }
0x4c: {  	[tilespmem:v7+s17+$0x0] =	vst.idx.msk $0xffff, v4  }
0x4d: {  	v4 =	vld [tilespmem:s6+$0xFFFFFFF0]  }
0x4e: {  	v6 =	vld [tilespmem:s0+$0xFFFFFFF0];
	_ =	sdelay $0x1  }
0x4f: {  	v5 =	vadd.s32 v3, v5;
	_ =	sdelay $0x2  }
0x50: {  	v4 =	vadd.f32 v6, v4;
	_ =	sdelay $0x1  }
0x51: {  	[tilespmem:v5+s17+$0x0] =	vst.idx.msk $0xffff, v4  }
0x52: {  	s28 =	simm.s32 $0x2;
	v4 =	vld [tilespmem:s6+$0x0]  }
0x53: {  	v5 =	vmov s28;
	v6 =	vld [tilespmem:s0+$0x0]  }
0x54: {  	v5 =	vand.u32 $0x7E, v5  }
0x55: {  	v7 =	vadd.s32 v0, v5;
	_ =	sdelay $0x2  }
0x56: {  	v4 =	vadd.f32 v6, v4;
	_ =	sdelay $0x1  }
0x57: {  	[tilespmem:v7+s17+$0x0] =	vst.idx.msk $0xffff, v4  }
0x58: {  	v4 =	vld [tilespmem:s6+$0x10]  }
0x59: {  	v6 =	vld [tilespmem:s0+$0x10];
	_ =	sdelay $0x1  }
0x5a: {  	v7 =	vadd.s32 v1, v5;
	_ =	sdelay $0x2  }
0x5b: {  	v4 =	vadd.f32 v6, v4;
	_ =	sdelay $0x1  }
0x5c: {  	[tilespmem:v7+s17+$0x0] =	vst.idx.msk $0xffff, v4  }
0x5d: {  	v4 =	vld [tilespmem:s6+$0x20]  }
0x5e: {  	v6 =	vld [tilespmem:s0+$0x20];
	_ =	sdelay $0x1  }
0x5f: {  	v7 =	vadd.s32 v2, v5;
	_ =	sdelay $0x2  }
0x60: {  	v4 =	vadd.f32 v6, v4;
	_ =	sdelay $0x1  }
0x61: {  	[tilespmem:v7+s17+$0x0] =	vst.idx.msk $0xffff, v4  }
0x62: {  	v4 =	vld [tilespmem:s6+$0x30]  }
0x63: {  	v6 =	vld [tilespmem:s0+$0x30];
	_ =	sdelay $0x1  }
0x64: {  	v5 =	vadd.s32 v3, v5;
	_ =	sdelay $0x2  }
0x65: {  	v4 =	vadd.f32 v6, v4;
	_ =	sdelay $0x1  }
0x66: {  	[tilespmem:v5+s17+$0x0] =	vst.idx.msk $0xffff, v4  }
0x67: {  	s29 =	simm.s32 $0x3;
	v4 =	vld [tilespmem:s6+$0x40]  }
0x68: {  	v5 =	vmov s29;
	v6 =	vld [tilespmem:s0+$0x40]  }
0x69: {  	v7 =	vand.u32 $0x7F, v5  }
0x6a: {  	v5 =	vadd.s32 v0, v7;
	_ =	sdelay $0x2  }
0x6b: {  	v4 =	vadd.f32 v6, v4;
	_ =	sdelay $0x1  }
0x6c: {  	[tilespmem:v5+s17+$0x0] =	vst.idx.msk $0xffff, v4  }
0x6d: {  	v4 =	vld [tilespmem:s6+$0x50]  }
0x6e: {  	v5 =	vld [tilespmem:s0+$0x50];
	_ =	sdelay $0x1  }
0x6f: {  	v6 =	vadd.s32 v1, v7;
	_ =	sdelay $0x2  }
0x70: {  	v4 =	vadd.f32 v5, v4;
	_ =	sdelay $0x1  }
0x71: {  	[tilespmem:v6+s17+$0x0] =	vst.idx.msk $0xffff, v4  }
0x72: {  	v6 =	vld [tilespmem:s6+$0x60]  }
0x73: {  	s8 =	simm.s32 $0x80;
	s7 =	simm.s32 $0x6080;
	s10 =	simm.s32 $0x4;
	v5 =	vadd.s32 v2, v7;
	v4 =	vadd.s32 v3, v7;
	v7 =	vld [tilespmem:s0+$0x60]  }
.LBB2_3:
0x74: {  	p1 =	slt.u32 s10, $0x7C;
	s0 =	sadd.s32 $0x100, s0;
	s6 =	sadd.s32 $0x100, s6  }
0x75: {  	s28 =	smov.u32 s10;
	s10 =	sadd.s32 $0x4, s10;
	_ =	sdelay $0x2  }
0x76: {  	v6 =	vadd.f32 v7, v6;
	_ =	sdelay $0x1  }
0x77: {  	[tilespmem:v5+s17+$0x0] =	vst.idx.msk $0xffff, v6  }
0x78: {  	v5 =	vld [tilespmem:s7+$0x70];
	s7 =	smov.u32 s6  }
0x79: {  	v6 =	vld [tilespmem:s8+$0x70];
	s8 =	smov.u32 s0;
	_ =	sdelay $0x4  }
0x7a: {  	v5 =	vadd.f32 v6, v5;
	_ =	sdelay $0x1  }
0x7b: {  	[tilespmem:v4+s17+$0x0] =	vst.idx.msk $0xffff, v5  }
0x7c: {  	v4 =	vld [tilespmem:s0+$0xFFFFFF80]  }
0x7d: {  	v5 =	vmov s28;
	v6 =	vld [tilespmem:s6+$0xFFFFFF80]  }
0x7e: {  	v5 =	vand.u32 $0x7C, v5  }
0x7f: {  	v7 =	vadd.s32 v0, v5;
	_ =	sdelay $0x2  }
0x80: {  	v4 =	vadd.f32 v4, v6;
	_ =	sdelay $0x1  }
0x81: {  	[tilespmem:v7+s17+$0x0] =	vst.idx.msk $0xffff, v4  }
0x82: {  	v4 =	vld [tilespmem:s6+$0xFFFFFF90]  }
0x83: {  	v6 =	vld [tilespmem:s0+$0xFFFFFF90]  }
0x84: {  	v7 =	vadd.s32 v1, v5;
	_ =	sdelay $0x3  }
0x85: {  	v4 =	vadd.f32 v6, v4;
	_ =	sdelay $0x1  }
0x86: {  	[tilespmem:v7+s17+$0x0] =	vst.idx.msk $0xffff, v4  }
0x87: {  	v4 =	vld [tilespmem:s6+$0xFFFFFFA0]  }
0x88: {  	v7 =	vadd.s32 v2, v5;
	v6 =	vld [tilespmem:s0+$0xFFFFFFA0];
	_ =	sdelay $0x4  }
0x89: {  	v4 =	vadd.f32 v6, v4;
	_ =	sdelay $0x1  }
0x8a: {  	[tilespmem:v7+s17+$0x0] =	vst.idx.msk $0xffff, v4  }
0x8b: {  	v5 =	vadd.s32 v3, v5;
	v4 =	vld [tilespmem:s6+$0xFFFFFFB0]  }
0x8c: {  	v6 =	vld [tilespmem:s0+$0xFFFFFFB0];
	_ =	sdelay $0x3  }
0x8d: {  	s29 =	sadd.s32 $0x1, s28  }
0x8e: {  	v4 =	vadd.f32 v6, v4;
	v6 =	vmov s29  }
0x8f: {  	v6 =	vand.u32 $0x7D, v6  }
0x90: {  	[tilespmem:v5+s17+$0x0] =	vst.idx.msk $0xffff, v4;
	v4 =	vadd.s32 v0, v6  }
0x91: {  	v5 =	vld [tilespmem:s6+$0xFFFFFFC0]  }
0x92: {  	v7 =	vld [tilespmem:s0+$0xFFFFFFC0];
	_ =	sdelay $0x4  }
0x93: {  	v5 =	vadd.f32 v7, v5  }
0x94: {  	v7 =	vadd.s32 v1, v6  }
0x95: {  	[tilespmem:v4+s17+$0x0] =	vst.idx.msk $0xffff, v5  }
0x96: {  	v4 =	vld [tilespmem:s6+$0xFFFFFFD0]  }
0x97: {  	v5 =	vld [tilespmem:s0+$0xFFFFFFD0];
	_ =	sdelay $0x4  }
0x98: {  	v4 =	vadd.f32 v5, v4;
	v5 =	vadd.s32 v2, v6;
	_ =	sdelay $0x1  }
0x99: {  	[tilespmem:v7+s17+$0x0] =	vst.idx.msk $0xffff, v4  }
0x9a: {  	v4 =	vld [tilespmem:s6+$0xFFFFFFE0]  }
0x9b: {  	v7 =	vld [tilespmem:s0+$0xFFFFFFE0];
	_ =	sdelay $0x3  }
0x9c: {  	v6 =	vadd.s32 v3, v6  }
0x9d: {  	v4 =	vadd.f32 v7, v4;
	_ =	sdelay $0x1  }
0x9e: {  	[tilespmem:v5+s17+$0x0] =	vst.idx.msk $0xffff, v4  }
0x9f: {  	v4 =	vld [tilespmem:s6+$0xFFFFFFF0]  }
0xa0: {  	s29 =	sadd.s32 $0x2, s28;
	v5 =	vld [tilespmem:s0+$0xFFFFFFF0]  }
0xa1: {  	v7 =	vmov s29  }
0xa2: {  	v7 =	vand.u32 $0x7E, v7  }
0xa3: {  	v8 =	vadd.s32 v0, v7;
	_ =	sdelay $0x1  }
0xa4: {  	v4 =	vadd.f32 v5, v4;
	_ =	sdelay $0x1  }
0xa5: {  	[tilespmem:v6+s17+$0x0] =	vst.idx.msk $0xffff, v4  }
0xa6: {  	v4 =	vld [tilespmem:s6+$0x0]  }
0xa7: {  	v5 =	vld [tilespmem:s0+$0x0];
	_ =	sdelay $0x1  }
0xa8: {  	v6 =	vadd.s32 v1, v7;
	_ =	sdelay $0x2  }
0xa9: {  	v4 =	vadd.f32 v5, v4;
	_ =	sdelay $0x1  }
0xaa: {  	[tilespmem:v8+s17+$0x0] =	vst.idx.msk $0xffff, v4  }
0xab: {  	v4 =	vld [tilespmem:s6+$0x10]  }
0xac: {  	v5 =	vld [tilespmem:s0+$0x10]  }
0xad: {  	v8 =	vadd.s32 v2, v7;
	_ =	sdelay $0x3  }
0xae: {  	v4 =	vadd.f32 v5, v4;
	_ =	sdelay $0x1  }
0xaf: {  	[tilespmem:v6+s17+$0x0] =	vst.idx.msk $0xffff, v4  }
0xb0: {  	v4 =	vld [tilespmem:s6+$0x20]  }
0xb1: {  	v6 =	vadd.s32 v3, v7;
	v5 =	vld [tilespmem:s0+$0x20];
	_ =	sdelay $0x4  }
0xb2: {  	s28 =	sadd.s32 $0x3, s28;
	v4 =	vadd.f32 v5, v4  }
0xb3: {  	v5 =	vmov s28  }
0xb4: {  	[tilespmem:v8+s17+$0x0] =	vst.idx.msk $0xffff, v4;
	v4 =	vand.u32 $0x7F, v5  }
0xb5: {  	v5 =	vld [tilespmem:s6+$0x30];
	v7 =	vadd.s32 v0, v4  }
0xb6: {  	v8 =	vld [tilespmem:s0+$0x30];
	_ =	sdelay $0x4  }
0xb7: {  	v5 =	vadd.f32 v8, v5;
	_ =	sdelay $0x1  }
0xb8: {  	[tilespmem:v6+s17+$0x0] =	vst.idx.msk $0xffff, v5;
	v6 =	vadd.s32 v1, v4  }
0xb9: {  	v5 =	vld [tilespmem:s6+$0x40]  }
0xba: {  	v8 =	vld [tilespmem:s0+$0x40];
	_ =	sdelay $0x4  }
0xbb: {  	v8 =	vadd.f32 v8, v5  }
0xbc: {  	v5 =	vadd.s32 v2, v4  }
0xbd: {  	[tilespmem:v7+s17+$0x0] =	vst.idx.msk $0xffff, v8  }
0xbe: {  	v7 =	vld [tilespmem:s6+$0x50]  }
0xbf: {  	v8 =	vld [tilespmem:s0+$0x50];
	_ =	sdelay $0x4  }
.Ltmp0:
0xc0: {  	v4 =	vadd.s32 v3, v4;
	v7 =	vadd.f32 v8, v7;
	(pc) =	sbr.rel @p1 .LBB2_3-.Ltmp0, $4  }
0xc1: {  	_ = 	snop  }
0xc2: {  	[tilespmem:v6+s17+$0x0] =	vst.idx.msk $0xffff, v7  }
0xc3: {  	v6 =	vld [tilespmem:s6+$0x60]  }
0xc4: {  	v7 =	vld [tilespmem:s0+$0x60]  }
0xc5: {  	_ =	sdelay $0x3  }
0xc6: {  	v6 =	vadd.f32 v7, v6;
	_ =	sdelay $0x1  }
0xc7: {  	[tilespmem:v5+s17+$0x0] =	vst.idx.msk $0xffff, v6  }
0xc8: {  	v5 =	vld [tilespmem:s7+$0x70]  }
0xc9: {  	v6 =	vld [tilespmem:s8+$0x70];
	_ =	sdelay $0x3  }
0xca: {  	s0 =	sadd.s32 s4, s13  }
0xcb: {  	s0 =	sshll.u32 s0, $0xA;
	v5 =	vadd.f32 v6, v5  }
0xcc: {  	s6 =	simm.s32 $0xE000;
	s0 =	sadd.s32 s1, s0  }
0xcd: {  	s10 =	sadd.s32 $0x0, s0;
	s7 =	simm.s32 $0x10;
	s8 =	simm.s32 $0xE088;
	[tilespmem:v4+s17+$0x0] =	vst.idx.msk $0xffff, v5  }
.LBB2_5:
0xce: {  	[hbm4b:s10+s3] =	stream.linear.scatter [tilespmem:s6], [sflag:$0x5], $0x80, $0x38;
	[tilespmem:$0x16800] =	vst v63  }
0xcf: {  	s10 =	smov.u32 s7;
	s6 =	smov.u32 s8;
	p1 =	sne.s32 s7, $0x3F0  }
.Ltmp1:
0xd0: {  	s7 =	sadd.s32 $0x10, s7;
	(pc) =	sbr.rel @p1 .LBB2_5-.Ltmp1, $2  }
0xd1: {  	_ =	sdelay $0x2  }
0xd2: {  	s8 =	sadd.s32 $0x88, s8;
	s10 =	sadd.s32 s10, s0  }
0xd3: {  	[hbm4b:s10+s3] =	stream.linear.scatter [tilespmem:s6], [sflag:$0x5], $0x80, $0x38;
	[tilespmem:$0x16800] =	vst v63  }
0xd4: {  	s0 =	sor.u32 $0x3, s13  }
0xd5: {  	s7 =	sshll.u32 s0, $0x7  }
0xd6: {  	s6 =	sand.u32 $0x3FFFFF80, s7  }
0xd7: {  	s6 =	sadd.s32 $0x2000, s6  }
0xd8: {  	[tilespmem:s18], [sflag:$0x4] =	stream.indirect.gather [hbm4b:s5+s11], $0x40, s6, s11, $0xb8;
	[tilespmem:$0x16800] =	vst v63  }
0xd9: {  	_ =	swait.ge [sflag:s19], $0x2000  }
0xda: {  	[sflag:s19] =	ssyncset.done $0x0  }
0xdb: {  	s6 =	simm.s32 @!p0 $0x6;
	[sflag:s19] =	ssyncadd.s32 $0xFFFFE000  }
0xdc: {  	_ =	swait.ge @!p0 [sflag:s6], $0x2000  }
0xdd: {  	[sflag:s6] =	ssyncset.done @!p0 $0x0  }
0xde: {  	s10 =	simm.s32 $0x80;
	[sflag:s6] =	ssyncadd.s32 @!p0 $0xFFFFE000  }
0xdf: {  	s7 =	simm.s32 $0x0;
	s6 =	simm.s32 $0x80F0;
	v4 =	vld [tilespmem:s10+$0xFFFFFF80]  }
0xe0: {  	v5 =	vmov s7;
	v6 =	vld [tilespmem:s6+$0xFFFFFF10]  }
0xe1: {  	v5 =	vand.u32 $0x7C, v5  }
0xe2: {  	v7 =	vadd.s32 v0, v5;
	_ =	sdelay $0x2  }
0xe3: {  	v4 =	vadd.f32 v4, v6;
	_ =	sdelay $0x1  }
0xe4: {  	[tilespmem:v7+s20+$0x0] =	vst.idx.msk $0xffff, v4  }
0xe5: {  	v4 =	vld [tilespmem:s6+$0xFFFFFF20]  }
0xe6: {  	v6 =	vld [tilespmem:s10+$0xFFFFFF90];
	_ =	sdelay $0x1  }
0xe7: {  	v7 =	vadd.s32 v1, v5;
	_ =	sdelay $0x2  }
0xe8: {  	v4 =	vadd.f32 v6, v4;
	_ =	sdelay $0x1  }
0xe9: {  	[tilespmem:v7+s20+$0x0] =	vst.idx.msk $0xffff, v4  }
0xea: {  	v4 =	vld [tilespmem:s6+$0xFFFFFF30]  }
0xeb: {  	v6 =	vld [tilespmem:s10+$0xFFFFFFA0];
	_ =	sdelay $0x1  }
0xec: {  	v7 =	vadd.s32 v2, v5;
	_ =	sdelay $0x2  }
0xed: {  	v4 =	vadd.f32 v6, v4;
	_ =	sdelay $0x1  }
0xee: {  	[tilespmem:v7+s20+$0x0] =	vst.idx.msk $0xffff, v4  }
0xef: {  	v4 =	vld [tilespmem:s6+$0xFFFFFF40]  }
0xf0: {  	v6 =	vld [tilespmem:s10+$0xFFFFFFB0];
	_ =	sdelay $0x1  }
0xf1: {  	v5 =	vadd.s32 v3, v5;
	_ =	sdelay $0x2  }
0xf2: {  	v4 =	vadd.f32 v6, v4;
	_ =	sdelay $0x1  }
0xf3: {  	[tilespmem:v5+s20+$0x0] =	vst.idx.msk $0xffff, v4  }
0xf4: {  	s8 =	simm.s32 $0x1;
	v4 =	vld [tilespmem:s6+$0xFFFFFF50]  }
0xf5: {  	v5 =	vmov s8;
	v6 =	vld [tilespmem:s10+$0xFFFFFFC0]  }
0xf6: {  	v5 =	vand.u32 $0x7D, v5  }
0xf7: {  	v7 =	vadd.s32 v0, v5;
	_ =	sdelay $0x2  }
0xf8: {  	v4 =	vadd.f32 v6, v4;
	_ =	sdelay $0x1  }
0xf9: {  	[tilespmem:v7+s20+$0x0] =	vst.idx.msk $0xffff, v4  }
0xfa: {  	v4 =	vld [tilespmem:s6+$0xFFFFFF60]  }
0xfb: {  	v6 =	vld [tilespmem:s10+$0xFFFFFFD0];
	_ =	sdelay $0x1  }
0xfc: {  	v7 =	vadd.s32 v1, v5;
	_ =	sdelay $0x2  }
0xfd: {  	v4 =	vadd.f32 v6, v4;
	_ =	sdelay $0x1  }
0xfe: {  	[tilespmem:v7+s20+$0x0] =	vst.idx.msk $0xffff, v4  }
0xff: {  	v4 =	vld [tilespmem:s6+$0xFFFFFF70]  }
0x100: {  	v6 =	vld [tilespmem:s10+$0xFFFFFFE0];
	_ =	sdelay $0x1  }
0x101: {  	v7 =	vadd.s32 v2, v5;
	_ =	sdelay $0x2  }
0x102: {  	v4 =	vadd.f32 v6, v4;
	_ =	sdelay $0x1  }
0x103: {  	[tilespmem:v7+s20+$0x0] =	vst.idx.msk $0xffff, v4  }
0x104: {  	v4 =	vld [tilespmem:s6+$0xFFFFFF80]  }
0x105: {  	v6 =	vld [tilespmem:s10+$0xFFFFFFF0];
	_ =	sdelay $0x1  }
0x106: {  	v5 =	vadd.s32 v3, v5;
	_ =	sdelay $0x2  }
0x107: {  	v4 =	vadd.f32 v6, v4;
	_ =	sdelay $0x1  }
0x108: {  	[tilespmem:v5+s20+$0x0] =	vst.idx.msk $0xffff, v4  }
0x109: {  	s9 =	simm.s32 $0x2;
	v4 =	vld [tilespmem:s6+$0xFFFFFF90]  }
0x10a: {  	v5 =	vmov s9;
	v6 =	vld [tilespmem:s10+$0x0]  }
0x10b: {  	v5 =	vand.u32 $0x7E, v5  }
0x10c: {  	v7 =	vadd.s32 v0, v5;
	_ =	sdelay $0x2  }
0x10d: {  	v4 =	vadd.f32 v6, v4;
	_ =	sdelay $0x1  }
0x10e: {  	[tilespmem:v7+s20+$0x0] =	vst.idx.msk $0xffff, v4  }
0x10f: {  	v4 =	vld [tilespmem:s6+$0xFFFFFFA0]  }
0x110: {  	v6 =	vld [tilespmem:s10+$0x10];
	_ =	sdelay $0x1  }
0x111: {  	v7 =	vadd.s32 v1, v5;
	_ =	sdelay $0x2  }
0x112: {  	v4 =	vadd.f32 v6, v4;
	_ =	sdelay $0x1  }
0x113: {  	[tilespmem:v7+s20+$0x0] =	vst.idx.msk $0xffff, v4  }
0x114: {  	v4 =	vld [tilespmem:s6+$0xFFFFFFB0]  }
0x115: {  	v6 =	vld [tilespmem:s10+$0x20];
	_ =	sdelay $0x1  }
0x116: {  	v7 =	vadd.s32 v2, v5;
	_ =	sdelay $0x2  }
0x117: {  	v4 =	vadd.f32 v6, v4;
	_ =	sdelay $0x1  }
0x118: {  	[tilespmem:v7+s20+$0x0] =	vst.idx.msk $0xffff, v4  }
0x119: {  	v4 =	vld [tilespmem:s6+$0xFFFFFFC0]  }
0x11a: {  	v6 =	vld [tilespmem:s10+$0x30];
	_ =	sdelay $0x1  }
0x11b: {  	v5 =	vadd.s32 v3, v5;
	_ =	sdelay $0x2  }
0x11c: {  	v4 =	vadd.f32 v6, v4;
	_ =	sdelay $0x1  }
0x11d: {  	[tilespmem:v5+s20+$0x0] =	vst.idx.msk $0xffff, v4  }
0x11e: {  	s29 =	simm.s32 $0x3;
	v4 =	vld [tilespmem:s6+$0xFFFFFFD0]  }
0x11f: {  	v5 =	vmov s29;
	v6 =	vld [tilespmem:s10+$0x40]  }
0x120: {  	v7 =	vand.u32 $0x7F, v5  }
0x121: {  	v5 =	vadd.s32 v0, v7;
	_ =	sdelay $0x2  }
0x122: {  	v4 =	vadd.f32 v6, v4;
	_ =	sdelay $0x1  }
0x123: {  	[tilespmem:v5+s20+$0x0] =	vst.idx.msk $0xffff, v4  }
0x124: {  	v4 =	vld [tilespmem:s6+$0xFFFFFFE0]  }
0x125: {  	v5 =	vld [tilespmem:s10+$0x50];
	_ =	sdelay $0x1  }
0x126: {  	v6 =	vadd.s32 v1, v7;
	_ =	sdelay $0x2  }
0x127: {  	v4 =	vadd.f32 v5, v4;
	_ =	sdelay $0x1  }
0x128: {  	[tilespmem:v6+s20+$0x0] =	vst.idx.msk $0xffff, v4  }
0x129: {  	s13 =	sor.u32 $0x1, s13;
	v6 =	vld [tilespmem:s6+$0xFFFFFFF0]  }
0x12a: {  	s28 =	simm.s32 $0x80;
	s7 =	simm.s32 $0x4;
	s8 =	simm.s32 $0x80F0;
	v5 =	vadd.s32 v2, v7;
	v4 =	vadd.s32 v3, v7;
	v7 =	vld [tilespmem:s10+$0x60]  }
.LBB2_7:
0x12b: {  	p1 =	slt.u32 s7, $0x7C;
	s6 =	sadd.s32 $0x100, s6;
	s10 =	sadd.s32 $0x100, s10  }
0x12c: {  	s29 =	smov.u32 s7;
	s7 =	sadd.s32 $0x4, s7;
	_ =	sdelay $0x2  }
0x12d: {  	v6 =	vadd.f32 v7, v6;
	_ =	sdelay $0x1  }
0x12e: {  	[tilespmem:v5+s20+$0x0] =	vst.idx.msk $0xffff, v6  }
0x12f: {  	v5 =	vld [tilespmem:s8+$0x0];
	s8 =	smov.u32 s6  }
0x130: {  	v6 =	vld [tilespmem:s28+$0x70];
	s28 =	smov.u32 s10;
	_ =	sdelay $0x4  }
0x131: {  	v5 =	vadd.f32 v6, v5;
	_ =	sdelay $0x1  }
0x132: {  	[tilespmem:v4+s20+$0x0] =	vst.idx.msk $0xffff, v5  }
0x133: {  	v4 =	vld [tilespmem:s10+$0xFFFFFF80]  }
0x134: {  	v5 =	vmov s29;
	v6 =	vld [tilespmem:s6+$0xFFFFFF10]  }
0x135: {  	v5 =	vand.u32 $0x7C, v5  }
0x136: {  	v7 =	vadd.s32 v0, v5;
	_ =	sdelay $0x2  }
0x137: {  	v4 =	vadd.f32 v4, v6;
	_ =	sdelay $0x1  }
0x138: {  	[tilespmem:v7+s20+$0x0] =	vst.idx.msk $0xffff, v4  }
0x139: {  	v4 =	vld [tilespmem:s6+$0xFFFFFF20]  }
0x13a: {  	v6 =	vld [tilespmem:s10+$0xFFFFFF90]  }
0x13b: {  	v7 =	vadd.s32 v1, v5;
	_ =	sdelay $0x3  }
0x13c: {  	v4 =	vadd.f32 v6, v4;
	_ =	sdelay $0x1  }
0x13d: {  	[tilespmem:v7+s20+$0x0] =	vst.idx.msk $0xffff, v4  }
0x13e: {  	v4 =	vld [tilespmem:s6+$0xFFFFFF30]  }
0x13f: {  	v7 =	vadd.s32 v2, v5;
	v6 =	vld [tilespmem:s10+$0xFFFFFFA0];
	_ =	sdelay $0x4  }
0x140: {  	v4 =	vadd.f32 v6, v4;
	_ =	sdelay $0x1  }
0x141: {  	[tilespmem:v7+s20+$0x0] =	vst.idx.msk $0xffff, v4  }
0x142: {  	v5 =	vadd.s32 v3, v5;
	v4 =	vld [tilespmem:s6+$0xFFFFFF40]  }
0x143: {  	v6 =	vld [tilespmem:s10+$0xFFFFFFB0];
	_ =	sdelay $0x3  }
0x144: {  	s9 =	sadd.s32 $0x1, s29  }
0x145: {  	v4 =	vadd.f32 v6, v4;
	v6 =	vmov s9  }
0x146: {  	v6 =	vand.u32 $0x7D, v6  }
0x147: {  	[tilespmem:v5+s20+$0x0] =	vst.idx.msk $0xffff, v4;
	v4 =	vadd.s32 v0, v6  }
0x148: {  	v5 =	vld [tilespmem:s6+$0xFFFFFF50]  }
0x149: {  	v7 =	vld [tilespmem:s10+$0xFFFFFFC0];
	_ =	sdelay $0x4  }
0x14a: {  	v5 =	vadd.f32 v7, v5  }
0x14b: {  	v7 =	vadd.s32 v1, v6  }
0x14c: {  	[tilespmem:v4+s20+$0x0] =	vst.idx.msk $0xffff, v5  }
0x14d: {  	v4 =	vld [tilespmem:s6+$0xFFFFFF60]  }
0x14e: {  	v5 =	vld [tilespmem:s10+$0xFFFFFFD0];
	_ =	sdelay $0x4  }
0x14f: {  	v4 =	vadd.f32 v5, v4;
	v5 =	vadd.s32 v2, v6;
	_ =	sdelay $0x1  }
0x150: {  	[tilespmem:v7+s20+$0x0] =	vst.idx.msk $0xffff, v4  }
0x151: {  	v4 =	vld [tilespmem:s6+$0xFFFFFF70]  }
0x152: {  	v7 =	vld [tilespmem:s10+$0xFFFFFFE0];
	_ =	sdelay $0x3  }
0x153: {  	v6 =	vadd.s32 v3, v6  }
0x154: {  	v4 =	vadd.f32 v7, v4;
	_ =	sdelay $0x1  }
0x155: {  	[tilespmem:v5+s20+$0x0] =	vst.idx.msk $0xffff, v4  }
0x156: {  	v4 =	vld [tilespmem:s6+$0xFFFFFF80]  }
0x157: {  	s9 =	sadd.s32 $0x2, s29;
	v5 =	vld [tilespmem:s10+$0xFFFFFFF0]  }
0x158: {  	v7 =	vmov s9  }
0x159: {  	v7 =	vand.u32 $0x7E, v7  }
0x15a: {  	v8 =	vadd.s32 v0, v7;
	_ =	sdelay $0x1  }
0x15b: {  	v4 =	vadd.f32 v5, v4;
	_ =	sdelay $0x1  }
0x15c: {  	[tilespmem:v6+s20+$0x0] =	vst.idx.msk $0xffff, v4  }
0x15d: {  	v4 =	vld [tilespmem:s6+$0xFFFFFF90]  }
0x15e: {  	v5 =	vld [tilespmem:s10+$0x0];
	_ =	sdelay $0x1  }
0x15f: {  	v6 =	vadd.s32 v1, v7;
	_ =	sdelay $0x2  }
0x160: {  	v4 =	vadd.f32 v5, v4;
	_ =	sdelay $0x1  }
0x161: {  	[tilespmem:v8+s20+$0x0] =	vst.idx.msk $0xffff, v4  }
0x162: {  	v4 =	vld [tilespmem:s6+$0xFFFFFFA0]  }
0x163: {  	v5 =	vld [tilespmem:s10+$0x10]  }
0x164: {  	v8 =	vadd.s32 v2, v7;
	_ =	sdelay $0x3  }
0x165: {  	v4 =	vadd.f32 v5, v4;
	_ =	sdelay $0x1  }
0x166: {  	[tilespmem:v6+s20+$0x0] =	vst.idx.msk $0xffff, v4  }
0x167: {  	v4 =	vld [tilespmem:s6+$0xFFFFFFB0]  }
0x168: {  	v6 =	vadd.s32 v3, v7;
	v5 =	vld [tilespmem:s10+$0x20];
	_ =	sdelay $0x4  }
0x169: {  	s9 =	sadd.s32 $0x3, s29;
	v4 =	vadd.f32 v5, v4  }
0x16a: {  	v5 =	vmov s9  }
0x16b: {  	[tilespmem:v8+s20+$0x0] =	vst.idx.msk $0xffff, v4;
	v4 =	vand.u32 $0x7F, v5  }
0x16c: {  	v5 =	vld [tilespmem:s6+$0xFFFFFFC0];
	v7 =	vadd.s32 v0, v4  }
0x16d: {  	v8 =	vld [tilespmem:s10+$0x30];
	_ =	sdelay $0x4  }
0x16e: {  	v5 =	vadd.f32 v8, v5;
	_ =	sdelay $0x1  }
0x16f: {  	[tilespmem:v6+s20+$0x0] =	vst.idx.msk $0xffff, v5;
	v6 =	vadd.s32 v1, v4  }
0x170: {  	v5 =	vld [tilespmem:s6+$0xFFFFFFD0]  }
0x171: {  	v8 =	vld [tilespmem:s10+$0x40];
	_ =	sdelay $0x4  }
0x172: {  	v8 =	vadd.f32 v8, v5  }
0x173: {  	v5 =	vadd.s32 v2, v4  }
0x174: {  	[tilespmem:v7+s20+$0x0] =	vst.idx.msk $0xffff, v8  }
0x175: {  	v7 =	vld [tilespmem:s6+$0xFFFFFFE0]  }
0x176: {  	v8 =	vld [tilespmem:s10+$0x50];
	_ =	sdelay $0x4  }
.Ltmp2:
0x177: {  	v4 =	vadd.s32 v3, v4;
	v7 =	vadd.f32 v8, v7;
	(pc) =	sbr.rel @p1 .LBB2_7-.Ltmp2, $4  }
0x178: {  	_ = 	snop  }
0x179: {  	[tilespmem:v6+s20+$0x0] =	vst.idx.msk $0xffff, v7  }
0x17a: {  	v6 =	vld [tilespmem:s6+$0xFFFFFFF0]  }
0x17b: {  	v7 =	vld [tilespmem:s10+$0x60]  }
0x17c: {  	_ =	sdelay $0x3  }
0x17d: {  	v6 =	vadd.f32 v7, v6;
	_ =	sdelay $0x1  }
0x17e: {  	[tilespmem:v5+s20+$0x0] =	vst.idx.msk $0xffff, v6  }
0x17f: {  	v5 =	vld [tilespmem:s8+$0x0]  }
0x180: {  	v6 =	vld [tilespmem:s28+$0x70];
	_ =	sdelay $0x3  }
0x181: {  	s6 =	sadd.s32 s4, s13  }
0x182: {  	s6 =	sshll.u32 s6, $0xA;
	v5 =	vadd.f32 v6, v5  }
0x183: {  	s7 =	simm.s32 $0x10200;
	s6 =	sadd.s32 s1, s6  }
0x184: {  	s10 =	simm.s32 $0x10288;
	s13 =	sadd.s32 $0x0, s6;
	s8 =	simm.s32 $0x10;
	[tilespmem:v4+s20+$0x0] =	vst.idx.msk $0xffff, v5  }
.LBB2_9:
0x185: {  	[hbm4b:s13+s3] =	stream.linear.scatter [tilespmem:s7], [sflag:$0x6], $0x80, $0x38;
	[tilespmem:$0x16800] =	vst v63  }
0x186: {  	s9 =	smov.u32 s8;
	s7 =	smov.u32 s10;
	p1 =	sne.s32 s8, $0x3F0  }
.Ltmp3:
0x187: {  	s8 =	sadd.s32 $0x10, s8;
	(pc) =	sbr.rel @p1 .LBB2_9-.Ltmp3, $2  }
0x188: {  	_ =	sdelay $0x2  }
0x189: {  	s10 =	sadd.s32 $0x88, s10;
	s13 =	sadd.s32 s9, s6  }
0x18a: {  	p1 =	sne.s32 s31, $0x1F  }
.Ltmp4:
0x18b: {  	_ = 	snop;
	(pc) =	sbr.rel @p1 .LBB2_12-.Ltmp4, $2  }
0x18c: {  	_ =	sdelay $0x2  }
0x18d: {  	[hbm4b:s13+s3] =	stream.linear.scatter [tilespmem:s7], [sflag:$0x6], $0x80, $0x38;
	[tilespmem:$0x16800] =	vst v63  }
.Ltmp5:
0x18e: {  	(pc) =	sbr.rel .LBB2_13-.Ltmp5, $4  }
0x18f: {  	_ = 	snop  }
0x190: {  	_ =	swait.ge [sflag:s21], $0x2000  }
0x191: {  	[sflag:s21] =	ssyncset.done $0x0  }
0x192: {  	[sflag:s21] =	ssyncadd.s32 $0xFFFFE000  }
.LBB2_12:
0x193: {  	s6 =	sshll.u32 s31, $0x9  }
0x194: {  	s6 =	sand.u32 $0x3FFFFE00, s6  }
.Ltmp6:
0x195: {  	s6 =	sadd.s32 $0x2200, s6;
	(pc) =	sbr.rel @p0 .LBB2_14-.Ltmp6, $4  }
0x196: {  	[tilespmem:s12], [sflag:$0x1] =	stream.indirect.gather [hbm4b:s5+s11], $0x40, s6, s11, $0xb8;
	[tilespmem:$0x16800] =	vst v63  }
0x197: {  	_ =	swait.ge [sflag:s21], $0x2000  }
0x198: {  	[sflag:s21] =	ssyncset.done $0x0  }
0x199: {  	[sflag:s21] =	ssyncadd.s32 $0xFFFFE000  }
.LBB2_13:
0x19a: {  	_ =	swait.ge [sflag:s22], $0x2000  }
0x19b: {  	[sflag:s22] =	ssyncset.done $0x0  }
0x19c: {  	[sflag:s22] =	ssyncadd.s32 $0xFFFFE000  }
.LBB2_14:
0x19d: {  	s10 =	simm.s32 $0x0  }
0x19e: {  	s6 =	simm.s32 $0x0;
	v4 =	vld [tilespmem:s10+$0xA000]  }
0x19f: {  	v5 =	vmov s6;
	v6 =	vld [tilespmem:s10+$0x0]  }
0x1a0: {  	v5 =	vand.u32 $0x7C, v5  }
0x1a1: {  	v7 =	vadd.s32 v0, v5;
	_ =	sdelay $0x2  }
0x1a2: {  	v4 =	vadd.f32 v6, v4;
	_ =	sdelay $0x1  }
0x1a3: {  	[tilespmem:v7+s23+$0x0] =	vst.idx.msk $0xffff, v4  }
0x1a4: {  	v4 =	vld [tilespmem:s10+$0xA010]  }
0x1a5: {  	v6 =	vld [tilespmem:s10+$0x10];
	_ =	sdelay $0x1  }
0x1a6: {  	v7 =	vadd.s32 v1, v5;
	_ =	sdelay $0x2  }
0x1a7: {  	v4 =	vadd.f32 v6, v4;
	_ =	sdelay $0x1  }
0x1a8: {  	[tilespmem:v7+s23+$0x0] =	vst.idx.msk $0xffff, v4  }
0x1a9: {  	v4 =	vld [tilespmem:s10+$0xA020]  }
0x1aa: {  	v6 =	vld [tilespmem:s10+$0x20];
	_ =	sdelay $0x1  }
0x1ab: {  	v7 =	vadd.s32 v2, v5;
	_ =	sdelay $0x2  }
0x1ac: {  	v4 =	vadd.f32 v6, v4;
	_ =	sdelay $0x1  }
0x1ad: {  	[tilespmem:v7+s23+$0x0] =	vst.idx.msk $0xffff, v4  }
0x1ae: {  	v4 =	vld [tilespmem:s10+$0xA030]  }
0x1af: {  	v6 =	vld [tilespmem:s10+$0x30];
	_ =	sdelay $0x1  }
0x1b0: {  	v5 =	vadd.s32 v3, v5;
	_ =	sdelay $0x2  }
0x1b1: {  	v4 =	vadd.f32 v6, v4;
	_ =	sdelay $0x1  }
0x1b2: {  	[tilespmem:v5+s23+$0x0] =	vst.idx.msk $0xffff, v4  }
0x1b3: {  	s7 =	simm.s32 $0x1;
	v4 =	vld [tilespmem:s10+$0xA040]  }
0x1b4: {  	v5 =	vmov s7;
	v6 =	vld [tilespmem:s10+$0x40]  }
0x1b5: {  	v5 =	vand.u32 $0x7D, v5  }
0x1b6: {  	v7 =	vadd.s32 v0, v5;
	_ =	sdelay $0x2  }
0x1b7: {  	v4 =	vadd.f32 v6, v4;
	_ =	sdelay $0x1  }
0x1b8: {  	[tilespmem:v7+s23+$0x0] =	vst.idx.msk $0xffff, v4  }
0x1b9: {  	v4 =	vld [tilespmem:s10+$0xA050]  }
0x1ba: {  	v6 =	vld [tilespmem:s10+$0x50];
	_ =	sdelay $0x1  }
0x1bb: {  	v7 =	vadd.s32 v1, v5;
	_ =	sdelay $0x2  }
0x1bc: {  	v4 =	vadd.f32 v6, v4;
	_ =	sdelay $0x1  }
0x1bd: {  	[tilespmem:v7+s23+$0x0] =	vst.idx.msk $0xffff, v4  }
0x1be: {  	v4 =	vld [tilespmem:s10+$0xA060]  }
0x1bf: {  	v6 =	vld [tilespmem:s10+$0x60];
	_ =	sdelay $0x1  }
0x1c0: {  	v7 =	vadd.s32 v2, v5;
	_ =	sdelay $0x2  }
0x1c1: {  	v4 =	vadd.f32 v6, v4;
	_ =	sdelay $0x1  }
0x1c2: {  	[tilespmem:v7+s23+$0x0] =	vst.idx.msk $0xffff, v4  }
0x1c3: {  	v4 =	vld [tilespmem:s10+$0xA070]  }
0x1c4: {  	v6 =	vld [tilespmem:s10+$0x70];
	_ =	sdelay $0x1  }
0x1c5: {  	v5 =	vadd.s32 v3, v5;
	_ =	sdelay $0x2  }
0x1c6: {  	v4 =	vadd.f32 v6, v4;
	_ =	sdelay $0x1  }
0x1c7: {  	[tilespmem:v5+s23+$0x0] =	vst.idx.msk $0xffff, v4  }
0x1c8: {  	s28 =	simm.s32 $0x2;
	v4 =	vld [tilespmem:s10+$0xA080]  }
0x1c9: {  	v5 =	vmov s28;
	v6 =	vld [tilespmem:s10+$0x80]  }
0x1ca: {  	v5 =	vand.u32 $0x7E, v5  }
0x1cb: {  	v7 =	vadd.s32 v0, v5;
	_ =	sdelay $0x2  }
0x1cc: {  	v4 =	vadd.f32 v6, v4;
	_ =	sdelay $0x1  }
0x1cd: {  	[tilespmem:v7+s23+$0x0] =	vst.idx.msk $0xffff, v4  }
0x1ce: {  	v4 =	vld [tilespmem:s10+$0xA090]  }
0x1cf: {  	v6 =	vld [tilespmem:s10+$0x90];
	_ =	sdelay $0x1  }
0x1d0: {  	v7 =	vadd.s32 v1, v5;
	_ =	sdelay $0x2  }
0x1d1: {  	v4 =	vadd.f32 v6, v4;
	_ =	sdelay $0x1  }
0x1d2: {  	[tilespmem:v7+s23+$0x0] =	vst.idx.msk $0xffff, v4  }
0x1d3: {  	v4 =	vld [tilespmem:s10+$0xA0A0]  }
0x1d4: {  	v6 =	vld [tilespmem:s10+$0xA0];
	_ =	sdelay $0x1  }
0x1d5: {  	v7 =	vadd.s32 v2, v5;
	_ =	sdelay $0x2  }
0x1d6: {  	v4 =	vadd.f32 v6, v4;
	_ =	sdelay $0x1  }
0x1d7: {  	[tilespmem:v7+s23+$0x0] =	vst.idx.msk $0xffff, v4  }
0x1d8: {  	v4 =	vld [tilespmem:s10+$0xA0B0]  }
0x1d9: {  	v6 =	vld [tilespmem:s10+$0xB0];
	_ =	sdelay $0x1  }
0x1da: {  	v5 =	vadd.s32 v3, v5;
	_ =	sdelay $0x2  }
0x1db: {  	v4 =	vadd.f32 v6, v4;
	_ =	sdelay $0x1  }
0x1dc: {  	[tilespmem:v5+s23+$0x0] =	vst.idx.msk $0xffff, v4  }
0x1dd: {  	s29 =	simm.s32 $0x3;
	v4 =	vld [tilespmem:s10+$0xA0C0]  }
0x1de: {  	v5 =	vmov s29;
	v6 =	vld [tilespmem:s10+$0xC0]  }
0x1df: {  	v7 =	vand.u32 $0x7F, v5  }
0x1e0: {  	v5 =	vadd.s32 v0, v7;
	_ =	sdelay $0x2  }
0x1e1: {  	v4 =	vadd.f32 v6, v4;
	_ =	sdelay $0x1  }
0x1e2: {  	[tilespmem:v5+s23+$0x0] =	vst.idx.msk $0xffff, v4  }
0x1e3: {  	v4 =	vld [tilespmem:s10+$0xA0D0]  }
0x1e4: {  	v5 =	vld [tilespmem:s10+$0xD0];
	_ =	sdelay $0x1  }
0x1e5: {  	v6 =	vadd.s32 v1, v7;
	_ =	sdelay $0x2  }
0x1e6: {  	v4 =	vadd.f32 v5, v4;
	_ =	sdelay $0x1  }
0x1e7: {  	[tilespmem:v6+s23+$0x0] =	vst.idx.msk $0xffff, v4  }
0x1e8: {  	s7 =	simm.s32 $0x4;
	v5 =	vadd.s32 v2, v7;
	v4 =	vadd.s32 v3, v7;
	v6 =	vld [tilespmem:s10+$0xA0E0]  }
.LBB2_15:
0x1e9: {  	p2 =	slt.u32 s7, $0x7C  }
0x1ea: {  	v7 =	vld [tilespmem:s10+$0xE0];
	s6 =	sadd.s32 $0x400, s6;
	s8 =	smov.u32 s7;
	s7 =	sadd.s32 $0x4, s7  }
0x1eb: {  	_ =	sdelay $0x3  }
0x1ec: {  	v6 =	vadd.f32 v7, v6;
	_ =	sdelay $0x1  }
0x1ed: {  	[tilespmem:v5+s23+$0x0] =	vst.idx.msk $0xffff, v6  }
0x1ee: {  	v5 =	vld [tilespmem:s10+$0xA0F0]  }
0x1ef: {  	v6 =	vld [tilespmem:s10+$0xF0];
	_ =	sdelay $0x4  }
0x1f0: {  	v5 =	vadd.f32 v6, v5;
	_ =	sdelay $0x1  }
0x1f1: {  	s10 =	sshra.s32 s6, $0x2;
	[tilespmem:v4+s23+$0x0] =	vst.idx.msk $0xffff, v5  }
0x1f2: {  	v4 =	vmov s8;
	v5 =	vld [tilespmem:s10+$0xA000]  }
0x1f3: {  	v4 =	vand.u32 $0x7C, v4;
	v6 =	vld [tilespmem:s10+$0x0]  }
0x1f4: {  	v7 =	vadd.s32 v0, v4;
	_ =	sdelay $0x3  }
0x1f5: {  	v5 =	vadd.f32 v6, v5;
	_ =	sdelay $0x1  }
0x1f6: {  	[tilespmem:v7+s23+$0x0] =	vst.idx.msk $0xffff, v5  }
0x1f7: {  	v5 =	vld [tilespmem:s10+$0xA010]  }
0x1f8: {  	v7 =	vadd.s32 v1, v4;
	v6 =	vld [tilespmem:s10+$0x10];
	_ =	sdelay $0x4  }
0x1f9: {  	v5 =	vadd.f32 v6, v5;
	_ =	sdelay $0x1  }
0x1fa: {  	[tilespmem:v7+s23+$0x0] =	vst.idx.msk $0xffff, v5  }
0x1fb: {  	v6 =	vadd.s32 v2, v4;
	v5 =	vld [tilespmem:s10+$0xA020]  }
0x1fc: {  	v7 =	vld [tilespmem:s10+$0x20];
	_ =	sdelay $0x4  }
0x1fd: {  	v5 =	vadd.f32 v7, v5;
	_ =	sdelay $0x1  }
0x1fe: {  	v4 =	vadd.s32 v3, v4;
	[tilespmem:v6+s23+$0x0] =	vst.idx.msk $0xffff, v5  }
0x1ff: {  	v5 =	vld [tilespmem:s10+$0xA030]  }
0x200: {  	v6 =	vld [tilespmem:s10+$0x30];
	_ =	sdelay $0x2  }
0x201: {  	s9 =	sadd.s32 $0x1, s8  }
0x202: {  	v7 =	vmov s9  }
0x203: {  	v5 =	vadd.f32 v6, v5;
	v6 =	vand.u32 $0x7D, v7  }
0x204: {  	v7 =	vadd.s32 v0, v6  }
0x205: {  	[tilespmem:v4+s23+$0x0] =	vst.idx.msk $0xffff, v5  }
0x206: {  	v4 =	vld [tilespmem:s10+$0xA040]  }
0x207: {  	v5 =	vld [tilespmem:s10+$0x40];
	_ =	sdelay $0x4  }
0x208: {  	v4 =	vadd.f32 v5, v4;
	v5 =	vadd.s32 v1, v6;
	_ =	sdelay $0x1  }
0x209: {  	[tilespmem:v7+s23+$0x0] =	vst.idx.msk $0xffff, v4  }
0x20a: {  	v4 =	vld [tilespmem:s10+$0xA050]  }
0x20b: {  	v7 =	vld [tilespmem:s10+$0x50];
	_ =	sdelay $0x3  }
0x20c: {  	v8 =	vadd.s32 v2, v6  }
0x20d: {  	v4 =	vadd.f32 v7, v4;
	_ =	sdelay $0x1  }
0x20e: {  	[tilespmem:v5+s23+$0x0] =	vst.idx.msk $0xffff, v4  }
0x20f: {  	v4 =	vld [tilespmem:s10+$0xA060]  }
0x210: {  	v5 =	vld [tilespmem:s10+$0x60];
	_ =	sdelay $0x2  }
0x211: {  	v6 =	vadd.s32 v3, v6;
	_ =	sdelay $0x1  }
0x212: {  	v4 =	vadd.f32 v5, v4;
	_ =	sdelay $0x1  }
0x213: {  	[tilespmem:v8+s23+$0x0] =	vst.idx.msk $0xffff, v4  }
0x214: {  	s9 =	sadd.s32 $0x2, s8;
	v4 =	vld [tilespmem:s10+$0xA070]  }
0x215: {  	v7 =	vmov s9;
	v5 =	vld [tilespmem:s10+$0x70]  }
0x216: {  	v7 =	vand.u32 $0x7E, v7  }
0x217: {  	v8 =	vadd.s32 v0, v7;
	_ =	sdelay $0x2  }
0x218: {  	v4 =	vadd.f32 v5, v4;
	_ =	sdelay $0x1  }
0x219: {  	[tilespmem:v6+s23+$0x0] =	vst.idx.msk $0xffff, v4  }
0x21a: {  	v4 =	vld [tilespmem:s10+$0xA080]  }
0x21b: {  	v5 =	vld [tilespmem:s10+$0x80]  }
0x21c: {  	v6 =	vadd.s32 v1, v7;
	_ =	sdelay $0x3  }
0x21d: {  	v4 =	vadd.f32 v5, v4;
	_ =	sdelay $0x1  }
0x21e: {  	[tilespmem:v8+s23+$0x0] =	vst.idx.msk $0xffff, v4  }
0x21f: {  	v4 =	vld [tilespmem:s10+$0xA090]  }
0x220: {  	v8 =	vadd.s32 v2, v7;
	v5 =	vld [tilespmem:s10+$0x90];
	_ =	sdelay $0x4  }
0x221: {  	v4 =	vadd.f32 v5, v4;
	_ =	sdelay $0x1  }
0x222: {  	[tilespmem:v6+s23+$0x0] =	vst.idx.msk $0xffff, v4  }
0x223: {  	v5 =	vadd.s32 v3, v7;
	v4 =	vld [tilespmem:s10+$0xA0A0]  }
0x224: {  	v6 =	vld [tilespmem:s10+$0xA0];
	_ =	sdelay $0x3  }
0x225: {  	s8 =	sadd.s32 $0x3, s8  }
0x226: {  	v4 =	vadd.f32 v6, v4;
	v6 =	vmov s8  }
0x227: {  	v6 =	vand.u32 $0x7F, v6  }
0x228: {  	[tilespmem:v8+s23+$0x0] =	vst.idx.msk $0xffff, v4;
	v4 =	vadd.s32 v0, v6  }
0x229: {  	v7 =	vld [tilespmem:s10+$0xA0B0]  }
0x22a: {  	v8 =	vld [tilespmem:s10+$0xB0];
	_ =	sdelay $0x4  }
0x22b: {  	v7 =	vadd.f32 v8, v7  }
0x22c: {  	v8 =	vadd.s32 v1, v6  }
0x22d: {  	[tilespmem:v5+s23+$0x0] =	vst.idx.msk $0xffff, v7  }
0x22e: {  	v5 =	vld [tilespmem:s10+$0xA0C0]  }
0x22f: {  	v7 =	vld [tilespmem:s10+$0xC0];
	_ =	sdelay $0x4  }
0x230: {  	v7 =	vadd.f32 v7, v5;
	v5 =	vadd.s32 v2, v6;
	_ =	sdelay $0x1  }
0x231: {  	[tilespmem:v4+s23+$0x0] =	vst.idx.msk $0xffff, v7  }
0x232: {  	v7 =	vld [tilespmem:s10+$0xA0D0]  }
0x233: {  	v9 =	vld [tilespmem:s10+$0xD0];
	_ =	sdelay $0x3  }
.Ltmp7:
0x234: {  	v4 =	vadd.s32 v3, v6;
	(pc) =	sbr.rel @p2 .LBB2_15-.Ltmp7, $3  }
0x235: {  	v6 =	vadd.f32 v9, v7;
	_ =	sdelay $0x1  }
0x236: {  	[tilespmem:v8+s23+$0x0] =	vst.idx.msk $0xffff, v6  }
0x237: {  	v6 =	vld [tilespmem:s10+$0xA0E0]  }
0x238: {  	v7 =	vld [tilespmem:s10+$0xE0];
	_ =	sdelay $0x4  }
0x239: {  	v6 =	vadd.f32 v7, v6;
	_ =	sdelay $0x1  }
0x23a: {  	[tilespmem:v5+s23+$0x0] =	vst.idx.msk $0xffff, v6  }
0x23b: {  	v5 =	vld [tilespmem:s10+$0xA0F0]  }
0x23c: {  	v6 =	vld [tilespmem:s10+$0xF0];
	_ =	sdelay $0x3  }
0x23d: {  	s2 =	sadd.s32 s4, s2  }
0x23e: {  	s2 =	sshll.u32 s2, $0xA;
	v5 =	vadd.f32 v6, v5  }
0x23f: {  	s6 =	simm.s32 $0x12400;
	s2 =	sadd.s32 s1, s2  }
0x240: {  	s7 =	simm.s32 $0x10;
	s8 =	simm.s32 $0x12488;
	s10 =	sadd.s32 $0x0, s2;
	[tilespmem:v4+s23+$0x0] =	vst.idx.msk $0xffff, v5  }
.LBB2_17:
0x241: {  	[hbm4b:s10+s3] =	stream.linear.scatter [tilespmem:s6], [sflag:$0x7], $0x80, $0x38;
	[tilespmem:$0x16800] =	vst v63  }
0x242: {  	s9 =	smov.u32 s7;
	s6 =	smov.u32 s8;
	p2 =	sne.s32 s7, $0x3F0  }
.Ltmp8:
0x243: {  	s7 =	sadd.s32 $0x10, s7;
	(pc) =	sbr.rel @p2 .LBB2_17-.Ltmp8, $2  }
0x244: {  	_ =	sdelay $0x2  }
0x245: {  	s8 =	sadd.s32 $0x88, s8;
	s10 =	sadd.s32 s9, s2  }
.Ltmp9:
0x246: {  	(pc) =	sbr.rel @p1 .LBB2_20-.Ltmp9, $2  }
0x247: {  	_ =	sdelay $0x2  }
0x248: {  	[hbm4b:s10+s3] =	stream.linear.scatter [tilespmem:s6], [sflag:$0x7], $0x80, $0x38;
	[tilespmem:$0x16800] =	vst v63  }
.Ltmp10:
0x249: {  	(pc) =	sbr.rel .LBB2_21-.Ltmp10, $4  }
0x24a: {  	_ = 	snop  }
0x24b: {  	_ =	swait.ge [sflag:s24], $0x2000  }
0x24c: {  	[sflag:s24] =	ssyncset.done $0x0  }
0x24d: {  	[sflag:s24] =	ssyncadd.s32 $0xFFFFE000  }
.LBB2_20:
0x24e: {  	s2 =	sshll.u32 s31, $0x9  }
0x24f: {  	s2 =	sand.u32 $0x3FFFFE00, s2  }
.Ltmp11:
0x250: {  	s2 =	sadd.s32 $0x2280, s2;
	(pc) =	sbr.rel @p0 .LBB2_22-.Ltmp11, $4  }
0x251: {  	[tilespmem:s14], [sflag:$0x2] =	stream.indirect.gather [hbm4b:s5+s11], $0x40, s2, s11, $0xb8;
	[tilespmem:$0x16800] =	vst v63  }
0x252: {  	_ =	swait.ge [sflag:s24], $0x2000  }
0x253: {  	[sflag:s24] =	ssyncset.done $0x0  }
0x254: {  	[sflag:s24] =	ssyncadd.s32 $0xFFFFE000  }
.LBB2_21:
0x255: {  	_ =	swait.ge [sflag:s25], $0x2000  }
0x256: {  	[sflag:s25] =	ssyncset.done $0x0  }
0x257: {  	[sflag:s25] =	ssyncadd.s32 $0xFFFFE000  }
.LBB2_22:
0x258: {  	s6 =	simm.s32 $0x0  }
0x259: {  	s2 =	simm.s32 $0x0;
	v4 =	vld [tilespmem:s6+$0xC000]  }
0x25a: {  	v5 =	vmov s2;
	v6 =	vld [tilespmem:s6+$0x0]  }
0x25b: {  	v5 =	vand.u32 $0x7C, v5  }
0x25c: {  	v7 =	vadd.s32 v0, v5;
	_ =	sdelay $0x2  }
0x25d: {  	v4 =	vadd.f32 v6, v4;
	_ =	sdelay $0x1  }
0x25e: {  	[tilespmem:v7+s26+$0x0] =	vst.idx.msk $0xffff, v4  }
0x25f: {  	v4 =	vld [tilespmem:s6+$0xC010]  }
0x260: {  	v6 =	vld [tilespmem:s6+$0x10];
	_ =	sdelay $0x1  }
0x261: {  	v7 =	vadd.s32 v1, v5;
	_ =	sdelay $0x2  }
0x262: {  	v4 =	vadd.f32 v6, v4;
	_ =	sdelay $0x1  }
0x263: {  	[tilespmem:v7+s26+$0x0] =	vst.idx.msk $0xffff, v4  }
0x264: {  	v4 =	vld [tilespmem:s6+$0xC020]  }
0x265: {  	v6 =	vld [tilespmem:s6+$0x20];
	_ =	sdelay $0x1  }
0x266: {  	v7 =	vadd.s32 v2, v5;
	_ =	sdelay $0x2  }
0x267: {  	v4 =	vadd.f32 v6, v4;
	_ =	sdelay $0x1  }
0x268: {  	[tilespmem:v7+s26+$0x0] =	vst.idx.msk $0xffff, v4  }
0x269: {  	v4 =	vld [tilespmem:s6+$0xC030]  }
0x26a: {  	v6 =	vld [tilespmem:s6+$0x30];
	_ =	sdelay $0x1  }
0x26b: {  	v5 =	vadd.s32 v3, v5;
	_ =	sdelay $0x2  }
0x26c: {  	v4 =	vadd.f32 v6, v4;
	_ =	sdelay $0x1  }
0x26d: {  	[tilespmem:v5+s26+$0x0] =	vst.idx.msk $0xffff, v4  }
0x26e: {  	s7 =	simm.s32 $0x1;
	v4 =	vld [tilespmem:s6+$0xC040]  }
0x26f: {  	v5 =	vmov s7;
	v6 =	vld [tilespmem:s6+$0x40]  }
0x270: {  	v5 =	vand.u32 $0x7D, v5  }
0x271: {  	v7 =	vadd.s32 v0, v5;
	_ =	sdelay $0x2  }
0x272: {  	v4 =	vadd.f32 v6, v4;
	_ =	sdelay $0x1  }
0x273: {  	[tilespmem:v7+s26+$0x0] =	vst.idx.msk $0xffff, v4  }
0x274: {  	v4 =	vld [tilespmem:s6+$0xC050]  }
0x275: {  	v6 =	vld [tilespmem:s6+$0x50];
	_ =	sdelay $0x1  }
0x276: {  	v7 =	vadd.s32 v1, v5;
	_ =	sdelay $0x2  }
0x277: {  	v4 =	vadd.f32 v6, v4;
	_ =	sdelay $0x1  }
0x278: {  	[tilespmem:v7+s26+$0x0] =	vst.idx.msk $0xffff, v4  }
0x279: {  	v4 =	vld [tilespmem:s6+$0xC060]  }
0x27a: {  	v6 =	vld [tilespmem:s6+$0x60];
	_ =	sdelay $0x1  }
0x27b: {  	v7 =	vadd.s32 v2, v5;
	_ =	sdelay $0x2  }
0x27c: {  	v4 =	vadd.f32 v6, v4;
	_ =	sdelay $0x1  }
0x27d: {  	[tilespmem:v7+s26+$0x0] =	vst.idx.msk $0xffff, v4  }
0x27e: {  	v4 =	vld [tilespmem:s6+$0xC070]  }
0x27f: {  	v6 =	vld [tilespmem:s6+$0x70];
	_ =	sdelay $0x1  }
0x280: {  	v5 =	vadd.s32 v3, v5;
	_ =	sdelay $0x2  }
0x281: {  	v4 =	vadd.f32 v6, v4;
	_ =	sdelay $0x1  }
0x282: {  	[tilespmem:v5+s26+$0x0] =	vst.idx.msk $0xffff, v4  }
0x283: {  	s28 =	simm.s32 $0x2;
	v4 =	vld [tilespmem:s6+$0xC080]  }
0x284: {  	v5 =	vmov s28;
	v6 =	vld [tilespmem:s6+$0x80]  }
0x285: {  	v5 =	vand.u32 $0x7E, v5  }
0x286: {  	v7 =	vadd.s32 v0, v5;
	_ =	sdelay $0x2  }
0x287: {  	v4 =	vadd.f32 v6, v4;
	_ =	sdelay $0x1  }
0x288: {  	[tilespmem:v7+s26+$0x0] =	vst.idx.msk $0xffff, v4  }
0x289: {  	v4 =	vld [tilespmem:s6+$0xC090]  }
0x28a: {  	v6 =	vld [tilespmem:s6+$0x90];
	_ =	sdelay $0x1  }
0x28b: {  	v7 =	vadd.s32 v1, v5;
	_ =	sdelay $0x2  }
0x28c: {  	v4 =	vadd.f32 v6, v4;
	_ =	sdelay $0x1  }
0x28d: {  	[tilespmem:v7+s26+$0x0] =	vst.idx.msk $0xffff, v4  }
0x28e: {  	v4 =	vld [tilespmem:s6+$0xC0A0]  }
0x28f: {  	v6 =	vld [tilespmem:s6+$0xA0];
	_ =	sdelay $0x1  }
0x290: {  	v7 =	vadd.s32 v2, v5;
	_ =	sdelay $0x2  }
0x291: {  	v4 =	vadd.f32 v6, v4;
	_ =	sdelay $0x1  }
0x292: {  	[tilespmem:v7+s26+$0x0] =	vst.idx.msk $0xffff, v4  }
0x293: {  	v4 =	vld [tilespmem:s6+$0xC0B0]  }
0x294: {  	v6 =	vld [tilespmem:s6+$0xB0];
	_ =	sdelay $0x1  }
0x295: {  	v5 =	vadd.s32 v3, v5;
	_ =	sdelay $0x2  }
0x296: {  	v4 =	vadd.f32 v6, v4;
	_ =	sdelay $0x1  }
0x297: {  	[tilespmem:v5+s26+$0x0] =	vst.idx.msk $0xffff, v4  }
0x298: {  	s29 =	simm.s32 $0x3;
	v4 =	vld [tilespmem:s6+$0xC0C0]  }
0x299: {  	v5 =	vmov s29;
	v6 =	vld [tilespmem:s6+$0xC0]  }
0x29a: {  	v7 =	vand.u32 $0x7F, v5  }
0x29b: {  	v5 =	vadd.s32 v0, v7;
	_ =	sdelay $0x2  }
0x29c: {  	v4 =	vadd.f32 v6, v4;
	_ =	sdelay $0x1  }
0x29d: {  	[tilespmem:v5+s26+$0x0] =	vst.idx.msk $0xffff, v4  }
0x29e: {  	v4 =	vld [tilespmem:s6+$0xC0D0]  }
0x29f: {  	v5 =	vld [tilespmem:s6+$0xD0];
	_ =	sdelay $0x1  }
0x2a0: {  	v6 =	vadd.s32 v1, v7;
	_ =	sdelay $0x2  }
0x2a1: {  	v4 =	vadd.f32 v5, v4;
	_ =	sdelay $0x1  }
0x2a2: {  	[tilespmem:v6+s26+$0x0] =	vst.idx.msk $0xffff, v4  }
0x2a3: {  	s7 =	simm.s32 $0x4;
	v5 =	vadd.s32 v2, v7;
	v4 =	vadd.s32 v3, v7;
	v6 =	vld [tilespmem:s6+$0xC0E0]  }
.LBB2_23:
0x2a4: {  	p0 =	slt.u32 s7, $0x7C  }
0x2a5: {  	v7 =	vld [tilespmem:s6+$0xE0];
	s2 =	sadd.s32 $0x400, s2;
	s8 =	smov.u32 s7;
	s7 =	sadd.s32 $0x4, s7  }
0x2a6: {  	_ =	sdelay $0x3  }
0x2a7: {  	v6 =	vadd.f32 v7, v6;
	_ =	sdelay $0x1  }
0x2a8: {  	[tilespmem:v5+s26+$0x0] =	vst.idx.msk $0xffff, v6  }
0x2a9: {  	v5 =	vld [tilespmem:s6+$0xC0F0]  }
0x2aa: {  	v6 =	vld [tilespmem:s6+$0xF0];
	_ =	sdelay $0x4  }
0x2ab: {  	v5 =	vadd.f32 v6, v5;
	_ =	sdelay $0x1  }
0x2ac: {  	s6 =	sshra.s32 s2, $0x2;
	[tilespmem:v4+s26+$0x0] =	vst.idx.msk $0xffff, v5  }
0x2ad: {  	v4 =	vmov s8;
	v5 =	vld [tilespmem:s6+$0xC000]  }
0x2ae: {  	v4 =	vand.u32 $0x7C, v4;
	v6 =	vld [tilespmem:s6+$0x0]  }
0x2af: {  	v7 =	vadd.s32 v0, v4;
	_ =	sdelay $0x3  }
0x2b0: {  	v5 =	vadd.f32 v6, v5;
	_ =	sdelay $0x1  }
0x2b1: {  	[tilespmem:v7+s26+$0x0] =	vst.idx.msk $0xffff, v5  }
0x2b2: {  	v5 =	vld [tilespmem:s6+$0xC010]  }
0x2b3: {  	v7 =	vadd.s32 v1, v4;
	v6 =	vld [tilespmem:s6+$0x10];
	_ =	sdelay $0x4  }
0x2b4: {  	v5 =	vadd.f32 v6, v5;
	_ =	sdelay $0x1  }
0x2b5: {  	[tilespmem:v7+s26+$0x0] =	vst.idx.msk $0xffff, v5  }
0x2b6: {  	v6 =	vadd.s32 v2, v4;
	v5 =	vld [tilespmem:s6+$0xC020]  }
0x2b7: {  	v7 =	vld [tilespmem:s6+$0x20];
	_ =	sdelay $0x4  }
0x2b8: {  	v5 =	vadd.f32 v7, v5;
	_ =	sdelay $0x1  }
0x2b9: {  	v4 =	vadd.s32 v3, v4;
	[tilespmem:v6+s26+$0x0] =	vst.idx.msk $0xffff, v5  }
0x2ba: {  	v5 =	vld [tilespmem:s6+$0xC030]  }
0x2bb: {  	v6 =	vld [tilespmem:s6+$0x30];
	_ =	sdelay $0x2  }
0x2bc: {  	s9 =	sadd.s32 $0x1, s8  }
0x2bd: {  	v7 =	vmov s9  }
0x2be: {  	v5 =	vadd.f32 v6, v5;
	v6 =	vand.u32 $0x7D, v7  }
0x2bf: {  	v7 =	vadd.s32 v0, v6  }
0x2c0: {  	[tilespmem:v4+s26+$0x0] =	vst.idx.msk $0xffff, v5  }
0x2c1: {  	v4 =	vld [tilespmem:s6+$0xC040]  }
0x2c2: {  	v5 =	vld [tilespmem:s6+$0x40];
	_ =	sdelay $0x4  }
0x2c3: {  	v4 =	vadd.f32 v5, v4;
	v5 =	vadd.s32 v1, v6;
	_ =	sdelay $0x1  }
0x2c4: {  	[tilespmem:v7+s26+$0x0] =	vst.idx.msk $0xffff, v4  }
0x2c5: {  	v4 =	vld [tilespmem:s6+$0xC050]  }
0x2c6: {  	v7 =	vld [tilespmem:s6+$0x50];
	_ =	sdelay $0x3  }
0x2c7: {  	v8 =	vadd.s32 v2, v6  }
0x2c8: {  	v4 =	vadd.f32 v7, v4;
	_ =	sdelay $0x1  }
0x2c9: {  	[tilespmem:v5+s26+$0x0] =	vst.idx.msk $0xffff, v4  }
0x2ca: {  	v4 =	vld [tilespmem:s6+$0xC060]  }
0x2cb: {  	v5 =	vld [tilespmem:s6+$0x60];
	_ =	sdelay $0x2  }
0x2cc: {  	v6 =	vadd.s32 v3, v6;
	_ =	sdelay $0x1  }
0x2cd: {  	v4 =	vadd.f32 v5, v4;
	_ =	sdelay $0x1  }
0x2ce: {  	[tilespmem:v8+s26+$0x0] =	vst.idx.msk $0xffff, v4  }
0x2cf: {  	s9 =	sadd.s32 $0x2, s8;
	v4 =	vld [tilespmem:s6+$0xC070]  }
0x2d0: {  	v7 =	vmov s9;
	v5 =	vld [tilespmem:s6+$0x70]  }
0x2d1: {  	v7 =	vand.u32 $0x7E, v7  }
0x2d2: {  	v8 =	vadd.s32 v0, v7;
	_ =	sdelay $0x2  }
0x2d3: {  	v4 =	vadd.f32 v5, v4;
	_ =	sdelay $0x1  }
0x2d4: {  	[tilespmem:v6+s26+$0x0] =	vst.idx.msk $0xffff, v4  }
0x2d5: {  	v4 =	vld [tilespmem:s6+$0xC080]  }
0x2d6: {  	v5 =	vld [tilespmem:s6+$0x80]  }
0x2d7: {  	v6 =	vadd.s32 v1, v7;
	_ =	sdelay $0x3  }
0x2d8: {  	v4 =	vadd.f32 v5, v4;
	_ =	sdelay $0x1  }
0x2d9: {  	[tilespmem:v8+s26+$0x0] =	vst.idx.msk $0xffff, v4  }
0x2da: {  	v4 =	vld [tilespmem:s6+$0xC090]  }
0x2db: {  	v8 =	vadd.s32 v2, v7;
	v5 =	vld [tilespmem:s6+$0x90];
	_ =	sdelay $0x4  }
0x2dc: {  	v4 =	vadd.f32 v5, v4;
	_ =	sdelay $0x1  }
0x2dd: {  	[tilespmem:v6+s26+$0x0] =	vst.idx.msk $0xffff, v4  }
0x2de: {  	v5 =	vadd.s32 v3, v7;
	v4 =	vld [tilespmem:s6+$0xC0A0]  }
0x2df: {  	v6 =	vld [tilespmem:s6+$0xA0];
	_ =	sdelay $0x3  }
0x2e0: {  	s8 =	sadd.s32 $0x3, s8  }
0x2e1: {  	v4 =	vadd.f32 v6, v4;
	v6 =	vmov s8  }
0x2e2: {  	v6 =	vand.u32 $0x7F, v6  }
0x2e3: {  	[tilespmem:v8+s26+$0x0] =	vst.idx.msk $0xffff, v4;
	v4 =	vadd.s32 v0, v6  }
0x2e4: {  	v7 =	vld [tilespmem:s6+$0xC0B0]  }
0x2e5: {  	v8 =	vld [tilespmem:s6+$0xB0];
	_ =	sdelay $0x4  }
0x2e6: {  	v7 =	vadd.f32 v8, v7  }
0x2e7: {  	v8 =	vadd.s32 v1, v6  }
0x2e8: {  	[tilespmem:v5+s26+$0x0] =	vst.idx.msk $0xffff, v7  }
0x2e9: {  	v5 =	vld [tilespmem:s6+$0xC0C0]  }
0x2ea: {  	v7 =	vld [tilespmem:s6+$0xC0];
	_ =	sdelay $0x4  }
0x2eb: {  	v7 =	vadd.f32 v7, v5;
	v5 =	vadd.s32 v2, v6;
	_ =	sdelay $0x1  }
0x2ec: {  	[tilespmem:v4+s26+$0x0] =	vst.idx.msk $0xffff, v7  }
0x2ed: {  	v7 =	vld [tilespmem:s6+$0xC0D0]  }
0x2ee: {  	v9 =	vld [tilespmem:s6+$0xD0];
	_ =	sdelay $0x3  }
.Ltmp12:
0x2ef: {  	v4 =	vadd.s32 v3, v6;
	(pc) =	sbr.rel @p0 .LBB2_23-.Ltmp12, $3  }
0x2f0: {  	v6 =	vadd.f32 v9, v7;
	_ =	sdelay $0x1  }
0x2f1: {  	[tilespmem:v8+s26+$0x0] =	vst.idx.msk $0xffff, v6  }
0x2f2: {  	v6 =	vld [tilespmem:s6+$0xC0E0]  }
0x2f3: {  	v7 =	vld [tilespmem:s6+$0xE0];
	_ =	sdelay $0x4  }
0x2f4: {  	v6 =	vadd.f32 v7, v6;
	_ =	sdelay $0x1  }
0x2f5: {  	[tilespmem:v5+s26+$0x0] =	vst.idx.msk $0xffff, v6  }
0x2f6: {  	v5 =	vld [tilespmem:s6+$0xC0F0]  }
0x2f7: {  	v6 =	vld [tilespmem:s6+$0xF0];
	_ =	sdelay $0x3  }
0x2f8: {  	s0 =	sadd.s32 s4, s0  }
0x2f9: {  	s0 =	sshll.u32 s0, $0xA;
	v5 =	vadd.f32 v6, v5  }
0x2fa: {  	s2 =	simm.s32 $0x14600;
	s0 =	sadd.s32 s1, s0  }
0x2fb: {  	s7 =	simm.s32 $0x14688;
	s8 =	sadd.s32 $0x0, s0;
	s6 =	simm.s32 $0x10;
	[tilespmem:v4+s26+$0x0] =	vst.idx.msk $0xffff, v5  }
.LBB2_25:
0x2fc: {  	[hbm4b:s8+s3] =	stream.linear.scatter [tilespmem:s2], [sflag:$0x8], $0x80, $0x38;
	[tilespmem:$0x16800] =	vst v63  }
0x2fd: {  	s8 =	smov.u32 s6;
	s2 =	smov.u32 s7;
	p0 =	sne.s32 s6, $0x3F0  }
.Ltmp13:
0x2fe: {  	s6 =	sadd.s32 $0x10, s6;
	(pc) =	sbr.rel @p0 .LBB2_25-.Ltmp13, $2  }
0x2ff: {  	_ =	sdelay $0x2  }
0x300: {  	s7 =	sadd.s32 $0x88, s7;
	s8 =	sadd.s32 s8, s0  }
0x301: {  	s31 =	sadd.s32 $0x1, s31  }
0x302: {  	p0 =	sne.s32 s31, $0x20  }
.Ltmp14:
0x303: {  	_ = 	snop;
	(pc) =	sbr.rel @p0 .LBB2_2-.Ltmp14, $2  }
0x304: {  	_ =	sdelay $0x2  }
0x305: {  	[hbm4b:s8+s3] =	stream.linear.scatter [tilespmem:s2], [sflag:$0x8], $0x80, $0x38;
	[tilespmem:$0x16800] =	vst v63  }
0x306: {  	s0 =	simm.s32 $0x5  }
0x307: {  	_ =	swait.ge [sflag:s0], $0x2000  }
0x308: {  	[sflag:s0] =	ssyncset.done $0x0  }
0x309: {  	s29 =	simm.s32 $0x6;
	[sflag:s0] =	ssyncadd.s32 $0xFFFFE000  }
0x30a: {  	_ =	swait.ge [sflag:s29], $0x2000  }
0x30b: {  	[sflag:s29] =	ssyncset.done $0x0  }
0x30c: {  	[sflag:s29] =	ssyncadd.s32 $0xFFFFE000  }
0x30d: {  	_ =	swait.ge [sflag:s22], $0x2000  }
0x30e: {  	[sflag:s22] =	ssyncset.done $0x0  }
0x30f: {  	[sflag:s22] =	ssyncadd.s32 $0xFFFFE000  }
0x310: {  	_ =	swait.ge [sflag:s25], $0x2000  }
0x311: {  	s30 =	sadd.s32 $0x1, s30;
	s31 =	rddreg [dreg:$0x6]  }
0x312: {  	p0 =	sne.s32 s30, s31  }
.Ltmp15:
0x313: {  	_ = 	snop;
	(pc) =	sbr.rel @p0 .LBB2_1-.Ltmp15, $3  }
0x314: {  	_ =	sdelay $0x1  }
0x315: {  	[sflag:s25] =	ssyncset.done $0x0  }
0x316: {  	[sflag:s25] =	ssyncadd.s32 $0xFFFFE000  }
0x317: {  	_ =	sfence.sel $0x180000  }
0x318: {  	[bflag:$0x0] =	sbarrier.arrive $0xFFFF  }
0x319: {  	_ =	strace $0x90000047  }
0x31a: {  	s0 =	stileid.u32;
	[bflag:$0x2] =	sbarrier.arrive $0xFFFF  }
0x31b: {  	p0 =	sne.s32 s0, $0x0;
	s0 =	rddreg [dreg:$0x3]  }
0x31c: {  	s0 =	sadd.s32 @!p0 $0x100000, s0  }
0x31d: {  	[sflag:s0] =	ssyncadd.tile.s32 @!p0 $0x1;
	_ =	shalt  }
.Lfunc_end2:
_tile_overlayer_lowered:
.L_overlay_start_2:
0x31e: {  	(tag) =	ssettag $0x2  }
0x31f: {  	s0 =	rddreg [dreg:$0x0];
	s2 =	stileid.u32  }
0x320: {  	s1 =	rddreg [dreg:$0x1];
	p0 =	sne.s32 s2, $0x0  }
0x321: {  	s3 =	rddreg [dreg:$0x2];
	[bflag:$0x3] =	sbarrier.arrive $0xFFFF;
	s2 =	simm.s32 @!p0 $0x1C09  }
0x322: {  	[timem:s3], [sflag:s2] =	dma.local @!p0 [hbm:s0], s1  }
0x323: {  	s0 =	simm.s32 @!p0 $0x9  }
0x324: {  	_ =	swait.ge @!p0 [sflag:s0], s1  }
0x325: {  	s1 =	ssub.s32 @!p0 $0x0, s1;
	[sflag:s0] =	ssyncset.done @!p0 $0x0  }
0x326: {  	[sflag:s0] =	ssyncadd.s32 @!p0 s1  }
0x327: {  	[bflag:$0x3] =	sbarrier.arrive $0xFFFF  }
0x328: {  	_ =	shalt  }

</sc_bundles>
